<compile_context>
chip_gen: v7x
topology: tpu7x:2x2x1
jax: 0.10.2.dev20260603
libtpu: 0.0.44.dev20260713+nightly
codegen_flags: <defaults>
</compile_context>

<pallas_src>
import functools

import jax
import jax.numpy as jnp
from jax import lax
from jax.experimental import pallas as pl
from jax.experimental.pallas import tpu as pltpu
from jax.experimental.pallas import tpu_sc as plsc

_DP = 128



def _make_gather_sum(V, D, B, C):
    info = plsc.get_sparse_core_info()
    NC, NS, L = info.num_cores, info.num_subcores, info.num_lanes
    NW = NC * NS
    assert B % NW == 0 and (B // NW) % 8 == 0
    assert D % L == 0
    b_per_w = B // NW
    slices_per_row = D // L
    mesh = plsc.VectorSubcoreMesh(core_axis_name="c", subcore_axis_name="s")

    @functools.partial(
        pl.kernel,
        mesh=mesh,
        out_type=jax.ShapeDtypeStruct((B, _DP), jnp.float32),
        scratch_types=[
            pltpu.VMEM((C, b_per_w), jnp.int32),
            pltpu.VMEM((b_per_w, _DP), jnp.float32),
            pltpu.VMEM((b_per_w, _DP), jnp.float32),
            pltpu.VMEM((b_per_w, _DP), jnp.float32),
            pltpu.SemaphoreType.DMA,
            pltpu.SemaphoreType.DMA,
            pltpu.SemaphoreType.DMA,
        ],
    )
    def gather_sum(ctx_hbm, table_hbm, out_hbm, idx_v, acc_v, buf0, buf1,
                   sem0, sem1, sem_a):
        wid = lax.axis_index("s") * NC + lax.axis_index("c")
        base = wid * b_per_w
        pltpu.sync_copy(ctx_hbm.at[wid], idx_v)

        bufs = (buf0, buf1)
        sems = (sem0, sem1)

        def add_into_acc(src):
            def row_body(i, _):
                for jj in range(slices_per_row):
                    sl = pl.ds(jj * L, L)
                    acc_v[i, sl] = acc_v[i, sl] + src[i, sl]
                return 0
            lax.fori_loop(0, b_per_w, row_body, 0)

        c0 = pltpu.async_copy(table_hbm.at[idx_v.at[0]], acc_v, sem_a)
        copies = [c0]
        for j in range(1, C):
            nb = bufs[(j - 1) % 2]
            copies.append(
                pltpu.async_copy(table_hbm.at[idx_v.at[j]], nb,
                                 sems[(j - 1) % 2]))
            copies[j - 1].wait()
            if j >= 2:
                add_into_acc(bufs[j % 2])
        copies[C - 1].wait()
        if C >= 2:
            add_into_acc(bufs[C % 2])
        pltpu.sync_copy(acc_v, out_hbm.at[pl.ds(base, b_per_w)])

    return gather_sum



_BN = 512


def _mm_body(w_ref, ctx_ref, b_ref, out_ref):
    out_ref[...] = (
        lax.dot_general(w_ref[...], ctx_ref[...],
                        dimension_numbers=(((0,), (1,)), ((), ())),
                        preferred_element_type=jnp.float32)
        + b_ref[...]
    )


def _matmul_bias_t(ctx_sum, dense_w, dense_b_col):
    B, D = ctx_sum.shape
    N = dense_w.shape[1]
    nblocks = pl.cdiv(N, _BN)
    return pl.pallas_call(
        _mm_body,
        grid=(nblocks,),
        in_specs=[
            pl.BlockSpec((D, _BN), lambda n: (0, n)),
            pl.BlockSpec((B, D), lambda n: (0, 0)),
            pl.BlockSpec((_BN, 1), lambda n: (n, 0)),
        ],
        out_specs=pl.BlockSpec((_BN, B), lambda n: (n, 0)),
        out_shape=jax.ShapeDtypeStruct((N, B), jnp.float32),
    )(dense_w, ctx_sum, dense_b_col)


def kernel(context, emb_table, dense_w, dense_b):
    B, C = context.shape
    V, D = emb_table.shape
    N = dense_w.shape[1]
    info = plsc.get_sparse_core_info()
    NW = info.num_cores * info.num_subcores
    b_per_w = B // NW
    ctx_r = (context.astype(jnp.int32)
             .T.reshape(C, NW, b_per_w).transpose(1, 0, 2))
    table_p = jnp.pad(emb_table, ((0, 0), (0, _DP - D)))
    gather_sum = _make_gather_sum(V, D, B, C)
    ctx_sum = gather_sum(ctx_r, table_p)[:, :D]
    logits_t = _matmul_bias_t(ctx_sum, dense_w, dense_b.reshape(N, 1))
    return logits_t.T

# --- scband reference (transcript-rebuilt; emitter-appended) ---
"""Pipeline reference for scband-cbow-9259949491049 (READ-ONLY COPY).

The authoritative reference and input builder live on the scoring server;
editing this copy changes nothing except your own understanding.
"""

import jax, jax.numpy as jnp
import numpy as np

VOCAB = 100000
EMBED = 64
BATCH = 4096
CTX = 20

def setup_inputs(seed: int = 0) -> dict:
    key = jax.random.key(seed)
    k1, k2, k3, k4 = jax.random.split(key, 4)
    context = jax.random.randint(k1, (BATCH, CTX), 0, VOCAB, dtype=jnp.int64 if jax.config.jax_enable_x64 else jnp.int32)
    # learned parameters
    emb_table = jax.random.normal(k2, (VOCAB, EMBED), dtype=jnp.float32) * 0.05
    dense_w = jax.random.normal(k3, (EMBED, VOCAB + 1), dtype=jnp.float32) * 0.05
    dense_b = jnp.zeros((VOCAB + 1,), dtype=jnp.float32)
    return {"context": context, "emb_table": emb_table, "dense_w": dense_w, "dense_b": dense_b}

def reference(context, emb_table, dense_w, dense_b):
    # Embedding lookup: [B, CTX] -> [B, CTX, EMBED]
    context_emb = jnp.take(emb_table, context, axis=0)
    # Sum over context window: [B, EMBED]
    context_sum = jnp.sum(context_emb, axis=1)
    # Dense projection to vocab_size + 1 logits
    logits = context_sum @ dense_w + dense_b
    return logits

if __name__ == "__main__":
    import jax
    _d = setup_inputs()
    print(jax.jit(kernel)(*tuple(_d.values())))

</pallas_src>

<mosaic_0001>
#map = affine_map<(d0, d1) -> (0, 0, 0)>
#map1 = affine_map<(d0, d1) -> (0, 0)>
module attributes {stable_mosaic.version = 14 : i64} {
  func.func @gather_sum(%arg0: i32, %arg1: i32, %arg2: memref<32x20x128xi32, #tpu.memory_space<hbm>>, %arg3: memref<100000x128xf32, #tpu.memory_space<hbm>>, %arg4: memref<4096x128xf32, #tpu.memory_space<hbm>>, %arg5: memref<20x128xi32, #tpu.memory_space<vmem>>, %arg6: memref<128x128xf32, #tpu.memory_space<vmem>>, %arg7: memref<128x128xf32, #tpu.memory_space<vmem>>, %arg8: memref<128x128xf32, #tpu.memory_space<vmem>>, %arg9: memref<!tpu.dma_semaphore, #tpu.memory_space<semaphore_mem>>, %arg10: memref<!tpu.dma_semaphore, #tpu.memory_space<semaphore_mem>>, %arg11: memref<!tpu.dma_semaphore, #tpu.memory_space<semaphore_mem>>) attributes {dimension_semantics = [#tpu.dimension_semantics<core_parallel>, #tpu.dimension_semantics<subcore_parallel>], iteration_bounds = array<i64: 2, 16>, scalar_prefetch = 0 : i64, scratch_operands = 7 : i64, tpu.core_type = #tpu.core_type<sc_vector_subcore>, window_params = [{transform_indices = #map}, {transform_indices = #map1}, {transform_indices = #map1}]} {
    %mul3A = arith.constant 2 : i32
    %mul3A_0 = arith.muli %arg1, %mul3A : i32
    %add3A = arith.addi %mul3A_0, %arg0 : i32
    %mul3A_1 = arith.constant 128 : i32
    %mul3A_2 = arith.muli %add3A, %mul3A_1 : i32
    "tpu.region"() ({
      %run_scoped3A = tpu.sem_alloc : memref<!tpu.dma_semaphore, #tpu.memory_space<semaphore_mem>>
      %dma_start3A_413 = arith.constant 0 : i32
      %dma_start3A_414 = arith.constant 0 : i32
      %dma_start3A_415 = tpu.memref_slice %arg2[%add3A, %dma_start3A_413, %dma_start3A_414] : memref<32x20x128xi32, #tpu.memory_space<hbm>> -> memref<1x20x128xi32, #tpu.memory_space<hbm>>
      %dma_start3A_416 = tpu.memref_squeeze %dma_start3A_415 : memref<1x20x128xi32, #tpu.memory_space<hbm>> -> memref<20x128xi32, #tpu.memory_space<hbm>>
      %dma_start3A_417 = arith.constant 0 : i32
      %dma_start3A_418 = arith.constant 0 : i32
      %dma_start3A_419 = tpu.memref_slice %arg2[%add3A, %dma_start3A_417, %dma_start3A_418] : memref<32x20x128xi32, #tpu.memory_space<hbm>> -> memref<1x20x128xi32, #tpu.memory_space<hbm>>
      %dma_start3A_420 = tpu.memref_squeeze %dma_start3A_419 : memref<1x20x128xi32, #tpu.memory_space<hbm>> -> memref<20x128xi32, #tpu.memory_space<hbm>>
      tpu.enqueue_dma source(%dma_start3A_420 : memref<20x128xi32, #tpu.memory_space<hbm>>) target(%arg5 : memref<20x128xi32, #tpu.memory_space<vmem>>) target_semaphore(%run_scoped3A : memref<!tpu.dma_semaphore, #tpu.memory_space<semaphore_mem>>)
      %dma_wait3A_421 = arith.constant 0 : i32
      %dma_wait3A_422 = arith.constant 0 : i32
      %dma_wait3A_423 = tpu.memref_slice %arg2[%add3A, %dma_wait3A_421, %dma_wait3A_422] : memref<32x20x128xi32, #tpu.memory_space<hbm>> -> memref<1x20x128xi32, #tpu.memory_space<hbm>>
      %dma_wait3A_424 = tpu.memref_squeeze %dma_wait3A_423 : memref<1x20x128xi32, #tpu.memory_space<hbm>> -> memref<20x128xi32, #tpu.memory_space<hbm>>
      %dma_wait3A_425 = arith.constant 0 : i32
      %dma_wait3A_426 = arith.constant 0 : i32
      %dma_wait3A_427 = tpu.memref_slice %arg2[%add3A, %dma_wait3A_425, %dma_wait3A_426] : memref<32x20x128xi32, #tpu.memory_space<hbm>> -> memref<1x20x128xi32, #tpu.memory_space<hbm>>
      %dma_wait3A_428 = tpu.memref_squeeze %dma_wait3A_427 : memref<1x20x128xi32, #tpu.memory_space<hbm>> -> memref<20x128xi32, #tpu.memory_space<hbm>>
      tpu.wait_dma2 semaphore(%run_scoped3A : memref<!tpu.dma_semaphore, #tpu.memory_space<semaphore_mem>>) src(%dma_wait3A_428 : memref<20x128xi32, #tpu.memory_space<hbm>>) dst(%arg5 : memref<20x128xi32, #tpu.memory_space<vmem>>)
      tpu.yield
    }) : () -> ()
    %dma_start3A = arith.constant 0 : i32
    %dma_start3A_3 = arith.constant 0 : i32
    %dma_start3A_4 = tpu.memref_slice %arg5[%dma_start3A, %dma_start3A_3] : memref<20x128xi32, #tpu.memory_space<vmem>> -> memref<1x128xi32, #tpu.memory_space<vmem>>
    %dma_start3A_5 = tpu.memref_squeeze %dma_start3A_4 : memref<1x128xi32, #tpu.memory_space<vmem>> -> memref<128xi32, #tpu.memory_space<vmem>>
    %dma_start3A_6 = arith.constant 0 : i32
    %dma_start3A_7 = arith.constant 0 : i32
    %dma_start3A_8 = tpu.memref_slice %arg3[%dma_start3A_6, %dma_start3A_7] : memref<100000x128xf32, #tpu.memory_space<hbm>> -> memref<100000x128xf32, #tpu.memory_space<hbm>>
    tpu.enqueue_indirect_dma source(%dma_start3A_8 : memref<100000x128xf32, #tpu.memory_space<hbm>>) target(%arg6 : memref<128x128xf32, #tpu.memory_space<vmem>>) offsets(%dma_start3A_5 : memref<128xi32, #tpu.memory_space<vmem>>) semaphore(%arg11 : memref<!tpu.dma_semaphore, #tpu.memory_space<semaphore_mem>>)
    %dma_start3A_9 = arith.constant 1 : i32
    %dma_start3A_10 = arith.constant 0 : i32
    %dma_start3A_11 = tpu.memref_slice %arg5[%dma_start3A_9, %dma_start3A_10] : memref<20x128xi32, #tpu.memory_space<vmem>> -> memref<1x128xi32, #tpu.memory_space<vmem>>
    %dma_start3A_12 = tpu.memref_squeeze %dma_start3A_11 : memref<1x128xi32, #tpu.memory_space<vmem>> -> memref<128xi32, #tpu.memory_space<vmem>>
    %dma_start3A_13 = arith.constant 0 : i32
    %dma_start3A_14 = arith.constant 0 : i32
    %dma_start3A_15 = tpu.memref_slice %arg3[%dma_start3A_13, %dma_start3A_14] : memref<100000x128xf32, #tpu.memory_space<hbm>> -> memref<100000x128xf32, #tpu.memory_space<hbm>>
    tpu.enqueue_indirect_dma source(%dma_start3A_15 : memref<100000x128xf32, #tpu.memory_space<hbm>>) target(%arg7 : memref<128x128xf32, #tpu.memory_space<vmem>>) offsets(%dma_start3A_12 : memref<128xi32, #tpu.memory_space<vmem>>) semaphore(%arg9 : memref<!tpu.dma_semaphore, #tpu.memory_space<semaphore_mem>>)
    %dma_wait3A = arith.constant 0 : i32
    %dma_wait3A_16 = arith.constant 0 : i32
    %dma_wait3A_17 = tpu.memref_slice %arg5[%dma_wait3A, %dma_wait3A_16] : memref<20x128xi32, #tpu.memory_space<vmem>> -> memref<1x128xi32, #tpu.memory_space<vmem>>
    %dma_wait3A_18 = tpu.memref_squeeze %dma_wait3A_17 : memref<1x128xi32, #tpu.memory_space<vmem>> -> memref<128xi32, #tpu.memory_space<vmem>>
    %dma_wait3A_19 = arith.constant 0 : i32
    %dma_wait3A_20 = arith.constant 0 : i32
    %dma_wait3A_21 = tpu.memref_slice %arg3[%dma_wait3A_19, %dma_wait3A_20] : memref<100000x128xf32, #tpu.memory_space<hbm>> -> memref<100000x128xf32, #tpu.memory_space<hbm>>
    tpu.wait_indirect_dma semaphore(%arg11 : memref<!tpu.dma_semaphore, #tpu.memory_space<semaphore_mem>>) src(%dma_wait3A_21 : memref<100000x128xf32, #tpu.memory_space<hbm>>) dst(%arg6 : memref<128x128xf32, #tpu.memory_space<vmem>>)
    %dma_start3A_22 = arith.constant 2 : i32
    %dma_start3A_23 = arith.constant 0 : i32
    %dma_start3A_24 = tpu.memref_slice %arg5[%dma_start3A_22, %dma_start3A_23] : memref<20x128xi32, #tpu.memory_space<vmem>> -> memref<1x128xi32, #tpu.memory_space<vmem>>
    %dma_start3A_25 = tpu.memref_squeeze %dma_start3A_24 : memref<1x128xi32, #tpu.memory_space<vmem>> -> memref<128xi32, #tpu.memory_space<vmem>>
    %dma_start3A_26 = arith.constant 0 : i32
    %dma_start3A_27 = arith.constant 0 : i32
    %dma_start3A_28 = tpu.memref_slice %arg3[%dma_start3A_26, %dma_start3A_27] : memref<100000x128xf32, #tpu.memory_space<hbm>> -> memref<100000x128xf32, #tpu.memory_space<hbm>>
    tpu.enqueue_indirect_dma source(%dma_start3A_28 : memref<100000x128xf32, #tpu.memory_space<hbm>>) target(%arg8 : memref<128x128xf32, #tpu.memory_space<vmem>>) offsets(%dma_start3A_25 : memref<128xi32, #tpu.memory_space<vmem>>) semaphore(%arg10 : memref<!tpu.dma_semaphore, #tpu.memory_space<semaphore_mem>>)
    %dma_wait3A_29 = arith.constant 1 : i32
    %dma_wait3A_30 = arith.constant 0 : i32
    %dma_wait3A_31 = tpu.memref_slice %arg5[%dma_wait3A_29, %dma_wait3A_30] : memref<20x128xi32, #tpu.memory_space<vmem>> -> memref<1x128xi32, #tpu.memory_space<vmem>>
    %dma_wait3A_32 = tpu.memref_squeeze %dma_wait3A_31 : memref<1x128xi32, #tpu.memory_space<vmem>> -> memref<128xi32, #tpu.memory_space<vmem>>
    %dma_wait3A_33 = arith.constant 0 : i32
    %dma_wait3A_34 = arith.constant 0 : i32
    %dma_wait3A_35 = tpu.memref_slice %arg3[%dma_wait3A_33, %dma_wait3A_34] : memref<100000x128xf32, #tpu.memory_space<hbm>> -> memref<100000x128xf32, #tpu.memory_space<hbm>>
    tpu.wait_indirect_dma semaphore(%arg9 : memref<!tpu.dma_semaphore, #tpu.memory_space<semaphore_mem>>) src(%dma_wait3A_35 : memref<100000x128xf32, #tpu.memory_space<hbm>>) dst(%arg7 : memref<128x128xf32, #tpu.memory_space<vmem>>)
    %scan3A = arith.constant 0 : i32
    %scan3A_36 = arith.constant 0 : i32
    %scan3A_37 = arith.constant 128 : i32
    %scan3A_38 = arith.addi %scan3A_36, %scan3A_37 : i32
    %scan3A_39 = arith.constant 1 : i32
    %scan3A_40 = scf.for %scan3A_413 = %scan3A_36 to %scan3A_38 step %scan3A_39 iter_args(%scan3A_414 = %scan3A) -> (i32)  : i32 {
      %get3A = arith.index_cast %scan3A_413 : i32 to index
      %get3A_415 = arith.constant 0 : index
      %get3A_416 = tpu.vector_load %arg6[%get3A, %get3A_415] {strides = array<i32>} : memref<128x128xf32, #tpu.memory_space<vmem>>, vector<1x16xf32>,
      %get3A_417 = vector.shape_cast %get3A_416 : vector<1x16xf32> to vector<16xf32>
      %get3A_418 = arith.index_cast %scan3A_413 : i32 to index
      %get3A_419 = arith.constant 0 : index
      %get3A_420 = tpu.vector_load %arg7[%get3A_418, %get3A_419] {strides = array<i32>} : memref<128x128xf32, #tpu.memory_space<vmem>>, vector<1x16xf32>,
      %get3A_421 = vector.shape_cast %get3A_420 : vector<1x16xf32> to vector<16xf32>
      %add3A_422 = arith.addf %get3A_417, %get3A_421 : vector<16xf32>
      %swap3A = arith.index_cast %scan3A_413 : i32 to index
      %swap3A_423 = arith.constant 0 : index
      %swap3A_424 = tpu.vector_load %arg6[%swap3A, %swap3A_423] {strides = array<i32>} : memref<128x128xf32, #tpu.memory_space<vmem>>, vector<1x16xf32>,
      %swap3A_425 = vector.shape_cast %swap3A_424 : vector<1x16xf32> to vector<16xf32>
      %swap3A_426 = vector.shape_cast %add3A_422 : vector<16xf32> to vector<1x16xf32>
      tpu.vector_store %arg6[%swap3A, %swap3A_423], %swap3A_426 {strides = array<i32>} : memref<128x128xf32, #tpu.memory_space<vmem>>, vector<1x16xf32>,
      %get3A_427 = arith.index_cast %scan3A_413 : i32 to index
      %get3A_428 = arith.constant 16 : index
      %get3A_429 = tpu.vector_load %arg6[%get3A_427, %get3A_428] {strides = array<i32>} : memref<128x128xf32, #tpu.memory_space<vmem>>, vector<1x16xf32>,
      %get3A_430 = vector.shape_cast %get3A_429 : vector<1x16xf32> to vector<16xf32>
      %get3A_431 = arith.index_cast %scan3A_413 : i32 to index
      %get3A_432 = arith.constant 16 : index
      %get3A_433 = tpu.vector_load %arg7[%get3A_431, %get3A_432] {strides = array<i32>} : memref<128x128xf32, #tpu.memory_space<vmem>>, vector<1x16xf32>,
      %get3A_434 = vector.shape_cast %get3A_433 : vector<1x16xf32> to vector<16xf32>
      %add3A_435 = arith.addf %get3A_430, %get3A_434 : vector<16xf32>
      %swap3A_436 = arith.index_cast %scan3A_413 : i32 to index
      %swap3A_437 = arith.constant 16 : index
      %swap3A_438 = tpu.vector_load %arg6[%swap3A_436, %swap3A_437] {strides = array<i32>} : memref<128x128xf32, #tpu.memory_space<vmem>>, vector<1x16xf32>,
      %swap3A_439 = vector.shape_cast %swap3A_438 : vector<1x16xf32> to vector<16xf32>
      %swap3A_440 = vector.shape_cast %add3A_435 : vector<16xf32> to vector<1x16xf32>
      tpu.vector_store %arg6[%swap3A_436, %swap3A_437], %swap3A_440 {strides = array<i32>} : memref<128x128xf32, #tpu.memory_space<vmem>>, vector<1x16xf32>,
      %get3A_441 = arith.index_cast %scan3A_413 : i32 to index
      %get3A_442 = arith.constant 32 : index
      %get3A_443 = tpu.vector_load %arg6[%get3A_441, %get3A_442] {strides = array<i32>} : memref<128x128xf32, #tpu.memory_space<vmem>>, vector<1x16xf32>,
      %get3A_444 = vector.shape_cast %get3A_443 : vector<1x16xf32> to vector<16xf32>
      %get3A_445 = arith.index_cast %scan3A_413 : i32 to index
      %get3A_446 = arith.constant 32 : index
      %get3A_447 = tpu.vector_load %arg7[%get3A_445, %get3A_446] {strides = array<i32>} : memref<128x128xf32, #tpu.memory_space<vmem>>, vector<1x16xf32>,
      %get3A_448 = vector.shape_cast %get3A_447 : vector<1x16xf32> to vector<16xf32>
      %add3A_449 = arith.addf %get3A_444, %get3A_448 : vector<16xf32>
      %swap3A_450 = arith.index_cast %scan3A_413 : i32 to index
      %swap3A_451 = arith.constant 32 : index
      %swap3A_452 = tpu.vector_load %arg6[%swap3A_450, %swap3A_451] {strides = array<i32>} : memref<128x128xf32, #tpu.memory_space<vmem>>, vector<1x16xf32>,
      %swap3A_453 = vector.shape_cast %swap3A_452 : vector<1x16xf32> to vector<16xf32>
      %swap3A_454 = vector.shape_cast %add3A_449 : vector<16xf32> to vector<1x16xf32>
      tpu.vector_store %arg6[%swap3A_450, %swap3A_451], %swap3A_454 {strides = array<i32>} : memref<128x128xf32, #tpu.memory_space<vmem>>, vector<1x16xf32>,
      %get3A_455 = arith.index_cast %scan3A_413 : i32 to index
      %get3A_456 = arith.constant 48 : index
      %get3A_457 = tpu.vector_load %arg6[%get3A_455, %get3A_456] {strides = array<i32>} : memref<128x128xf32, #tpu.memory_space<vmem>>, vector<1x16xf32>,
      %get3A_458 = vector.shape_cast %get3A_457 : vector<1x16xf32> to vector<16xf32>
      %get3A_459 = arith.index_cast %scan3A_413 : i32 to index
      %get3A_460 = arith.constant 48 : index
      %get3A_461 = tpu.vector_load %arg7[%get3A_459, %get3A_460] {strides = array<i32>} : memref<128x128xf32, #tpu.memory_space<vmem>>, vector<1x16xf32>,
      %get3A_462 = vector.shape_cast %get3A_461 : vector<1x16xf32> to vector<16xf32>
      %add3A_463 = arith.addf %get3A_458, %get3A_462 : vector<16xf32>
      %swap3A_464 = arith.index_cast %scan3A_413 : i32 to index
      %swap3A_465 = arith.constant 48 : index
      %swap3A_466 = tpu.vector_load %arg6[%swap3A_464, %swap3A_465] {strides = array<i32>} : memref<128x128xf32, #tpu.memory_space<vmem>>, vector<1x16xf32>,
      %swap3A_467 = vector.shape_cast %swap3A_466 : vector<1x16xf32> to vector<16xf32>
      %swap3A_468 = vector.shape_cast %add3A_463 : vector<16xf32> to vector<1x16xf32>
      tpu.vector_store %arg6[%swap3A_464, %swap3A_465], %swap3A_468 {strides = array<i32>} : memref<128x128xf32, #tpu.memory_space<vmem>>, vector<1x16xf32>,
      %scan3A_469 = arith.constant 0 : i32
      scf.yield %scan3A_469 : i32
    }
    %scan3A_41 = arith.constant 128 : i32
    %dma_start3A_42 = arith.constant 3 : i32
    %dma_start3A_43 = arith.constant 0 : i32
    %dma_start3A_44 = tpu.memref_slice %arg5[%dma_start3A_42, %dma_start3A_43] : memref<20x128xi32, #tpu.memory_space<vmem>> -> memref<1x128xi32, #tpu.memory_space<vmem>>
    %dma_start3A_45 = tpu.memref_squeeze %dma_start3A_44 : memref<1x128xi32, #tpu.memory_space<vmem>> -> memref<128xi32, #tpu.memory_space<vmem>>
    %dma_start3A_46 = arith.constant 0 : i32
    %dma_start3A_47 = arith.constant 0 : i32
    %dma_start3A_48 = tpu.memref_slice %arg3[%dma_start3A_46, %dma_start3A_47] : memref<100000x128xf32, #tpu.memory_space<hbm>> -> memref<100000x128xf32, #tpu.memory_space<hbm>>
    tpu.enqueue_indirect_dma source(%dma_start3A_48 : memref<100000x128xf32, #tpu.memory_space<hbm>>) target(%arg7 : memref<128x128xf32, #tpu.memory_space<vmem>>) offsets(%dma_start3A_45 : memref<128xi32, #tpu.memory_space<vmem>>) semaphore(%arg9 : memref<!tpu.dma_semaphore, #tpu.memory_space<semaphore_mem>>)
    %dma_wait3A_49 = arith.constant 2 : i32
    %dma_wait3A_50 = arith.constant 0 : i32
    %dma_wait3A_51 = tpu.memref_slice %arg5[%dma_wait3A_49, %dma_wait3A_50] : memref<20x128xi32, #tpu.memory_space<vmem>> -> memref<1x128xi32, #tpu.memory_space<vmem>>
    %dma_wait3A_52 = tpu.memref_squeeze %dma_wait3A_51 : memref<1x128xi32, #tpu.memory_space<vmem>> -> memref<128xi32, #tpu.memory_space<vmem>>
    %dma_wait3A_53 = arith.constant 0 : i32
    %dma_wait3A_54 = arith.constant 0 : i32
    %dma_wait3A_55 = tpu.memref_slice %arg3[%dma_wait3A_53, %dma_wait3A_54] : memref<100000x128xf32, #tpu.memory_space<hbm>> -> memref<100000x128xf32, #tpu.memory_space<hbm>>
    tpu.wait_indirect_dma semaphore(%arg10 : memref<!tpu.dma_semaphore, #tpu.memory_space<semaphore_mem>>) src(%dma_wait3A_55 : memref<100000x128xf32, #tpu.memory_space<hbm>>) dst(%arg8 : memref<128x128xf32, #tpu.memory_space<vmem>>)
    %scan3A_56 = arith.constant 0 : i32
    %scan3A_57 = arith.constant 0 : i32
    %scan3A_58 = arith.constant 128 : i32
    %scan3A_59 = arith.addi %scan3A_57, %scan3A_58 : i32
    %scan3A_60 = arith.constant 1 : i32
    %scan3A_61 = scf.for %scan3A_413 = %scan3A_57 to %scan3A_59 step %scan3A_60 iter_args(%scan3A_414 = %scan3A_56) -> (i32)  : i32 {
      %get3A = arith.index_cast %scan3A_413 : i32 to index
      %get3A_415 = arith.constant 0 : index
      %get3A_416 = tpu.vector_load %arg6[%get3A, %get3A_415] {strides = array<i32>} : memref<128x128xf32, #tpu.memory_space<vmem>>, vector<1x16xf32>,
      %get3A_417 = vector.shape_cast %get3A_416 : vector<1x16xf32> to vector<16xf32>
      %get3A_418 = arith.index_cast %scan3A_413 : i32 to index
      %get3A_419 = arith.constant 0 : index
      %get3A_420 = tpu.vector_load %arg8[%get3A_418, %get3A_419] {strides = array<i32>} : memref<128x128xf32, #tpu.memory_space<vmem>>, vector<1x16xf32>,
      %get3A_421 = vector.shape_cast %get3A_420 : vector<1x16xf32> to vector<16xf32>
      %add3A_422 = arith.addf %get3A_417, %get3A_421 : vector<16xf32>
      %swap3A = arith.index_cast %scan3A_413 : i32 to index
      %swap3A_423 = arith.constant 0 : index
      %swap3A_424 = tpu.vector_load %arg6[%swap3A, %swap3A_423] {strides = array<i32>} : memref<128x128xf32, #tpu.memory_space<vmem>>, vector<1x16xf32>,
      %swap3A_425 = vector.shape_cast %swap3A_424 : vector<1x16xf32> to vector<16xf32>
      %swap3A_426 = vector.shape_cast %add3A_422 : vector<16xf32> to vector<1x16xf32>
      tpu.vector_store %arg6[%swap3A, %swap3A_423], %swap3A_426 {strides = array<i32>} : memref<128x128xf32, #tpu.memory_space<vmem>>, vector<1x16xf32>,
      %get3A_427 = arith.index_cast %scan3A_413 : i32 to index
      %get3A_428 = arith.constant 16 : index
      %get3A_429 = tpu.vector_load %arg6[%get3A_427, %get3A_428] {strides = array<i32>} : memref<128x128xf32, #tpu.memory_space<vmem>>, vector<1x16xf32>,
      %get3A_430 = vector.shape_cast %get3A_429 : vector<1x16xf32> to vector<16xf32>
      %get3A_431 = arith.index_cast %scan3A_413 : i32 to index
      %get3A_432 = arith.constant 16 : index
      %get3A_433 = tpu.vector_load %arg8[%get3A_431, %get3A_432] {strides = array<i32>} : memref<128x128xf32, #tpu.memory_space<vmem>>, vector<1x16xf32>,
      %get3A_434 = vector.shape_cast %get3A_433 : vector<1x16xf32> to vector<16xf32>
      %add3A_435 = arith.addf %get3A_430, %get3A_434 : vector<16xf32>
      %swap3A_436 = arith.index_cast %scan3A_413 : i32 to index
      %swap3A_437 = arith.constant 16 : index
      %swap3A_438 = tpu.vector_load %arg6[%swap3A_436, %swap3A_437] {strides = array<i32>} : memref<128x128xf32, #tpu.memory_space<vmem>>, vector<1x16xf32>,
      %swap3A_439 = vector.shape_cast %swap3A_438 : vector<1x16xf32> to vector<16xf32>
      %swap3A_440 = vector.shape_cast %add3A_435 : vector<16xf32> to vector<1x16xf32>
      tpu.vector_store %arg6[%swap3A_436, %swap3A_437], %swap3A_440 {strides = array<i32>} : memref<128x128xf32, #tpu.memory_space<vmem>>, vector<1x16xf32>,
      %get3A_441 = arith.index_cast %scan3A_413 : i32 to index
      %get3A_442 = arith.constant 32 : index
      %get3A_443 = tpu.vector_load %arg6[%get3A_441, %get3A_442] {strides = array<i32>} : memref<128x128xf32, #tpu.memory_space<vmem>>, vector<1x16xf32>,
      %get3A_444 = vector.shape_cast %get3A_443 : vector<1x16xf32> to vector<16xf32>
      %get3A_445 = arith.index_cast %scan3A_413 : i32 to index
      %get3A_446 = arith.constant 32 : index
      %get3A_447 = tpu.vector_load %arg8[%get3A_445, %get3A_446] {strides = array<i32>} : memref<128x128xf32, #tpu.memory_space<vmem>>, vector<1x16xf32>,
      %get3A_448 = vector.shape_cast %get3A_447 : vector<1x16xf32> to vector<16xf32>
      %add3A_449 = arith.addf %get3A_444, %get3A_448 : vector<16xf32>
      %swap3A_450 = arith.index_cast %scan3A_413 : i32 to index
      %swap3A_451 = arith.constant 32 : index
      %swap3A_452 = tpu.vector_load %arg6[%swap3A_450, %swap3A_451] {strides = array<i32>} : memref<128x128xf32, #tpu.memory_space<vmem>>, vector<1x16xf32>,
      %swap3A_453 = vector.shape_cast %swap3A_452 : vector<1x16xf32> to vector<16xf32>
      %swap3A_454 = vector.shape_cast %add3A_449 : vector<16xf32> to vector<1x16xf32>
      tpu.vector_store %arg6[%swap3A_450, %swap3A_451], %swap3A_454 {strides = array<i32>} : memref<128x128xf32, #tpu.memory_space<vmem>>, vector<1x16xf32>,
      %get3A_455 = arith.index_cast %scan3A_413 : i32 to index
      %get3A_456 = arith.constant 48 : index
      %get3A_457 = tpu.vector_load %arg6[%get3A_455, %get3A_456] {strides = array<i32>} : memref<128x128xf32, #tpu.memory_space<vmem>>, vector<1x16xf32>,
      %get3A_458 = vector.shape_cast %get3A_457 : vector<1x16xf32> to vector<16xf32>
      %get3A_459 = arith.index_cast %scan3A_413 : i32 to index
      %get3A_460 = arith.constant 48 : index
      %get3A_461 = tpu.vector_load %arg8[%get3A_459, %get3A_460] {strides = array<i32>} : memref<128x128xf32, #tpu.memory_space<vmem>>, vector<1x16xf32>,
      %get3A_462 = vector.shape_cast %get3A_461 : vector<1x16xf32> to vector<16xf32>
      %add3A_463 = arith.addf %get3A_458, %get3A_462 : vector<16xf32>
      %swap3A_464 = arith.index_cast %scan3A_413 : i32 to index
      %swap3A_465 = arith.constant 48 : index
      %swap3A_466 = tpu.vector_load %arg6[%swap3A_464, %swap3A_465] {strides = array<i32>} : memref<128x128xf32, #tpu.memory_space<vmem>>, vector<1x16xf32>,
      %swap3A_467 = vector.shape_cast %swap3A_466 : vector<1x16xf32> to vector<16xf32>
      %swap3A_468 = vector.shape_cast %add3A_463 : vector<16xf32> to vector<1x16xf32>
      tpu.vector_store %arg6[%swap3A_464, %swap3A_465], %swap3A_468 {strides = array<i32>} : memref<128x128xf32, #tpu.memory_space<vmem>>, vector<1x16xf32>,
      %scan3A_469 = arith.constant 0 : i32
      scf.yield %scan3A_469 : i32
    }
    %scan3A_62 = arith.constant 128 : i32
    %dma_start3A_63 = arith.constant 4 : i32
    %dma_start3A_64 = arith.constant 0 : i32
    %dma_start3A_65 = tpu.memref_slice %arg5[%dma_start3A_63, %dma_start3A_64] : memref<20x128xi32, #tpu.memory_space<vmem>> -> memref<1x128xi32, #tpu.memory_space<vmem>>
    %dma_start3A_66 = tpu.memref_squeeze %dma_start3A_65 : memref<1x128xi32, #tpu.memory_space<vmem>> -> memref<128xi32, #tpu.memory_space<vmem>>
    %dma_start3A_67 = arith.constant 0 : i32
    %dma_start3A_68 = arith.constant 0 : i32
    %dma_start3A_69 = tpu.memref_slice %arg3[%dma_start3A_67, %dma_start3A_68] : memref<100000x128xf32, #tpu.memory_space<hbm>> -> memref<100000x128xf32, #tpu.memory_space<hbm>>
    tpu.enqueue_indirect_dma source(%dma_start3A_69 : memref<100000x128xf32, #tpu.memory_space<hbm>>) target(%arg8 : memref<128x128xf32, #tpu.memory_space<vmem>>) offsets(%dma_start3A_66 : memref<128xi32, #tpu.memory_space<vmem>>) semaphore(%arg10 : memref<!tpu.dma_semaphore, #tpu.memory_space<semaphore_mem>>)
    %dma_wait3A_70 = arith.constant 3 : i32
    %dma_wait3A_71 = arith.constant 0 : i32
    %dma_wait3A_72 = tpu.memref_slice %arg5[%dma_wait3A_70, %dma_wait3A_71] : memref<20x128xi32, #tpu.memory_space<vmem>> -> memref<1x128xi32, #tpu.memory_space<vmem>>
    %dma_wait3A_73 = tpu.memref_squeeze %dma_wait3A_72 : memref<1x128xi32, #tpu.memory_space<vmem>> -> memref<128xi32, #tpu.memory_space<vmem>>
    %dma_wait3A_74 = arith.constant 0 : i32
    %dma_wait3A_75 = arith.constant 0 : i32
    %dma_wait3A_76 = tpu.memref_slice %arg3[%dma_wait3A_74, %dma_wait3A_75] : memref<100000x128xf32, #tpu.memory_space<hbm>> -> memref<100000x128xf32, #tpu.memory_space<hbm>>
    tpu.wait_indirect_dma semaphore(%arg9 : memref<!tpu.dma_semaphore, #tpu.memory_space<semaphore_mem>>) src(%dma_wait3A_76 : memref<100000x128xf32, #tpu.memory_space<hbm>>) dst(%arg7 : memref<128x128xf32, #tpu.memory_space<vmem>>)
    %scan3A_77 = arith.constant 0 : i32
    %scan3A_78 = arith.constant 0 : i32
    %scan3A_79 = arith.constant 128 : i32
    %scan3A_80 = arith.addi %scan3A_78, %scan3A_79 : i32
    %scan3A_81 = arith.constant 1 : i32
    %scan3A_82 = scf.for %scan3A_413 = %scan3A_78 to %scan3A_80 step %scan3A_81 iter_args(%scan3A_414 = %scan3A_77) -> (i32)  : i32 {
      %get3A = arith.index_cast %scan3A_413 : i32 to index
      %get3A_415 = arith.constant 0 : index
      %get3A_416 = tpu.vector_load %arg6[%get3A, %get3A_415] {strides = array<i32>} : memref<128x128xf32, #tpu.memory_space<vmem>>, vector<1x16xf32>,
      %get3A_417 = vector.shape_cast %get3A_416 : vector<1x16xf32> to vector<16xf32>
      %get3A_418 = arith.index_cast %scan3A_413 : i32 to index
      %get3A_419 = arith.constant 0 : index
      %get3A_420 = tpu.vector_load %arg7[%get3A_418, %get3A_419] {strides = array<i32>} : memref<128x128xf32, #tpu.memory_space<vmem>>, vector<1x16xf32>,
      %get3A_421 = vector.shape_cast %get3A_420 : vector<1x16xf32> to vector<16xf32>
      %add3A_422 = arith.addf %get3A_417, %get3A_421 : vector<16xf32>
      %swap3A = arith.index_cast %scan3A_413 : i32 to index
      %swap3A_423 = arith.constant 0 : index
      %swap3A_424 = tpu.vector_load %arg6[%swap3A, %swap3A_423] {strides = array<i32>} : memref<128x128xf32, #tpu.memory_space<vmem>>, vector<1x16xf32>,
      %swap3A_425 = vector.shape_cast %swap3A_424 : vector<1x16xf32> to vector<16xf32>
      %swap3A_426 = vector.shape_cast %add3A_422 : vector<16xf32> to vector<1x16xf32>
      tpu.vector_store %arg6[%swap3A, %swap3A_423], %swap3A_426 {strides = array<i32>} : memref<128x128xf32, #tpu.memory_space<vmem>>, vector<1x16xf32>,
      %get3A_427 = arith.index_cast %scan3A_413 : i32 to index
      %get3A_428 = arith.constant 16 : index
      %get3A_429 = tpu.vector_load %arg6[%get3A_427, %get3A_428] {strides = array<i32>} : memref<128x128xf32, #tpu.memory_space<vmem>>, vector<1x16xf32>,
      %get3A_430 = vector.shape_cast %get3A_429 : vector<1x16xf32> to vector<16xf32>
      %get3A_431 = arith.index_cast %scan3A_413 : i32 to index
      %get3A_432 = arith.constant 16 : index
      %get3A_433 = tpu.vector_load %arg7[%get3A_431, %get3A_432] {strides = array<i32>} : memref<128x128xf32, #tpu.memory_space<vmem>>, vector<1x16xf32>,
      %get3A_434 = vector.shape_cast %get3A_433 : vector<1x16xf32> to vector<16xf32>
      %add3A_435 = arith.addf %get3A_430, %get3A_434 : vector<16xf32>
      %swap3A_436 = arith.index_cast %scan3A_413 : i32 to index
      %swap3A_437 = arith.constant 16 : index
      %swap3A_438 = tpu.vector_load %arg6[%swap3A_436, %swap3A_437] {strides = array<i32>} : memref<128x128xf32, #tpu.memory_space<vmem>>, vector<1x16xf32>,
      %swap3A_439 = vector.shape_cast %swap3A_438 : vector<1x16xf32> to vector<16xf32>
      %swap3A_440 = vector.shape_cast %add3A_435 : vector<16xf32> to vector<1x16xf32>
      tpu.vector_store %arg6[%swap3A_436, %swap3A_437], %swap3A_440 {strides = array<i32>} : memref<128x128xf32, #tpu.memory_space<vmem>>, vector<1x16xf32>,
      %get3A_441 = arith.index_cast %scan3A_413 : i32 to index
      %get3A_442 = arith.constant 32 : index
      %get3A_443 = tpu.vector_load %arg6[%get3A_441, %get3A_442] {strides = array<i32>} : memref<128x128xf32, #tpu.memory_space<vmem>>, vector<1x16xf32>,
      %get3A_444 = vector.shape_cast %get3A_443 : vector<1x16xf32> to vector<16xf32>
      %get3A_445 = arith.index_cast %scan3A_413 : i32 to index
      %get3A_446 = arith.constant 32 : index
      %get3A_447 = tpu.vector_load %arg7[%get3A_445, %get3A_446] {strides = array<i32>} : memref<128x128xf32, #tpu.memory_space<vmem>>, vector<1x16xf32>,
      %get3A_448 = vector.shape_cast %get3A_447 : vector<1x16xf32> to vector<16xf32>
      %add3A_449 = arith.addf %get3A_444, %get3A_448 : vector<16xf32>
      %swap3A_450 = arith.index_cast %scan3A_413 : i32 to index
      %swap3A_451 = arith.constant 32 : index
      %swap3A_452 = tpu.vector_load %arg6[%swap3A_450, %swap3A_451] {strides = array<i32>} : memref<128x128xf32, #tpu.memory_space<vmem>>, vector<1x16xf32>,
      %swap3A_453 = vector.shape_cast %swap3A_452 : vector<1x16xf32> to vector<16xf32>
      %swap3A_454 = vector.shape_cast %add3A_449 : vector<16xf32> to vector<1x16xf32>
      tpu.vector_store %arg6[%swap3A_450, %swap3A_451], %swap3A_454 {strides = array<i32>} : memref<128x128xf32, #tpu.memory_space<vmem>>, vector<1x16xf32>,
      %get3A_455 = arith.index_cast %scan3A_413 : i32 to index
      %get3A_456 = arith.constant 48 : index
      %get3A_457 = tpu.vector_load %arg6[%get3A_455, %get3A_456] {strides = array<i32>} : memref<128x128xf32, #tpu.memory_space<vmem>>, vector<1x16xf32>,
      %get3A_458 = vector.shape_cast %get3A_457 : vector<1x16xf32> to vector<16xf32>
      %get3A_459 = arith.index_cast %scan3A_413 : i32 to index
      %get3A_460 = arith.constant 48 : index
      %get3A_461 = tpu.vector_load %arg7[%get3A_459, %get3A_460] {strides = array<i32>} : memref<128x128xf32, #tpu.memory_space<vmem>>, vector<1x16xf32>,
      %get3A_462 = vector.shape_cast %get3A_461 : vector<1x16xf32> to vector<16xf32>
      %add3A_463 = arith.addf %get3A_458, %get3A_462 : vector<16xf32>
      %swap3A_464 = arith.index_cast %scan3A_413 : i32 to index
      %swap3A_465 = arith.constant 48 : index
      %swap3A_466 = tpu.vector_load %arg6[%swap3A_464, %swap3A_465] {strides = array<i32>} : memref<128x128xf32, #tpu.memory_space<vmem>>, vector<1x16xf32>,
      %swap3A_467 = vector.shape_cast %swap3A_466 : vector<1x16xf32> to vector<16xf32>
      %swap3A_468 = vector.shape_cast %add3A_463 : vector<16xf32> to vector<1x16xf32>
      tpu.vector_store %arg6[%swap3A_464, %swap3A_465], %swap3A_468 {strides = array<i32>} : memref<128x128xf32, #tpu.memory_space<vmem>>, vector<1x16xf32>,
      %scan3A_469 = arith.constant 0 : i32
      scf.yield %scan3A_469 : i32
    }
    %scan3A_83 = arith.constant 128 : i32
    %dma_start3A_84 = arith.constant 5 : i32
    %dma_start3A_85 = arith.constant 0 : i32
    %dma_start3A_86 = tpu.memref_slice %arg5[%dma_start3A_84, %dma_start3A_85] : memref<20x128xi32, #tpu.memory_space<vmem>> -> memref<1x128xi32, #tpu.memory_space<vmem>>
    %dma_start3A_87 = tpu.memref_squeeze %dma_start3A_86 : memref<1x128xi32, #tpu.memory_space<vmem>> -> memref<128xi32, #tpu.memory_space<vmem>>
    %dma_start3A_88 = arith.constant 0 : i32
    %dma_start3A_89 = arith.constant 0 : i32
    %dma_start3A_90 = tpu.memref_slice %arg3[%dma_start3A_88, %dma_start3A_89] : memref<100000x128xf32, #tpu.memory_space<hbm>> -> memref<100000x128xf32, #tpu.memory_space<hbm>>
    tpu.enqueue_indirect_dma source(%dma_start3A_90 : memref<100000x128xf32, #tpu.memory_space<hbm>>) target(%arg7 : memref<128x128xf32, #tpu.memory_space<vmem>>) offsets(%dma_start3A_87 : memref<128xi32, #tpu.memory_space<vmem>>) semaphore(%arg9 : memref<!tpu.dma_semaphore, #tpu.memory_space<semaphore_mem>>)
    %dma_wait3A_91 = arith.constant 4 : i32
    %dma_wait3A_92 = arith.constant 0 : i32
    %dma_wait3A_93 = tpu.memref_slice %arg5[%dma_wait3A_91, %dma_wait3A_92] : memref<20x128xi32, #tpu.memory_space<vmem>> -> memref<1x128xi32, #tpu.memory_space<vmem>>
    %dma_wait3A_94 = tpu.memref_squeeze %dma_wait3A_93 : memref<1x128xi32, #tpu.memory_space<vmem>> -> memref<128xi32, #tpu.memory_space<vmem>>
    %dma_wait3A_95 = arith.constant 0 : i32
    %dma_wait3A_96 = arith.constant 0 : i32
    %dma_wait3A_97 = tpu.memref_slice %arg3[%dma_wait3A_95, %dma_wait3A_96] : memref<100000x128xf32, #tpu.memory_space<hbm>> -> memref<100000x128xf32, #tpu.memory_space<hbm>>
    tpu.wait_indirect_dma semaphore(%arg10 : memref<!tpu.dma_semaphore, #tpu.memory_space<semaphore_mem>>) src(%dma_wait3A_97 : memref<100000x128xf32, #tpu.memory_space<hbm>>) dst(%arg8 : memref<128x128xf32, #tpu.memory_space<vmem>>)
    %scan3A_98 = arith.constant 0 : i32
    %scan3A_99 = arith.constant 0 : i32
    %scan3A_100 = arith.constant 128 : i32
    %scan3A_101 = arith.addi %scan3A_99, %scan3A_100 : i32
    %scan3A_102 = arith.constant 1 : i32
    %scan3A_103 = scf.for %scan3A_413 = %scan3A_99 to %scan3A_101 step %scan3A_102 iter_args(%scan3A_414 = %scan3A_98) -> (i32)  : i32 {
      %get3A = arith.index_cast %scan3A_413 : i32 to index
      %get3A_415 = arith.constant 0 : index
      %get3A_416 = tpu.vector_load %arg6[%get3A, %get3A_415] {strides = array<i32>} : memref<128x128xf32, #tpu.memory_space<vmem>>, vector<1x16xf32>,
      %get3A_417 = vector.shape_cast %get3A_416 : vector<1x16xf32> to vector<16xf32>
      %get3A_418 = arith.index_cast %scan3A_413 : i32 to index
      %get3A_419 = arith.constant 0 : index
      %get3A_420 = tpu.vector_load %arg8[%get3A_418, %get3A_419] {strides = array<i32>} : memref<128x128xf32, #tpu.memory_space<vmem>>, vector<1x16xf32>,
      %get3A_421 = vector.shape_cast %get3A_420 : vector<1x16xf32> to vector<16xf32>
      %add3A_422 = arith.addf %get3A_417, %get3A_421 : vector<16xf32>
      %swap3A = arith.index_cast %scan3A_413 : i32 to index
      %swap3A_423 = arith.constant 0 : index
      %swap3A_424 = tpu.vector_load %arg6[%swap3A, %swap3A_423] {strides = array<i32>} : memref<128x128xf32, #tpu.memory_space<vmem>>, vector<1x16xf32>,
      %swap3A_425 = vector.shape_cast %swap3A_424 : vector<1x16xf32> to vector<16xf32>
      %swap3A_426 = vector.shape_cast %add3A_422 : vector<16xf32> to vector<1x16xf32>
      tpu.vector_store %arg6[%swap3A, %swap3A_423], %swap3A_426 {strides = array<i32>} : memref<128x128xf32, #tpu.memory_space<vmem>>, vector<1x16xf32>,
      %get3A_427 = arith.index_cast %scan3A_413 : i32 to index
      %get3A_428 = arith.constant 16 : index
      %get3A_429 = tpu.vector_load %arg6[%get3A_427, %get3A_428] {strides = array<i32>} : memref<128x128xf32, #tpu.memory_space<vmem>>, vector<1x16xf32>,
      %get3A_430 = vector.shape_cast %get3A_429 : vector<1x16xf32> to vector<16xf32>
      %get3A_431 = arith.index_cast %scan3A_413 : i32 to index
      %get3A_432 = arith.constant 16 : index
      %get3A_433 = tpu.vector_load %arg8[%get3A_431, %get3A_432] {strides = array<i32>} : memref<128x128xf32, #tpu.memory_space<vmem>>, vector<1x16xf32>,
      %get3A_434 = vector.shape_cast %get3A_433 : vector<1x16xf32> to vector<16xf32>
      %add3A_435 = arith.addf %get3A_430, %get3A_434 : vector<16xf32>
      %swap3A_436 = arith.index_cast %scan3A_413 : i32 to index
      %swap3A_437 = arith.constant 16 : index
      %swap3A_438 = tpu.vector_load %arg6[%swap3A_436, %swap3A_437] {strides = array<i32>} : memref<128x128xf32, #tpu.memory_space<vmem>>, vector<1x16xf32>,
      %swap3A_439 = vector.shape_cast %swap3A_438 : vector<1x16xf32> to vector<16xf32>
      %swap3A_440 = vector.shape_cast %add3A_435 : vector<16xf32> to vector<1x16xf32>
      tpu.vector_store %arg6[%swap3A_436, %swap3A_437], %swap3A_440 {strides = array<i32>} : memref<128x128xf32, #tpu.memory_space<vmem>>, vector<1x16xf32>,
      %get3A_441 = arith.index_cast %scan3A_413 : i32 to index
      %get3A_442 = arith.constant 32 : index
      %get3A_443 = tpu.vector_load %arg6[%get3A_441, %get3A_442] {strides = array<i32>} : memref<128x128xf32, #tpu.memory_space<vmem>>, vector<1x16xf32>,
      %get3A_444 = vector.shape_cast %get3A_443 : vector<1x16xf32> to vector<16xf32>
      %get3A_445 = arith.index_cast %scan3A_413 : i32 to index
      %get3A_446 = arith.constant 32 : index
      %get3A_447 = tpu.vector_load %arg8[%get3A_445, %get3A_446] {strides = array<i32>} : memref<128x128xf32, #tpu.memory_space<vmem>>, vector<1x16xf32>,
      %get3A_448 = vector.shape_cast %get3A_447 : vector<1x16xf32> to vector<16xf32>
      %add3A_449 = arith.addf %get3A_444, %get3A_448 : vector<16xf32>
      %swap3A_450 = arith.index_cast %scan3A_413 : i32 to index
      %swap3A_451 = arith.constant 32 : index
      %swap3A_452 = tpu.vector_load %arg6[%swap3A_450, %swap3A_451] {strides = array<i32>} : memref<128x128xf32, #tpu.memory_space<vmem>>, vector<1x16xf32>,
      %swap3A_453 = vector.shape_cast %swap3A_452 : vector<1x16xf32> to vector<16xf32>
      %swap3A_454 = vector.shape_cast %add3A_449 : vector<16xf32> to vector<1x16xf32>
      tpu.vector_store %arg6[%swap3A_450, %swap3A_451], %swap3A_454 {strides = array<i32>} : memref<128x128xf32, #tpu.memory_space<vmem>>, vector<1x16xf32>,
      %get3A_455 = arith.index_cast %scan3A_413 : i32 to index
      %get3A_456 = arith.constant 48 : index
      %get3A_457 = tpu.vector_load %arg6[%get3A_455, %get3A_456] {strides = array<i32>} : memref<128x128xf32, #tpu.memory_space<vmem>>, vector<1x16xf32>,
      %get3A_458 = vector.shape_cast %get3A_457 : vector<1x16xf32> to vector<16xf32>
      %get3A_459 = arith.index_cast %scan3A_413 : i32 to index
      %get3A_460 = arith.constant 48 : index
      %get3A_461 = tpu.vector_load %arg8[%get3A_459, %get3A_460] {strides = array<i32>} : memref<128x128xf32, #tpu.memory_space<vmem>>, vector<1x16xf32>,
      %get3A_462 = vector.shape_cast %get3A_461 : vector<1x16xf32> to vector<16xf32>
      %add3A_463 = arith.addf %get3A_458, %get3A_462 : vector<16xf32>
      %swap3A_464 = arith.index_cast %scan3A_413 : i32 to index
      %swap3A_465 = arith.constant 48 : index
      %swap3A_466 = tpu.vector_load %arg6[%swap3A_464, %swap3A_465] {strides = array<i32>} : memref<128x128xf32, #tpu.memory_space<vmem>>, vector<1x16xf32>,
      %swap3A_467 = vector.shape_cast %swap3A_466 : vector<1x16xf32> to vector<16xf32>
      %swap3A_468 = vector.shape_cast %add3A_463 : vector<16xf32> to vector<1x16xf32>
      tpu.vector_store %arg6[%swap3A_464, %swap3A_465], %swap3A_468 {strides = array<i32>} : memref<128x128xf32, #tpu.memory_space<vmem>>, vector<1x16xf32>,
      %scan3A_469 = arith.constant 0 : i32
      scf.yield %scan3A_469 : i32
    }
    %scan3A_104 = arith.constant 128 : i32
    %dma_start3A_105 = arith.constant 6 : i32
    %dma_start3A_106 = arith.constant 0 : i32
    %dma_start3A_107 = tpu.memref_slice %arg5[%dma_start3A_105, %dma_start3A_106] : memref<20x128xi32, #tpu.memory_space<vmem>> -> memref<1x128xi32, #tpu.memory_space<vmem>>
    %dma_start3A_108 = tpu.memref_squeeze %dma_start3A_107 : memref<1x128xi32, #tpu.memory_space<vmem>> -> memref<128xi32, #tpu.memory_space<vmem>>
    %dma_start3A_109 = arith.constant 0 : i32
    %dma_start3A_110 = arith.constant 0 : i32
    %dma_start3A_111 = tpu.memref_slice %arg3[%dma_start3A_109, %dma_start3A_110] : memref<100000x128xf32, #tpu.memory_space<hbm>> -> memref<100000x128xf32, #tpu.memory_space<hbm>>
    tpu.enqueue_indirect_dma source(%dma_start3A_111 : memref<100000x128xf32, #tpu.memory_space<hbm>>) target(%arg8 : memref<128x128xf32, #tpu.memory_space<vmem>>) offsets(%dma_start3A_108 : memref<128xi32, #tpu.memory_space<vmem>>) semaphore(%arg10 : memref<!tpu.dma_semaphore, #tpu.memory_space<semaphore_mem>>)
    %dma_wait3A_112 = arith.constant 5 : i32
    %dma_wait3A_113 = arith.constant 0 : i32
    %dma_wait3A_114 = tpu.memref_slice %arg5[%dma_wait3A_112, %dma_wait3A_113] : memref<20x128xi32, #tpu.memory_space<vmem>> -> memref<1x128xi32, #tpu.memory_space<vmem>>
    %dma_wait3A_115 = tpu.memref_squeeze %dma_wait3A_114 : memref<1x128xi32, #tpu.memory_space<vmem>> -> memref<128xi32, #tpu.memory_space<vmem>>
    %dma_wait3A_116 = arith.constant 0 : i32
    %dma_wait3A_117 = arith.constant 0 : i32
    %dma_wait3A_118 = tpu.memref_slice %arg3[%dma_wait3A_116, %dma_wait3A_117] : memref<100000x128xf32, #tpu.memory_space<hbm>> -> memref<100000x128xf32, #tpu.memory_space<hbm>>
    tpu.wait_indirect_dma semaphore(%arg9 : memref<!tpu.dma_semaphore, #tpu.memory_space<semaphore_mem>>) src(%dma_wait3A_118 : memref<100000x128xf32, #tpu.memory_space<hbm>>) dst(%arg7 : memref<128x128xf32, #tpu.memory_space<vmem>>)
    %scan3A_119 = arith.constant 0 : i32
    %scan3A_120 = arith.constant 0 : i32
    %scan3A_121 = arith.constant 128 : i32
    %scan3A_122 = arith.addi %scan3A_120, %scan3A_121 : i32
    %scan3A_123 = arith.constant 1 : i32
    %scan3A_124 = scf.for %scan3A_413 = %scan3A_120 to %scan3A_122 step %scan3A_123 iter_args(%scan3A_414 = %scan3A_119) -> (i32)  : i32 {
      %get3A = arith.index_cast %scan3A_413 : i32 to index
      %get3A_415 = arith.constant 0 : index
      %get3A_416 = tpu.vector_load %arg6[%get3A, %get3A_415] {strides = array<i32>} : memref<128x128xf32, #tpu.memory_space<vmem>>, vector<1x16xf32>,
      %get3A_417 = vector.shape_cast %get3A_416 : vector<1x16xf32> to vector<16xf32>
      %get3A_418 = arith.index_cast %scan3A_413 : i32 to index
      %get3A_419 = arith.constant 0 : index
      %get3A_420 = tpu.vector_load %arg7[%get3A_418, %get3A_419] {strides = array<i32>} : memref<128x128xf32, #tpu.memory_space<vmem>>, vector<1x16xf32>,
      %get3A_421 = vector.shape_cast %get3A_420 : vector<1x16xf32> to vector<16xf32>
      %add3A_422 = arith.addf %get3A_417, %get3A_421 : vector<16xf32>
      %swap3A = arith.index_cast %scan3A_413 : i32 to index
      %swap3A_423 = arith.constant 0 : index
      %swap3A_424 = tpu.vector_load %arg6[%swap3A, %swap3A_423] {strides = array<i32>} : memref<128x128xf32, #tpu.memory_space<vmem>>, vector<1x16xf32>,
      %swap3A_425 = vector.shape_cast %swap3A_424 : vector<1x16xf32> to vector<16xf32>
      %swap3A_426 = vector.shape_cast %add3A_422 : vector<16xf32> to vector<1x16xf32>
      tpu.vector_store %arg6[%swap3A, %swap3A_423], %swap3A_426 {strides = array<i32>} : memref<128x128xf32, #tpu.memory_space<vmem>>, vector<1x16xf32>,
      %get3A_427 = arith.index_cast %scan3A_413 : i32 to index
      %get3A_428 = arith.constant 16 : index
      %get3A_429 = tpu.vector_load %arg6[%get3A_427, %get3A_428] {strides = array<i32>} : memref<128x128xf32, #tpu.memory_space<vmem>>, vector<1x16xf32>,
      %get3A_430 = vector.shape_cast %get3A_429 : vector<1x16xf32> to vector<16xf32>
      %get3A_431 = arith.index_cast %scan3A_413 : i32 to index
      %get3A_432 = arith.constant 16 : index
      %get3A_433 = tpu.vector_load %arg7[%get3A_431, %get3A_432] {strides = array<i32>} : memref<128x128xf32, #tpu.memory_space<vmem>>, vector<1x16xf32>,
      %get3A_434 = vector.shape_cast %get3A_433 : vector<1x16xf32> to vector<16xf32>
      %add3A_435 = arith.addf %get3A_430, %get3A_434 : vector<16xf32>
      %swap3A_436 = arith.index_cast %scan3A_413 : i32 to index
      %swap3A_437 = arith.constant 16 : index
      %swap3A_438 = tpu.vector_load %arg6[%swap3A_436, %swap3A_437] {strides = array<i32>} : memref<128x128xf32, #tpu.memory_space<vmem>>, vector<1x16xf32>,
      %swap3A_439 = vector.shape_cast %swap3A_438 : vector<1x16xf32> to vector<16xf32>
      %swap3A_440 = vector.shape_cast %add3A_435 : vector<16xf32> to vector<1x16xf32>
      tpu.vector_store %arg6[%swap3A_436, %swap3A_437], %swap3A_440 {strides = array<i32>} : memref<128x128xf32, #tpu.memory_space<vmem>>, vector<1x16xf32>,
      %get3A_441 = arith.index_cast %scan3A_413 : i32 to index
      %get3A_442 = arith.constant 32 : index
      %get3A_443 = tpu.vector_load %arg6[%get3A_441, %get3A_442] {strides = array<i32>} : memref<128x128xf32, #tpu.memory_space<vmem>>, vector<1x16xf32>,
      %get3A_444 = vector.shape_cast %get3A_443 : vector<1x16xf32> to vector<16xf32>
      %get3A_445 = arith.index_cast %scan3A_413 : i32 to index
      %get3A_446 = arith.constant 32 : index
      %get3A_447 = tpu.vector_load %arg7[%get3A_445, %get3A_446] {strides = array<i32>} : memref<128x128xf32, #tpu.memory_space<vmem>>, vector<1x16xf32>,
      %get3A_448 = vector.shape_cast %get3A_447 : vector<1x16xf32> to vector<16xf32>
      %add3A_449 = arith.addf %get3A_444, %get3A_448 : vector<16xf32>
      %swap3A_450 = arith.index_cast %scan3A_413 : i32 to index
      %swap3A_451 = arith.constant 32 : index
      %swap3A_452 = tpu.vector_load %arg6[%swap3A_450, %swap3A_451] {strides = array<i32>} : memref<128x128xf32, #tpu.memory_space<vmem>>, vector<1x16xf32>,
      %swap3A_453 = vector.shape_cast %swap3A_452 : vector<1x16xf32> to vector<16xf32>
      %swap3A_454 = vector.shape_cast %add3A_449 : vector<16xf32> to vector<1x16xf32>
      tpu.vector_store %arg6[%swap3A_450, %swap3A_451], %swap3A_454 {strides = array<i32>} : memref<128x128xf32, #tpu.memory_space<vmem>>, vector<1x16xf32>,
      %get3A_455 = arith.index_cast %scan3A_413 : i32 to index
      %get3A_456 = arith.constant 48 : index
      %get3A_457 = tpu.vector_load %arg6[%get3A_455, %get3A_456] {strides = array<i32>} : memref<128x128xf32, #tpu.memory_space<vmem>>, vector<1x16xf32>,
      %get3A_458 = vector.shape_cast %get3A_457 : vector<1x16xf32> to vector<16xf32>
      %get3A_459 = arith.index_cast %scan3A_413 : i32 to index
      %get3A_460 = arith.constant 48 : index
      %get3A_461 = tpu.vector_load %arg7[%get3A_459, %get3A_460] {strides = array<i32>} : memref<128x128xf32, #tpu.memory_space<vmem>>, vector<1x16xf32>,
      %get3A_462 = vector.shape_cast %get3A_461 : vector<1x16xf32> to vector<16xf32>
      %add3A_463 = arith.addf %get3A_458, %get3A_462 : vector<16xf32>
      %swap3A_464 = arith.index_cast %scan3A_413 : i32 to index
      %swap3A_465 = arith.constant 48 : index
      %swap3A_466 = tpu.vector_load %arg6[%swap3A_464, %swap3A_465] {strides = array<i32>} : memref<128x128xf32, #tpu.memory_space<vmem>>, vector<1x16xf32>,
      %swap3A_467 = vector.shape_cast %swap3A_466 : vector<1x16xf32> to vector<16xf32>
      %swap3A_468 = vector.shape_cast %add3A_463 : vector<16xf32> to vector<1x16xf32>
      tpu.vector_store %arg6[%swap3A_464, %swap3A_465], %swap3A_468 {strides = array<i32>} : memref<128x128xf32, #tpu.memory_space<vmem>>, vector<1x16xf32>,
      %scan3A_469 = arith.constant 0 : i32
      scf.yield %scan3A_469 : i32
    }
    %scan3A_125 = arith.constant 128 : i32
    %dma_start3A_126 = arith.constant 7 : i32
    %dma_start3A_127 = arith.constant 0 : i32
    %dma_start3A_128 = tpu.memref_slice %arg5[%dma_start3A_126, %dma_start3A_127] : memref<20x128xi32, #tpu.memory_space<vmem>> -> memref<1x128xi32, #tpu.memory_space<vmem>>
    %dma_start3A_129 = tpu.memref_squeeze %dma_start3A_128 : memref<1x128xi32, #tpu.memory_space<vmem>> -> memref<128xi32, #tpu.memory_space<vmem>>
    %dma_start3A_130 = arith.constant 0 : i32
    %dma_start3A_131 = arith.constant 0 : i32
    %dma_start3A_132 = tpu.memref_slice %arg3[%dma_start3A_130, %dma_start3A_131] : memref<100000x128xf32, #tpu.memory_space<hbm>> -> memref<100000x128xf32, #tpu.memory_space<hbm>>
    tpu.enqueue_indirect_dma source(%dma_start3A_132 : memref<100000x128xf32, #tpu.memory_space<hbm>>) target(%arg7 : memref<128x128xf32, #tpu.memory_space<vmem>>) offsets(%dma_start3A_129 : memref<128xi32, #tpu.memory_space<vmem>>) semaphore(%arg9 : memref<!tpu.dma_semaphore, #tpu.memory_space<semaphore_mem>>)
    %dma_wait3A_133 = arith.constant 6 : i32
    %dma_wait3A_134 = arith.constant 0 : i32
    %dma_wait3A_135 = tpu.memref_slice %arg5[%dma_wait3A_133, %dma_wait3A_134] : memref<20x128xi32, #tpu.memory_space<vmem>> -> memref<1x128xi32, #tpu.memory_space<vmem>>
    %dma_wait3A_136 = tpu.memref_squeeze %dma_wait3A_135 : memref<1x128xi32, #tpu.memory_space<vmem>> -> memref<128xi32, #tpu.memory_space<vmem>>
    %dma_wait3A_137 = arith.constant 0 : i32
    %dma_wait3A_138 = arith.constant 0 : i32
    %dma_wait3A_139 = tpu.memref_slice %arg3[%dma_wait3A_137, %dma_wait3A_138] : memref<100000x128xf32, #tpu.memory_space<hbm>> -> memref<100000x128xf32, #tpu.memory_space<hbm>>
    tpu.wait_indirect_dma semaphore(%arg10 : memref<!tpu.dma_semaphore, #tpu.memory_space<semaphore_mem>>) src(%dma_wait3A_139 : memref<100000x128xf32, #tpu.memory_space<hbm>>) dst(%arg8 : memref<128x128xf32, #tpu.memory_space<vmem>>)
    %scan3A_140 = arith.constant 0 : i32
    %scan3A_141 = arith.constant 0 : i32
    %scan3A_142 = arith.constant 128 : i32
    %scan3A_143 = arith.addi %scan3A_141, %scan3A_142 : i32
    %scan3A_144 = arith.constant 1 : i32
    %scan3A_145 = scf.for %scan3A_413 = %scan3A_141 to %scan3A_143 step %scan3A_144 iter_args(%scan3A_414 = %scan3A_140) -> (i32)  : i32 {
      %get3A = arith.index_cast %scan3A_413 : i32 to index
      %get3A_415 = arith.constant 0 : index
      %get3A_416 = tpu.vector_load %arg6[%get3A, %get3A_415] {strides = array<i32>} : memref<128x128xf32, #tpu.memory_space<vmem>>, vector<1x16xf32>,
      %get3A_417 = vector.shape_cast %get3A_416 : vector<1x16xf32> to vector<16xf32>
      %get3A_418 = arith.index_cast %scan3A_413 : i32 to index
      %get3A_419 = arith.constant 0 : index
      %get3A_420 = tpu.vector_load %arg8[%get3A_418, %get3A_419] {strides = array<i32>} : memref<128x128xf32, #tpu.memory_space<vmem>>, vector<1x16xf32>,
      %get3A_421 = vector.shape_cast %get3A_420 : vector<1x16xf32> to vector<16xf32>
      %add3A_422 = arith.addf %get3A_417, %get3A_421 : vector<16xf32>
      %swap3A = arith.index_cast %scan3A_413 : i32 to index
      %swap3A_423 = arith.constant 0 : index
      %swap3A_424 = tpu.vector_load %arg6[%swap3A, %swap3A_423] {strides = array<i32>} : memref<128x128xf32, #tpu.memory_space<vmem>>, vector<1x16xf32>,
      %swap3A_425 = vector.shape_cast %swap3A_424 : vector<1x16xf32> to vector<16xf32>
      %swap3A_426 = vector.shape_cast %add3A_422 : vector<16xf32> to vector<1x16xf32>
      tpu.vector_store %arg6[%swap3A, %swap3A_423], %swap3A_426 {strides = array<i32>} : memref<128x128xf32, #tpu.memory_space<vmem>>, vector<1x16xf32>,
      %get3A_427 = arith.index_cast %scan3A_413 : i32 to index
      %get3A_428 = arith.constant 16 : index
      %get3A_429 = tpu.vector_load %arg6[%get3A_427, %get3A_428] {strides = array<i32>} : memref<128x128xf32, #tpu.memory_space<vmem>>, vector<1x16xf32>,
      %get3A_430 = vector.shape_cast %get3A_429 : vector<1x16xf32> to vector<16xf32>
      %get3A_431 = arith.index_cast %scan3A_413 : i32 to index
      %get3A_432 = arith.constant 16 : index
      %get3A_433 = tpu.vector_load %arg8[%get3A_431, %get3A_432] {strides = array<i32>} : memref<128x128xf32, #tpu.memory_space<vmem>>, vector<1x16xf32>,
      %get3A_434 = vector.shape_cast %get3A_433 : vector<1x16xf32> to vector<16xf32>
      %add3A_435 = arith.addf %get3A_430, %get3A_434 : vector<16xf32>
      %swap3A_436 = arith.index_cast %scan3A_413 : i32 to index
      %swap3A_437 = arith.constant 16 : index
      %swap3A_438 = tpu.vector_load %arg6[%swap3A_436, %swap3A_437] {strides = array<i32>} : memref<128x128xf32, #tpu.memory_space<vmem>>, vector<1x16xf32>,
      %swap3A_439 = vector.shape_cast %swap3A_438 : vector<1x16xf32> to vector<16xf32>
      %swap3A_440 = vector.shape_cast %add3A_435 : vector<16xf32> to vector<1x16xf32>
      tpu.vector_store %arg6[%swap3A_436, %swap3A_437], %swap3A_440 {strides = array<i32>} : memref<128x128xf32, #tpu.memory_space<vmem>>, vector<1x16xf32>,
      %get3A_441 = arith.index_cast %scan3A_413 : i32 to index
      %get3A_442 = arith.constant 32 : index
      %get3A_443 = tpu.vector_load %arg6[%get3A_441, %get3A_442] {strides = array<i32>} : memref<128x128xf32, #tpu.memory_space<vmem>>, vector<1x16xf32>,
      %get3A_444 = vector.shape_cast %get3A_443 : vector<1x16xf32> to vector<16xf32>
      %get3A_445 = arith.index_cast %scan3A_413 : i32 to index
      %get3A_446 = arith.constant 32 : index
      %get3A_447 = tpu.vector_load %arg8[%get3A_445, %get3A_446] {strides = array<i32>} : memref<128x128xf32, #tpu.memory_space<vmem>>, vector<1x16xf32>,
      %get3A_448 = vector.shape_cast %get3A_447 : vector<1x16xf32> to vector<16xf32>
      %add3A_449 = arith.addf %get3A_444, %get3A_448 : vector<16xf32>
      %swap3A_450 = arith.index_cast %scan3A_413 : i32 to index
      %swap3A_451 = arith.constant 32 : index
      %swap3A_452 = tpu.vector_load %arg6[%swap3A_450, %swap3A_451] {strides = array<i32>} : memref<128x128xf32, #tpu.memory_space<vmem>>, vector<1x16xf32>,
      %swap3A_453 = vector.shape_cast %swap3A_452 : vector<1x16xf32> to vector<16xf32>
      %swap3A_454 = vector.shape_cast %add3A_449 : vector<16xf32> to vector<1x16xf32>
      tpu.vector_store %arg6[%swap3A_450, %swap3A_451], %swap3A_454 {strides = array<i32>} : memref<128x128xf32, #tpu.memory_space<vmem>>, vector<1x16xf32>,
      %get3A_455 = arith.index_cast %scan3A_413 : i32 to index
      %get3A_456 = arith.constant 48 : index
      %get3A_457 = tpu.vector_load %arg6[%get3A_455, %get3A_456] {strides = array<i32>} : memref<128x128xf32, #tpu.memory_space<vmem>>, vector<1x16xf32>,
      %get3A_458 = vector.shape_cast %get3A_457 : vector<1x16xf32> to vector<16xf32>
      %get3A_459 = arith.index_cast %scan3A_413 : i32 to index
      %get3A_460 = arith.constant 48 : index
      %get3A_461 = tpu.vector_load %arg8[%get3A_459, %get3A_460] {strides = array<i32>} : memref<128x128xf32, #tpu.memory_space<vmem>>, vector<1x16xf32>,
      %get3A_462 = vector.shape_cast %get3A_461 : vector<1x16xf32> to vector<16xf32>
      %add3A_463 = arith.addf %get3A_458, %get3A_462 : vector<16xf32>
      %swap3A_464 = arith.index_cast %scan3A_413 : i32 to index
      %swap3A_465 = arith.constant 48 : index
      %swap3A_466 = tpu.vector_load %arg6[%swap3A_464, %swap3A_465] {strides = array<i32>} : memref<128x128xf32, #tpu.memory_space<vmem>>, vector<1x16xf32>,
      %swap3A_467 = vector.shape_cast %swap3A_466 : vector<1x16xf32> to vector<16xf32>
      %swap3A_468 = vector.shape_cast %add3A_463 : vector<16xf32> to vector<1x16xf32>
      tpu.vector_store %arg6[%swap3A_464, %swap3A_465], %swap3A_468 {strides = array<i32>} : memref<128x128xf32, #tpu.memory_space<vmem>>, vector<1x16xf32>,
      %scan3A_469 = arith.constant 0 : i32
      scf.yield %scan3A_469 : i32
    }
    %scan3A_146 = arith.constant 128 : i32
    %dma_start3A_147 = arith.constant 8 : i32
    %dma_start3A_148 = arith.constant 0 : i32
    %dma_start3A_149 = tpu.memref_slice %arg5[%dma_start3A_147, %dma_start3A_148] : memref<20x128xi32, #tpu.memory_space<vmem>> -> memref<1x128xi32, #tpu.memory_space<vmem>>
    %dma_start3A_150 = tpu.memref_squeeze %dma_start3A_149 : memref<1x128xi32, #tpu.memory_space<vmem>> -> memref<128xi32, #tpu.memory_space<vmem>>
    %dma_start3A_151 = arith.constant 0 : i32
    %dma_start3A_152 = arith.constant 0 : i32
    %dma_start3A_153 = tpu.memref_slice %arg3[%dma_start3A_151, %dma_start3A_152] : memref<100000x128xf32, #tpu.memory_space<hbm>> -> memref<100000x128xf32, #tpu.memory_space<hbm>>
    tpu.enqueue_indirect_dma source(%dma_start3A_153 : memref<100000x128xf32, #tpu.memory_space<hbm>>) target(%arg8 : memref<128x128xf32, #tpu.memory_space<vmem>>) offsets(%dma_start3A_150 : memref<128xi32, #tpu.memory_space<vmem>>) semaphore(%arg10 : memref<!tpu.dma_semaphore, #tpu.memory_space<semaphore_mem>>)
    %dma_wait3A_154 = arith.constant 7 : i32
    %dma_wait3A_155 = arith.constant 0 : i32
    %dma_wait3A_156 = tpu.memref_slice %arg5[%dma_wait3A_154, %dma_wait3A_155] : memref<20x128xi32, #tpu.memory_space<vmem>> -> memref<1x128xi32, #tpu.memory_space<vmem>>
    %dma_wait3A_157 = tpu.memref_squeeze %dma_wait3A_156 : memref<1x128xi32, #tpu.memory_space<vmem>> -> memref<128xi32, #tpu.memory_space<vmem>>
    %dma_wait3A_158 = arith.constant 0 : i32
    %dma_wait3A_159 = arith.constant 0 : i32
    %dma_wait3A_160 = tpu.memref_slice %arg3[%dma_wait3A_158, %dma_wait3A_159] : memref<100000x128xf32, #tpu.memory_space<hbm>> -> memref<100000x128xf32, #tpu.memory_space<hbm>>
    tpu.wait_indirect_dma semaphore(%arg9 : memref<!tpu.dma_semaphore, #tpu.memory_space<semaphore_mem>>) src(%dma_wait3A_160 : memref<100000x128xf32, #tpu.memory_space<hbm>>) dst(%arg7 : memref<128x128xf32, #tpu.memory_space<vmem>>)
    %scan3A_161 = arith.constant 0 : i32
    %scan3A_162 = arith.constant 0 : i32
    %scan3A_163 = arith.constant 128 : i32
    %scan3A_164 = arith.addi %scan3A_162, %scan3A_163 : i32
    %scan3A_165 = arith.constant 1 : i32
    %scan3A_166 = scf.for %scan3A_413 = %scan3A_162 to %scan3A_164 step %scan3A_165 iter_args(%scan3A_414 = %scan3A_161) -> (i32)  : i32 {
      %get3A = arith.index_cast %scan3A_413 : i32 to index
      %get3A_415 = arith.constant 0 : index
      %get3A_416 = tpu.vector_load %arg6[%get3A, %get3A_415] {strides = array<i32>} : memref<128x128xf32, #tpu.memory_space<vmem>>, vector<1x16xf32>,
      %get3A_417 = vector.shape_cast %get3A_416 : vector<1x16xf32> to vector<16xf32>
      %get3A_418 = arith.index_cast %scan3A_413 : i32 to index
      %get3A_419 = arith.constant 0 : index
      %get3A_420 = tpu.vector_load %arg7[%get3A_418, %get3A_419] {strides = array<i32>} : memref<128x128xf32, #tpu.memory_space<vmem>>, vector<1x16xf32>,
      %get3A_421 = vector.shape_cast %get3A_420 : vector<1x16xf32> to vector<16xf32>
      %add3A_422 = arith.addf %get3A_417, %get3A_421 : vector<16xf32>
      %swap3A = arith.index_cast %scan3A_413 : i32 to index
      %swap3A_423 = arith.constant 0 : index
      %swap3A_424 = tpu.vector_load %arg6[%swap3A, %swap3A_423] {strides = array<i32>} : memref<128x128xf32, #tpu.memory_space<vmem>>, vector<1x16xf32>,
      %swap3A_425 = vector.shape_cast %swap3A_424 : vector<1x16xf32> to vector<16xf32>
      %swap3A_426 = vector.shape_cast %add3A_422 : vector<16xf32> to vector<1x16xf32>
      tpu.vector_store %arg6[%swap3A, %swap3A_423], %swap3A_426 {strides = array<i32>} : memref<128x128xf32, #tpu.memory_space<vmem>>, vector<1x16xf32>,
      %get3A_427 = arith.index_cast %scan3A_413 : i32 to index
      %get3A_428 = arith.constant 16 : index
      %get3A_429 = tpu.vector_load %arg6[%get3A_427, %get3A_428] {strides = array<i32>} : memref<128x128xf32, #tpu.memory_space<vmem>>, vector<1x16xf32>,
      %get3A_430 = vector.shape_cast %get3A_429 : vector<1x16xf32> to vector<16xf32>
      %get3A_431 = arith.index_cast %scan3A_413 : i32 to index
      %get3A_432 = arith.constant 16 : index
      %get3A_433 = tpu.vector_load %arg7[%get3A_431, %get3A_432] {strides = array<i32>} : memref<128x128xf32, #tpu.memory_space<vmem>>, vector<1x16xf32>,
      %get3A_434 = vector.shape_cast %get3A_433 : vector<1x16xf32> to vector<16xf32>
      %add3A_435 = arith.addf %get3A_430, %get3A_434 : vector<16xf32>
      %swap3A_436 = arith.index_cast %scan3A_413 : i32 to index
      %swap3A_437 = arith.constant 16 : index
      %swap3A_438 = tpu.vector_load %arg6[%swap3A_436, %swap3A_437] {strides = array<i32>} : memref<128x128xf32, #tpu.memory_space<vmem>>, vector<1x16xf32>,
      %swap3A_439 = vector.shape_cast %swap3A_438 : vector<1x16xf32> to vector<16xf32>
      %swap3A_440 = vector.shape_cast %add3A_435 : vector<16xf32> to vector<1x16xf32>
      tpu.vector_store %arg6[%swap3A_436, %swap3A_437], %swap3A_440 {strides = array<i32>} : memref<128x128xf32, #tpu.memory_space<vmem>>, vector<1x16xf32>,
      %get3A_441 = arith.index_cast %scan3A_413 : i32 to index
      %get3A_442 = arith.constant 32 : index
      %get3A_443 = tpu.vector_load %arg6[%get3A_441, %get3A_442] {strides = array<i32>} : memref<128x128xf32, #tpu.memory_space<vmem>>, vector<1x16xf32>,
      %get3A_444 = vector.shape_cast %get3A_443 : vector<1x16xf32> to vector<16xf32>
      %get3A_445 = arith.index_cast %scan3A_413 : i32 to index
      %get3A_446 = arith.constant 32 : index
      %get3A_447 = tpu.vector_load %arg7[%get3A_445, %get3A_446] {strides = array<i32>} : memref<128x128xf32, #tpu.memory_space<vmem>>, vector<1x16xf32>,
      %get3A_448 = vector.shape_cast %get3A_447 : vector<1x16xf32> to vector<16xf32>
      %add3A_449 = arith.addf %get3A_444, %get3A_448 : vector<16xf32>
      %swap3A_450 = arith.index_cast %scan3A_413 : i32 to index
      %swap3A_451 = arith.constant 32 : index
      %swap3A_452 = tpu.vector_load %arg6[%swap3A_450, %swap3A_451] {strides = array<i32>} : memref<128x128xf32, #tpu.memory_space<vmem>>, vector<1x16xf32>,
      %swap3A_453 = vector.shape_cast %swap3A_452 : vector<1x16xf32> to vector<16xf32>
      %swap3A_454 = vector.shape_cast %add3A_449 : vector<16xf32> to vector<1x16xf32>
      tpu.vector_store %arg6[%swap3A_450, %swap3A_451], %swap3A_454 {strides = array<i32>} : memref<128x128xf32, #tpu.memory_space<vmem>>, vector<1x16xf32>,
      %get3A_455 = arith.index_cast %scan3A_413 : i32 to index
      %get3A_456 = arith.constant 48 : index
      %get3A_457 = tpu.vector_load %arg6[%get3A_455, %get3A_456] {strides = array<i32>} : memref<128x128xf32, #tpu.memory_space<vmem>>, vector<1x16xf32>,
      %get3A_458 = vector.shape_cast %get3A_457 : vector<1x16xf32> to vector<16xf32>
      %get3A_459 = arith.index_cast %scan3A_413 : i32 to index
      %get3A_460 = arith.constant 48 : index
      %get3A_461 = tpu.vector_load %arg7[%get3A_459, %get3A_460] {strides = array<i32>} : memref<128x128xf32, #tpu.memory_space<vmem>>, vector<1x16xf32>,
      %get3A_462 = vector.shape_cast %get3A_461 : vector<1x16xf32> to vector<16xf32>
      %add3A_463 = arith.addf %get3A_458, %get3A_462 : vector<16xf32>
      %swap3A_464 = arith.index_cast %scan3A_413 : i32 to index
      %swap3A_465 = arith.constant 48 : index
      %swap3A_466 = tpu.vector_load %arg6[%swap3A_464, %swap3A_465] {strides = array<i32>} : memref<128x128xf32, #tpu.memory_space<vmem>>, vector<1x16xf32>,
      %swap3A_467 = vector.shape_cast %swap3A_466 : vector<1x16xf32> to vector<16xf32>
      %swap3A_468 = vector.shape_cast %add3A_463 : vector<16xf32> to vector<1x16xf32>
      tpu.vector_store %arg6[%swap3A_464, %swap3A_465], %swap3A_468 {strides = array<i32>} : memref<128x128xf32, #tpu.memory_space<vmem>>, vector<1x16xf32>,
      %scan3A_469 = arith.constant 0 : i32
      scf.yield %scan3A_469 : i32
    }
    %scan3A_167 = arith.constant 128 : i32
    %dma_start3A_168 = arith.constant 9 : i32
    %dma_start3A_169 = arith.constant 0 : i32
    %dma_start3A_170 = tpu.memref_slice %arg5[%dma_start3A_168, %dma_start3A_169] : memref<20x128xi32, #tpu.memory_space<vmem>> -> memref<1x128xi32, #tpu.memory_space<vmem>>
    %dma_start3A_171 = tpu.memref_squeeze %dma_start3A_170 : memref<1x128xi32, #tpu.memory_space<vmem>> -> memref<128xi32, #tpu.memory_space<vmem>>
    %dma_start3A_172 = arith.constant 0 : i32
    %dma_start3A_173 = arith.constant 0 : i32
    %dma_start3A_174 = tpu.memref_slice %arg3[%dma_start3A_172, %dma_start3A_173] : memref<100000x128xf32, #tpu.memory_space<hbm>> -> memref<100000x128xf32, #tpu.memory_space<hbm>>
    tpu.enqueue_indirect_dma source(%dma_start3A_174 : memref<100000x128xf32, #tpu.memory_space<hbm>>) target(%arg7 : memref<128x128xf32, #tpu.memory_space<vmem>>) offsets(%dma_start3A_171 : memref<128xi32, #tpu.memory_space<vmem>>) semaphore(%arg9 : memref<!tpu.dma_semaphore, #tpu.memory_space<semaphore_mem>>)
    %dma_wait3A_175 = arith.constant 8 : i32
    %dma_wait3A_176 = arith.constant 0 : i32
    %dma_wait3A_177 = tpu.memref_slice %arg5[%dma_wait3A_175, %dma_wait3A_176] : memref<20x128xi32, #tpu.memory_space<vmem>> -> memref<1x128xi32, #tpu.memory_space<vmem>>
    %dma_wait3A_178 = tpu.memref_squeeze %dma_wait3A_177 : memref<1x128xi32, #tpu.memory_space<vmem>> -> memref<128xi32, #tpu.memory_space<vmem>>
    %dma_wait3A_179 = arith.constant 0 : i32
    %dma_wait3A_180 = arith.constant 0 : i32
    %dma_wait3A_181 = tpu.memref_slice %arg3[%dma_wait3A_179, %dma_wait3A_180] : memref<100000x128xf32, #tpu.memory_space<hbm>> -> memref<100000x128xf32, #tpu.memory_space<hbm>>
    tpu.wait_indirect_dma semaphore(%arg10 : memref<!tpu.dma_semaphore, #tpu.memory_space<semaphore_mem>>) src(%dma_wait3A_181 : memref<100000x128xf32, #tpu.memory_space<hbm>>) dst(%arg8 : memref<128x128xf32, #tpu.memory_space<vmem>>)
    %scan3A_182 = arith.constant 0 : i32
    %scan3A_183 = arith.constant 0 : i32
    %scan3A_184 = arith.constant 128 : i32
    %scan3A_185 = arith.addi %scan3A_183, %scan3A_184 : i32
    %scan3A_186 = arith.constant 1 : i32
    %scan3A_187 = scf.for %scan3A_413 = %scan3A_183 to %scan3A_185 step %scan3A_186 iter_args(%scan3A_414 = %scan3A_182) -> (i32)  : i32 {
      %get3A = arith.index_cast %scan3A_413 : i32 to index
      %get3A_415 = arith.constant 0 : index
      %get3A_416 = tpu.vector_load %arg6[%get3A, %get3A_415] {strides = array<i32>} : memref<128x128xf32, #tpu.memory_space<vmem>>, vector<1x16xf32>,
      %get3A_417 = vector.shape_cast %get3A_416 : vector<1x16xf32> to vector<16xf32>
      %get3A_418 = arith.index_cast %scan3A_413 : i32 to index
      %get3A_419 = arith.constant 0 : index
      %get3A_420 = tpu.vector_load %arg8[%get3A_418, %get3A_419] {strides = array<i32>} : memref<128x128xf32, #tpu.memory_space<vmem>>, vector<1x16xf32>,
      %get3A_421 = vector.shape_cast %get3A_420 : vector<1x16xf32> to vector<16xf32>
      %add3A_422 = arith.addf %get3A_417, %get3A_421 : vector<16xf32>
      %swap3A = arith.index_cast %scan3A_413 : i32 to index
      %swap3A_423 = arith.constant 0 : index
      %swap3A_424 = tpu.vector_load %arg6[%swap3A, %swap3A_423] {strides = array<i32>} : memref<128x128xf32, #tpu.memory_space<vmem>>, vector<1x16xf32>,
      %swap3A_425 = vector.shape_cast %swap3A_424 : vector<1x16xf32> to vector<16xf32>
      %swap3A_426 = vector.shape_cast %add3A_422 : vector<16xf32> to vector<1x16xf32>
      tpu.vector_store %arg6[%swap3A, %swap3A_423], %swap3A_426 {strides = array<i32>} : memref<128x128xf32, #tpu.memory_space<vmem>>, vector<1x16xf32>,
      %get3A_427 = arith.index_cast %scan3A_413 : i32 to index
      %get3A_428 = arith.constant 16 : index
      %get3A_429 = tpu.vector_load %arg6[%get3A_427, %get3A_428] {strides = array<i32>} : memref<128x128xf32, #tpu.memory_space<vmem>>, vector<1x16xf32>,
      %get3A_430 = vector.shape_cast %get3A_429 : vector<1x16xf32> to vector<16xf32>
      %get3A_431 = arith.index_cast %scan3A_413 : i32 to index
      %get3A_432 = arith.constant 16 : index
      %get3A_433 = tpu.vector_load %arg8[%get3A_431, %get3A_432] {strides = array<i32>} : memref<128x128xf32, #tpu.memory_space<vmem>>, vector<1x16xf32>,
      %get3A_434 = vector.shape_cast %get3A_433 : vector<1x16xf32> to vector<16xf32>
      %add3A_435 = arith.addf %get3A_430, %get3A_434 : vector<16xf32>
      %swap3A_436 = arith.index_cast %scan3A_413 : i32 to index
      %swap3A_437 = arith.constant 16 : index
      %swap3A_438 = tpu.vector_load %arg6[%swap3A_436, %swap3A_437] {strides = array<i32>} : memref<128x128xf32, #tpu.memory_space<vmem>>, vector<1x16xf32>,
      %swap3A_439 = vector.shape_cast %swap3A_438 : vector<1x16xf32> to vector<16xf32>
      %swap3A_440 = vector.shape_cast %add3A_435 : vector<16xf32> to vector<1x16xf32>
      tpu.vector_store %arg6[%swap3A_436, %swap3A_437], %swap3A_440 {strides = array<i32>} : memref<128x128xf32, #tpu.memory_space<vmem>>, vector<1x16xf32>,
      %get3A_441 = arith.index_cast %scan3A_413 : i32 to index
      %get3A_442 = arith.constant 32 : index
      %get3A_443 = tpu.vector_load %arg6[%get3A_441, %get3A_442] {strides = array<i32>} : memref<128x128xf32, #tpu.memory_space<vmem>>, vector<1x16xf32>,
      %get3A_444 = vector.shape_cast %get3A_443 : vector<1x16xf32> to vector<16xf32>
      %get3A_445 = arith.index_cast %scan3A_413 : i32 to index
      %get3A_446 = arith.constant 32 : index
      %get3A_447 = tpu.vector_load %arg8[%get3A_445, %get3A_446] {strides = array<i32>} : memref<128x128xf32, #tpu.memory_space<vmem>>, vector<1x16xf32>,
      %get3A_448 = vector.shape_cast %get3A_447 : vector<1x16xf32> to vector<16xf32>
      %add3A_449 = arith.addf %get3A_444, %get3A_448 : vector<16xf32>
      %swap3A_450 = arith.index_cast %scan3A_413 : i32 to index
      %swap3A_451 = arith.constant 32 : index
      %swap3A_452 = tpu.vector_load %arg6[%swap3A_450, %swap3A_451] {strides = array<i32>} : memref<128x128xf32, #tpu.memory_space<vmem>>, vector<1x16xf32>,
      %swap3A_453 = vector.shape_cast %swap3A_452 : vector<1x16xf32> to vector<16xf32>
      %swap3A_454 = vector.shape_cast %add3A_449 : vector<16xf32> to vector<1x16xf32>
      tpu.vector_store %arg6[%swap3A_450, %swap3A_451], %swap3A_454 {strides = array<i32>} : memref<128x128xf32, #tpu.memory_space<vmem>>, vector<1x16xf32>,
      %get3A_455 = arith.index_cast %scan3A_413 : i32 to index
      %get3A_456 = arith.constant 48 : index
      %get3A_457 = tpu.vector_load %arg6[%get3A_455, %get3A_456] {strides = array<i32>} : memref<128x128xf32, #tpu.memory_space<vmem>>, vector<1x16xf32>,
      %get3A_458 = vector.shape_cast %get3A_457 : vector<1x16xf32> to vector<16xf32>
      %get3A_459 = arith.index_cast %scan3A_413 : i32 to index
      %get3A_460 = arith.constant 48 : index
      %get3A_461 = tpu.vector_load %arg8[%get3A_459, %get3A_460] {strides = array<i32>} : memref<128x128xf32, #tpu.memory_space<vmem>>, vector<1x16xf32>,
      %get3A_462 = vector.shape_cast %get3A_461 : vector<1x16xf32> to vector<16xf32>
      %add3A_463 = arith.addf %get3A_458, %get3A_462 : vector<16xf32>
      %swap3A_464 = arith.index_cast %scan3A_413 : i32 to index
      %swap3A_465 = arith.constant 48 : index
      %swap3A_466 = tpu.vector_load %arg6[%swap3A_464, %swap3A_465] {strides = array<i32>} : memref<128x128xf32, #tpu.memory_space<vmem>>, vector<1x16xf32>,
      %swap3A_467 = vector.shape_cast %swap3A_466 : vector<1x16xf32> to vector<16xf32>
      %swap3A_468 = vector.shape_cast %add3A_463 : vector<16xf32> to vector<1x16xf32>
      tpu.vector_store %arg6[%swap3A_464, %swap3A_465], %swap3A_468 {strides = array<i32>} : memref<128x128xf32, #tpu.memory_space<vmem>>, vector<1x16xf32>,
      %scan3A_469 = arith.constant 0 : i32
      scf.yield %scan3A_469 : i32
    }
    %scan3A_188 = arith.constant 128 : i32
    %dma_start3A_189 = arith.constant 10 : i32
    %dma_start3A_190 = arith.constant 0 : i32
    %dma_start3A_191 = tpu.memref_slice %arg5[%dma_start3A_189, %dma_start3A_190] : memref<20x128xi32, #tpu.memory_space<vmem>> -> memref<1x128xi32, #tpu.memory_space<vmem>>
    %dma_start3A_192 = tpu.memref_squeeze %dma_start3A_191 : memref<1x128xi32, #tpu.memory_space<vmem>> -> memref<128xi32, #tpu.memory_space<vmem>>
    %dma_start3A_193 = arith.constant 0 : i32
    %dma_start3A_194 = arith.constant 0 : i32
    %dma_start3A_195 = tpu.memref_slice %arg3[%dma_start3A_193, %dma_start3A_194] : memref<100000x128xf32, #tpu.memory_space<hbm>> -> memref<100000x128xf32, #tpu.memory_space<hbm>>
    tpu.enqueue_indirect_dma source(%dma_start3A_195 : memref<100000x128xf32, #tpu.memory_space<hbm>>) target(%arg8 : memref<128x128xf32, #tpu.memory_space<vmem>>) offsets(%dma_start3A_192 : memref<128xi32, #tpu.memory_space<vmem>>) semaphore(%arg10 : memref<!tpu.dma_semaphore, #tpu.memory_space<semaphore_mem>>)
    %dma_wait3A_196 = arith.constant 9 : i32
    %dma_wait3A_197 = arith.constant 0 : i32
    %dma_wait3A_198 = tpu.memref_slice %arg5[%dma_wait3A_196, %dma_wait3A_197] : memref<20x128xi32, #tpu.memory_space<vmem>> -> memref<1x128xi32, #tpu.memory_space<vmem>>
    %dma_wait3A_199 = tpu.memref_squeeze %dma_wait3A_198 : memref<1x128xi32, #tpu.memory_space<vmem>> -> memref<128xi32, #tpu.memory_space<vmem>>
    %dma_wait3A_200 = arith.constant 0 : i32
    %dma_wait3A_201 = arith.constant 0 : i32
    %dma_wait3A_202 = tpu.memref_slice %arg3[%dma_wait3A_200, %dma_wait3A_201] : memref<100000x128xf32, #tpu.memory_space<hbm>> -> memref<100000x128xf32, #tpu.memory_space<hbm>>
    tpu.wait_indirect_dma semaphore(%arg9 : memref<!tpu.dma_semaphore, #tpu.memory_space<semaphore_mem>>) src(%dma_wait3A_202 : memref<100000x128xf32, #tpu.memory_space<hbm>>) dst(%arg7 : memref<128x128xf32, #tpu.memory_space<vmem>>)
    %scan3A_203 = arith.constant 0 : i32
    %scan3A_204 = arith.constant 0 : i32
    %scan3A_205 = arith.constant 128 : i32
    %scan3A_206 = arith.addi %scan3A_204, %scan3A_205 : i32
    %scan3A_207 = arith.constant 1 : i32
    %scan3A_208 = scf.for %scan3A_413 = %scan3A_204 to %scan3A_206 step %scan3A_207 iter_args(%scan3A_414 = %scan3A_203) -> (i32)  : i32 {
      %get3A = arith.index_cast %scan3A_413 : i32 to index
      %get3A_415 = arith.constant 0 : index
      %get3A_416 = tpu.vector_load %arg6[%get3A, %get3A_415] {strides = array<i32>} : memref<128x128xf32, #tpu.memory_space<vmem>>, vector<1x16xf32>,
      %get3A_417 = vector.shape_cast %get3A_416 : vector<1x16xf32> to vector<16xf32>
      %get3A_418 = arith.index_cast %scan3A_413 : i32 to index
      %get3A_419 = arith.constant 0 : index
      %get3A_420 = tpu.vector_load %arg7[%get3A_418, %get3A_419] {strides = array<i32>} : memref<128x128xf32, #tpu.memory_space<vmem>>, vector<1x16xf32>,
      %get3A_421 = vector.shape_cast %get3A_420 : vector<1x16xf32> to vector<16xf32>
      %add3A_422 = arith.addf %get3A_417, %get3A_421 : vector<16xf32>
      %swap3A = arith.index_cast %scan3A_413 : i32 to index
      %swap3A_423 = arith.constant 0 : index
      %swap3A_424 = tpu.vector_load %arg6[%swap3A, %swap3A_423] {strides = array<i32>} : memref<128x128xf32, #tpu.memory_space<vmem>>, vector<1x16xf32>,
      %swap3A_425 = vector.shape_cast %swap3A_424 : vector<1x16xf32> to vector<16xf32>
      %swap3A_426 = vector.shape_cast %add3A_422 : vector<16xf32> to vector<1x16xf32>
      tpu.vector_store %arg6[%swap3A, %swap3A_423], %swap3A_426 {strides = array<i32>} : memref<128x128xf32, #tpu.memory_space<vmem>>, vector<1x16xf32>,
      %get3A_427 = arith.index_cast %scan3A_413 : i32 to index
      %get3A_428 = arith.constant 16 : index
      %get3A_429 = tpu.vector_load %arg6[%get3A_427, %get3A_428] {strides = array<i32>} : memref<128x128xf32, #tpu.memory_space<vmem>>, vector<1x16xf32>,
      %get3A_430 = vector.shape_cast %get3A_429 : vector<1x16xf32> to vector<16xf32>
      %get3A_431 = arith.index_cast %scan3A_413 : i32 to index
      %get3A_432 = arith.constant 16 : index
      %get3A_433 = tpu.vector_load %arg7[%get3A_431, %get3A_432] {strides = array<i32>} : memref<128x128xf32, #tpu.memory_space<vmem>>, vector<1x16xf32>,
      %get3A_434 = vector.shape_cast %get3A_433 : vector<1x16xf32> to vector<16xf32>
      %add3A_435 = arith.addf %get3A_430, %get3A_434 : vector<16xf32>
      %swap3A_436 = arith.index_cast %scan3A_413 : i32 to index
      %swap3A_437 = arith.constant 16 : index
      %swap3A_438 = tpu.vector_load %arg6[%swap3A_436, %swap3A_437] {strides = array<i32>} : memref<128x128xf32, #tpu.memory_space<vmem>>, vector<1x16xf32>,
      %swap3A_439 = vector.shape_cast %swap3A_438 : vector<1x16xf32> to vector<16xf32>
      %swap3A_440 = vector.shape_cast %add3A_435 : vector<16xf32> to vector<1x16xf32>
      tpu.vector_store %arg6[%swap3A_436, %swap3A_437], %swap3A_440 {strides = array<i32>} : memref<128x128xf32, #tpu.memory_space<vmem>>, vector<1x16xf32>,
      %get3A_441 = arith.index_cast %scan3A_413 : i32 to index
      %get3A_442 = arith.constant 32 : index
      %get3A_443 = tpu.vector_load %arg6[%get3A_441, %get3A_442] {strides = array<i32>} : memref<128x128xf32, #tpu.memory_space<vmem>>, vector<1x16xf32>,
      %get3A_444 = vector.shape_cast %get3A_443 : vector<1x16xf32> to vector<16xf32>
      %get3A_445 = arith.index_cast %scan3A_413 : i32 to index
      %get3A_446 = arith.constant 32 : index
      %get3A_447 = tpu.vector_load %arg7[%get3A_445, %get3A_446] {strides = array<i32>} : memref<128x128xf32, #tpu.memory_space<vmem>>, vector<1x16xf32>,
      %get3A_448 = vector.shape_cast %get3A_447 : vector<1x16xf32> to vector<16xf32>
      %add3A_449 = arith.addf %get3A_444, %get3A_448 : vector<16xf32>
      %swap3A_450 = arith.index_cast %scan3A_413 : i32 to index
      %swap3A_451 = arith.constant 32 : index
      %swap3A_452 = tpu.vector_load %arg6[%swap3A_450, %swap3A_451] {strides = array<i32>} : memref<128x128xf32, #tpu.memory_space<vmem>>, vector<1x16xf32>,
      %swap3A_453 = vector.shape_cast %swap3A_452 : vector<1x16xf32> to vector<16xf32>
      %swap3A_454 = vector.shape_cast %add3A_449 : vector<16xf32> to vector<1x16xf32>
      tpu.vector_store %arg6[%swap3A_450, %swap3A_451], %swap3A_454 {strides = array<i32>} : memref<128x128xf32, #tpu.memory_space<vmem>>, vector<1x16xf32>,
      %get3A_455 = arith.index_cast %scan3A_413 : i32 to index
      %get3A_456 = arith.constant 48 : index
      %get3A_457 = tpu.vector_load %arg6[%get3A_455, %get3A_456] {strides = array<i32>} : memref<128x128xf32, #tpu.memory_space<vmem>>, vector<1x16xf32>,
      %get3A_458 = vector.shape_cast %get3A_457 : vector<1x16xf32> to vector<16xf32>
      %get3A_459 = arith.index_cast %scan3A_413 : i32 to index
      %get3A_460 = arith.constant 48 : index
      %get3A_461 = tpu.vector_load %arg7[%get3A_459, %get3A_460] {strides = array<i32>} : memref<128x128xf32, #tpu.memory_space<vmem>>, vector<1x16xf32>,
      %get3A_462 = vector.shape_cast %get3A_461 : vector<1x16xf32> to vector<16xf32>
      %add3A_463 = arith.addf %get3A_458, %get3A_462 : vector<16xf32>
      %swap3A_464 = arith.index_cast %scan3A_413 : i32 to index
      %swap3A_465 = arith.constant 48 : index
      %swap3A_466 = tpu.vector_load %arg6[%swap3A_464, %swap3A_465] {strides = array<i32>} : memref<128x128xf32, #tpu.memory_space<vmem>>, vector<1x16xf32>,
      %swap3A_467 = vector.shape_cast %swap3A_466 : vector<1x16xf32> to vector<16xf32>
      %swap3A_468 = vector.shape_cast %add3A_463 : vector<16xf32> to vector<1x16xf32>
      tpu.vector_store %arg6[%swap3A_464, %swap3A_465], %swap3A_468 {strides = array<i32>} : memref<128x128xf32, #tpu.memory_space<vmem>>, vector<1x16xf32>,
      %scan3A_469 = arith.constant 0 : i32
      scf.yield %scan3A_469 : i32
    }
    %scan3A_209 = arith.constant 128 : i32
    %dma_start3A_210 = arith.constant 11 : i32
    %dma_start3A_211 = arith.constant 0 : i32
    %dma_start3A_212 = tpu.memref_slice %arg5[%dma_start3A_210, %dma_start3A_211] : memref<20x128xi32, #tpu.memory_space<vmem>> -> memref<1x128xi32, #tpu.memory_space<vmem>>
    %dma_start3A_213 = tpu.memref_squeeze %dma_start3A_212 : memref<1x128xi32, #tpu.memory_space<vmem>> -> memref<128xi32, #tpu.memory_space<vmem>>
    %dma_start3A_214 = arith.constant 0 : i32
    %dma_start3A_215 = arith.constant 0 : i32
    %dma_start3A_216 = tpu.memref_slice %arg3[%dma_start3A_214, %dma_start3A_215] : memref<100000x128xf32, #tpu.memory_space<hbm>> -> memref<100000x128xf32, #tpu.memory_space<hbm>>
    tpu.enqueue_indirect_dma source(%dma_start3A_216 : memref<100000x128xf32, #tpu.memory_space<hbm>>) target(%arg7 : memref<128x128xf32, #tpu.memory_space<vmem>>) offsets(%dma_start3A_213 : memref<128xi32, #tpu.memory_space<vmem>>) semaphore(%arg9 : memref<!tpu.dma_semaphore, #tpu.memory_space<semaphore_mem>>)
    %dma_wait3A_217 = arith.constant 10 : i32
    %dma_wait3A_218 = arith.constant 0 : i32
    %dma_wait3A_219 = tpu.memref_slice %arg5[%dma_wait3A_217, %dma_wait3A_218] : memref<20x128xi32, #tpu.memory_space<vmem>> -> memref<1x128xi32, #tpu.memory_space<vmem>>
    %dma_wait3A_220 = tpu.memref_squeeze %dma_wait3A_219 : memref<1x128xi32, #tpu.memory_space<vmem>> -> memref<128xi32, #tpu.memory_space<vmem>>
    %dma_wait3A_221 = arith.constant 0 : i32
    %dma_wait3A_222 = arith.constant 0 : i32
    %dma_wait3A_223 = tpu.memref_slice %arg3[%dma_wait3A_221, %dma_wait3A_222] : memref<100000x128xf32, #tpu.memory_space<hbm>> -> memref<100000x128xf32, #tpu.memory_space<hbm>>
    tpu.wait_indirect_dma semaphore(%arg10 : memref<!tpu.dma_semaphore, #tpu.memory_space<semaphore_mem>>) src(%dma_wait3A_223 : memref<100000x128xf32, #tpu.memory_space<hbm>>) dst(%arg8 : memref<128x128xf32, #tpu.memory_space<vmem>>)
    %scan3A_224 = arith.constant 0 : i32
    %scan3A_225 = arith.constant 0 : i32
    %scan3A_226 = arith.constant 128 : i32
    %scan3A_227 = arith.addi %scan3A_225, %scan3A_226 : i32
    %scan3A_228 = arith.constant 1 : i32
    %scan3A_229 = scf.for %scan3A_413 = %scan3A_225 to %scan3A_227 step %scan3A_228 iter_args(%scan3A_414 = %scan3A_224) -> (i32)  : i32 {
      %get3A = arith.index_cast %scan3A_413 : i32 to index
      %get3A_415 = arith.constant 0 : index
      %get3A_416 = tpu.vector_load %arg6[%get3A, %get3A_415] {strides = array<i32>} : memref<128x128xf32, #tpu.memory_space<vmem>>, vector<1x16xf32>,
      %get3A_417 = vector.shape_cast %get3A_416 : vector<1x16xf32> to vector<16xf32>
      %get3A_418 = arith.index_cast %scan3A_413 : i32 to index
      %get3A_419 = arith.constant 0 : index
      %get3A_420 = tpu.vector_load %arg8[%get3A_418, %get3A_419] {strides = array<i32>} : memref<128x128xf32, #tpu.memory_space<vmem>>, vector<1x16xf32>,
      %get3A_421 = vector.shape_cast %get3A_420 : vector<1x16xf32> to vector<16xf32>
      %add3A_422 = arith.addf %get3A_417, %get3A_421 : vector<16xf32>
      %swap3A = arith.index_cast %scan3A_413 : i32 to index
      %swap3A_423 = arith.constant 0 : index
      %swap3A_424 = tpu.vector_load %arg6[%swap3A, %swap3A_423] {strides = array<i32>} : memref<128x128xf32, #tpu.memory_space<vmem>>, vector<1x16xf32>,
      %swap3A_425 = vector.shape_cast %swap3A_424 : vector<1x16xf32> to vector<16xf32>
      %swap3A_426 = vector.shape_cast %add3A_422 : vector<16xf32> to vector<1x16xf32>
      tpu.vector_store %arg6[%swap3A, %swap3A_423], %swap3A_426 {strides = array<i32>} : memref<128x128xf32, #tpu.memory_space<vmem>>, vector<1x16xf32>,
      %get3A_427 = arith.index_cast %scan3A_413 : i32 to index
      %get3A_428 = arith.constant 16 : index
      %get3A_429 = tpu.vector_load %arg6[%get3A_427, %get3A_428] {strides = array<i32>} : memref<128x128xf32, #tpu.memory_space<vmem>>, vector<1x16xf32>,
      %get3A_430 = vector.shape_cast %get3A_429 : vector<1x16xf32> to vector<16xf32>
      %get3A_431 = arith.index_cast %scan3A_413 : i32 to index
      %get3A_432 = arith.constant 16 : index
      %get3A_433 = tpu.vector_load %arg8[%get3A_431, %get3A_432] {strides = array<i32>} : memref<128x128xf32, #tpu.memory_space<vmem>>, vector<1x16xf32>,
      %get3A_434 = vector.shape_cast %get3A_433 : vector<1x16xf32> to vector<16xf32>
      %add3A_435 = arith.addf %get3A_430, %get3A_434 : vector<16xf32>
      %swap3A_436 = arith.index_cast %scan3A_413 : i32 to index
      %swap3A_437 = arith.constant 16 : index
      %swap3A_438 = tpu.vector_load %arg6[%swap3A_436, %swap3A_437] {strides = array<i32>} : memref<128x128xf32, #tpu.memory_space<vmem>>, vector<1x16xf32>,
      %swap3A_439 = vector.shape_cast %swap3A_438 : vector<1x16xf32> to vector<16xf32>
      %swap3A_440 = vector.shape_cast %add3A_435 : vector<16xf32> to vector<1x16xf32>
      tpu.vector_store %arg6[%swap3A_436, %swap3A_437], %swap3A_440 {strides = array<i32>} : memref<128x128xf32, #tpu.memory_space<vmem>>, vector<1x16xf32>,
      %get3A_441 = arith.index_cast %scan3A_413 : i32 to index
      %get3A_442 = arith.constant 32 : index
      %get3A_443 = tpu.vector_load %arg6[%get3A_441, %get3A_442] {strides = array<i32>} : memref<128x128xf32, #tpu.memory_space<vmem>>, vector<1x16xf32>,
      %get3A_444 = vector.shape_cast %get3A_443 : vector<1x16xf32> to vector<16xf32>
      %get3A_445 = arith.index_cast %scan3A_413 : i32 to index
      %get3A_446 = arith.constant 32 : index
      %get3A_447 = tpu.vector_load %arg8[%get3A_445, %get3A_446] {strides = array<i32>} : memref<128x128xf32, #tpu.memory_space<vmem>>, vector<1x16xf32>,
      %get3A_448 = vector.shape_cast %get3A_447 : vector<1x16xf32> to vector<16xf32>
      %add3A_449 = arith.addf %get3A_444, %get3A_448 : vector<16xf32>
      %swap3A_450 = arith.index_cast %scan3A_413 : i32 to index
      %swap3A_451 = arith.constant 32 : index
      %swap3A_452 = tpu.vector_load %arg6[%swap3A_450, %swap3A_451] {strides = array<i32>} : memref<128x128xf32, #tpu.memory_space<vmem>>, vector<1x16xf32>,
      %swap3A_453 = vector.shape_cast %swap3A_452 : vector<1x16xf32> to vector<16xf32>
      %swap3A_454 = vector.shape_cast %add3A_449 : vector<16xf32> to vector<1x16xf32>
      tpu.vector_store %arg6[%swap3A_450, %swap3A_451], %swap3A_454 {strides = array<i32>} : memref<128x128xf32, #tpu.memory_space<vmem>>, vector<1x16xf32>,
      %get3A_455 = arith.index_cast %scan3A_413 : i32 to index
      %get3A_456 = arith.constant 48 : index
      %get3A_457 = tpu.vector_load %arg6[%get3A_455, %get3A_456] {strides = array<i32>} : memref<128x128xf32, #tpu.memory_space<vmem>>, vector<1x16xf32>,
      %get3A_458 = vector.shape_cast %get3A_457 : vector<1x16xf32> to vector<16xf32>
      %get3A_459 = arith.index_cast %scan3A_413 : i32 to index
      %get3A_460 = arith.constant 48 : index
      %get3A_461 = tpu.vector_load %arg8[%get3A_459, %get3A_460] {strides = array<i32>} : memref<128x128xf32, #tpu.memory_space<vmem>>, vector<1x16xf32>,
      %get3A_462 = vector.shape_cast %get3A_461 : vector<1x16xf32> to vector<16xf32>
      %add3A_463 = arith.addf %get3A_458, %get3A_462 : vector<16xf32>
      %swap3A_464 = arith.index_cast %scan3A_413 : i32 to index
      %swap3A_465 = arith.constant 48 : index
      %swap3A_466 = tpu.vector_load %arg6[%swap3A_464, %swap3A_465] {strides = array<i32>} : memref<128x128xf32, #tpu.memory_space<vmem>>, vector<1x16xf32>,
      %swap3A_467 = vector.shape_cast %swap3A_466 : vector<1x16xf32> to vector<16xf32>
      %swap3A_468 = vector.shape_cast %add3A_463 : vector<16xf32> to vector<1x16xf32>
      tpu.vector_store %arg6[%swap3A_464, %swap3A_465], %swap3A_468 {strides = array<i32>} : memref<128x128xf32, #tpu.memory_space<vmem>>, vector<1x16xf32>,
      %scan3A_469 = arith.constant 0 : i32
      scf.yield %scan3A_469 : i32
    }
    %scan3A_230 = arith.constant 128 : i32
    %dma_start3A_231 = arith.constant 12 : i32
    %dma_start3A_232 = arith.constant 0 : i32
    %dma_start3A_233 = tpu.memref_slice %arg5[%dma_start3A_231, %dma_start3A_232] : memref<20x128xi32, #tpu.memory_space<vmem>> -> memref<1x128xi32, #tpu.memory_space<vmem>>
    %dma_start3A_234 = tpu.memref_squeeze %dma_start3A_233 : memref<1x128xi32, #tpu.memory_space<vmem>> -> memref<128xi32, #tpu.memory_space<vmem>>
    %dma_start3A_235 = arith.constant 0 : i32
    %dma_start3A_236 = arith.constant 0 : i32
    %dma_start3A_237 = tpu.memref_slice %arg3[%dma_start3A_235, %dma_start3A_236] : memref<100000x128xf32, #tpu.memory_space<hbm>> -> memref<100000x128xf32, #tpu.memory_space<hbm>>
    tpu.enqueue_indirect_dma source(%dma_start3A_237 : memref<100000x128xf32, #tpu.memory_space<hbm>>) target(%arg8 : memref<128x128xf32, #tpu.memory_space<vmem>>) offsets(%dma_start3A_234 : memref<128xi32, #tpu.memory_space<vmem>>) semaphore(%arg10 : memref<!tpu.dma_semaphore, #tpu.memory_space<semaphore_mem>>)
    %dma_wait3A_238 = arith.constant 11 : i32
    %dma_wait3A_239 = arith.constant 0 : i32
    %dma_wait3A_240 = tpu.memref_slice %arg5[%dma_wait3A_238, %dma_wait3A_239] : memref<20x128xi32, #tpu.memory_space<vmem>> -> memref<1x128xi32, #tpu.memory_space<vmem>>
    %dma_wait3A_241 = tpu.memref_squeeze %dma_wait3A_240 : memref<1x128xi32, #tpu.memory_space<vmem>> -> memref<128xi32, #tpu.memory_space<vmem>>
    %dma_wait3A_242 = arith.constant 0 : i32
    %dma_wait3A_243 = arith.constant 0 : i32
    %dma_wait3A_244 = tpu.memref_slice %arg3[%dma_wait3A_242, %dma_wait3A_243] : memref<100000x128xf32, #tpu.memory_space<hbm>> -> memref<100000x128xf32, #tpu.memory_space<hbm>>
    tpu.wait_indirect_dma semaphore(%arg9 : memref<!tpu.dma_semaphore, #tpu.memory_space<semaphore_mem>>) src(%dma_wait3A_244 : memref<100000x128xf32, #tpu.memory_space<hbm>>) dst(%arg7 : memref<128x128xf32, #tpu.memory_space<vmem>>)
    %scan3A_245 = arith.constant 0 : i32
    %scan3A_246 = arith.constant 0 : i32
    %scan3A_247 = arith.constant 128 : i32
    %scan3A_248 = arith.addi %scan3A_246, %scan3A_247 : i32
    %scan3A_249 = arith.constant 1 : i32
    %scan3A_250 = scf.for %scan3A_413 = %scan3A_246 to %scan3A_248 step %scan3A_249 iter_args(%scan3A_414 = %scan3A_245) -> (i32)  : i32 {
      %get3A = arith.index_cast %scan3A_413 : i32 to index
      %get3A_415 = arith.constant 0 : index
      %get3A_416 = tpu.vector_load %arg6[%get3A, %get3A_415] {strides = array<i32>} : memref<128x128xf32, #tpu.memory_space<vmem>>, vector<1x16xf32>,
      %get3A_417 = vector.shape_cast %get3A_416 : vector<1x16xf32> to vector<16xf32>
      %get3A_418 = arith.index_cast %scan3A_413 : i32 to index
      %get3A_419 = arith.constant 0 : index
      %get3A_420 = tpu.vector_load %arg7[%get3A_418, %get3A_419] {strides = array<i32>} : memref<128x128xf32, #tpu.memory_space<vmem>>, vector<1x16xf32>,
      %get3A_421 = vector.shape_cast %get3A_420 : vector<1x16xf32> to vector<16xf32>
      %add3A_422 = arith.addf %get3A_417, %get3A_421 : vector<16xf32>
      %swap3A = arith.index_cast %scan3A_413 : i32 to index
      %swap3A_423 = arith.constant 0 : index
      %swap3A_424 = tpu.vector_load %arg6[%swap3A, %swap3A_423] {strides = array<i32>} : memref<128x128xf32, #tpu.memory_space<vmem>>, vector<1x16xf32>,
      %swap3A_425 = vector.shape_cast %swap3A_424 : vector<1x16xf32> to vector<16xf32>
      %swap3A_426 = vector.shape_cast %add3A_422 : vector<16xf32> to vector<1x16xf32>
      tpu.vector_store %arg6[%swap3A, %swap3A_423], %swap3A_426 {strides = array<i32>} : memref<128x128xf32, #tpu.memory_space<vmem>>, vector<1x16xf32>,
      %get3A_427 = arith.index_cast %scan3A_413 : i32 to index
      %get3A_428 = arith.constant 16 : index
      %get3A_429 = tpu.vector_load %arg6[%get3A_427, %get3A_428] {strides = array<i32>} : memref<128x128xf32, #tpu.memory_space<vmem>>, vector<1x16xf32>,
      %get3A_430 = vector.shape_cast %get3A_429 : vector<1x16xf32> to vector<16xf32>
      %get3A_431 = arith.index_cast %scan3A_413 : i32 to index
      %get3A_432 = arith.constant 16 : index
      %get3A_433 = tpu.vector_load %arg7[%get3A_431, %get3A_432] {strides = array<i32>} : memref<128x128xf32, #tpu.memory_space<vmem>>, vector<1x16xf32>,
      %get3A_434 = vector.shape_cast %get3A_433 : vector<1x16xf32> to vector<16xf32>
      %add3A_435 = arith.addf %get3A_430, %get3A_434 : vector<16xf32>
      %swap3A_436 = arith.index_cast %scan3A_413 : i32 to index
      %swap3A_437 = arith.constant 16 : index
      %swap3A_438 = tpu.vector_load %arg6[%swap3A_436, %swap3A_437] {strides = array<i32>} : memref<128x128xf32, #tpu.memory_space<vmem>>, vector<1x16xf32>,
      %swap3A_439 = vector.shape_cast %swap3A_438 : vector<1x16xf32> to vector<16xf32>
      %swap3A_440 = vector.shape_cast %add3A_435 : vector<16xf32> to vector<1x16xf32>
      tpu.vector_store %arg6[%swap3A_436, %swap3A_437], %swap3A_440 {strides = array<i32>} : memref<128x128xf32, #tpu.memory_space<vmem>>, vector<1x16xf32>,
      %get3A_441 = arith.index_cast %scan3A_413 : i32 to index
      %get3A_442 = arith.constant 32 : index
      %get3A_443 = tpu.vector_load %arg6[%get3A_441, %get3A_442] {strides = array<i32>} : memref<128x128xf32, #tpu.memory_space<vmem>>, vector<1x16xf32>,
      %get3A_444 = vector.shape_cast %get3A_443 : vector<1x16xf32> to vector<16xf32>
      %get3A_445 = arith.index_cast %scan3A_413 : i32 to index
      %get3A_446 = arith.constant 32 : index
      %get3A_447 = tpu.vector_load %arg7[%get3A_445, %get3A_446] {strides = array<i32>} : memref<128x128xf32, #tpu.memory_space<vmem>>, vector<1x16xf32>,
      %get3A_448 = vector.shape_cast %get3A_447 : vector<1x16xf32> to vector<16xf32>
      %add3A_449 = arith.addf %get3A_444, %get3A_448 : vector<16xf32>
      %swap3A_450 = arith.index_cast %scan3A_413 : i32 to index
      %swap3A_451 = arith.constant 32 : index
      %swap3A_452 = tpu.vector_load %arg6[%swap3A_450, %swap3A_451] {strides = array<i32>} : memref<128x128xf32, #tpu.memory_space<vmem>>, vector<1x16xf32>,
      %swap3A_453 = vector.shape_cast %swap3A_452 : vector<1x16xf32> to vector<16xf32>
      %swap3A_454 = vector.shape_cast %add3A_449 : vector<16xf32> to vector<1x16xf32>
      tpu.vector_store %arg6[%swap3A_450, %swap3A_451], %swap3A_454 {strides = array<i32>} : memref<128x128xf32, #tpu.memory_space<vmem>>, vector<1x16xf32>,
      %get3A_455 = arith.index_cast %scan3A_413 : i32 to index
      %get3A_456 = arith.constant 48 : index
      %get3A_457 = tpu.vector_load %arg6[%get3A_455, %get3A_456] {strides = array<i32>} : memref<128x128xf32, #tpu.memory_space<vmem>>, vector<1x16xf32>,
      %get3A_458 = vector.shape_cast %get3A_457 : vector<1x16xf32> to vector<16xf32>
      %get3A_459 = arith.index_cast %scan3A_413 : i32 to index
      %get3A_460 = arith.constant 48 : index
      %get3A_461 = tpu.vector_load %arg7[%get3A_459, %get3A_460] {strides = array<i32>} : memref<128x128xf32, #tpu.memory_space<vmem>>, vector<1x16xf32>,
      %get3A_462 = vector.shape_cast %get3A_461 : vector<1x16xf32> to vector<16xf32>
      %add3A_463 = arith.addf %get3A_458, %get3A_462 : vector<16xf32>
      %swap3A_464 = arith.index_cast %scan3A_413 : i32 to index
      %swap3A_465 = arith.constant 48 : index
      %swap3A_466 = tpu.vector_load %arg6[%swap3A_464, %swap3A_465] {strides = array<i32>} : memref<128x128xf32, #tpu.memory_space<vmem>>, vector<1x16xf32>,
      %swap3A_467 = vector.shape_cast %swap3A_466 : vector<1x16xf32> to vector<16xf32>
      %swap3A_468 = vector.shape_cast %add3A_463 : vector<16xf32> to vector<1x16xf32>
      tpu.vector_store %arg6[%swap3A_464, %swap3A_465], %swap3A_468 {strides = array<i32>} : memref<128x128xf32, #tpu.memory_space<vmem>>, vector<1x16xf32>,
      %scan3A_469 = arith.constant 0 : i32
      scf.yield %scan3A_469 : i32
    }
    %scan3A_251 = arith.constant 128 : i32
    %dma_start3A_252 = arith.constant 13 : i32
    %dma_start3A_253 = arith.constant 0 : i32
    %dma_start3A_254 = tpu.memref_slice %arg5[%dma_start3A_252, %dma_start3A_253] : memref<20x128xi32, #tpu.memory_space<vmem>> -> memref<1x128xi32, #tpu.memory_space<vmem>>
    %dma_start3A_255 = tpu.memref_squeeze %dma_start3A_254 : memref<1x128xi32, #tpu.memory_space<vmem>> -> memref<128xi32, #tpu.memory_space<vmem>>
    %dma_start3A_256 = arith.constant 0 : i32
    %dma_start3A_257 = arith.constant 0 : i32
    %dma_start3A_258 = tpu.memref_slice %arg3[%dma_start3A_256, %dma_start3A_257] : memref<100000x128xf32, #tpu.memory_space<hbm>> -> memref<100000x128xf32, #tpu.memory_space<hbm>>
    tpu.enqueue_indirect_dma source(%dma_start3A_258 : memref<100000x128xf32, #tpu.memory_space<hbm>>) target(%arg7 : memref<128x128xf32, #tpu.memory_space<vmem>>) offsets(%dma_start3A_255 : memref<128xi32, #tpu.memory_space<vmem>>) semaphore(%arg9 : memref<!tpu.dma_semaphore, #tpu.memory_space<semaphore_mem>>)
    %dma_wait3A_259 = arith.constant 12 : i32
    %dma_wait3A_260 = arith.constant 0 : i32
    %dma_wait3A_261 = tpu.memref_slice %arg5[%dma_wait3A_259, %dma_wait3A_260] : memref<20x128xi32, #tpu.memory_space<vmem>> -> memref<1x128xi32, #tpu.memory_space<vmem>>
    %dma_wait3A_262 = tpu.memref_squeeze %dma_wait3A_261 : memref<1x128xi32, #tpu.memory_space<vmem>> -> memref<128xi32, #tpu.memory_space<vmem>>
    %dma_wait3A_263 = arith.constant 0 : i32
    %dma_wait3A_264 = arith.constant 0 : i32
    %dma_wait3A_265 = tpu.memref_slice %arg3[%dma_wait3A_263, %dma_wait3A_264] : memref<100000x128xf32, #tpu.memory_space<hbm>> -> memref<100000x128xf32, #tpu.memory_space<hbm>>
    tpu.wait_indirect_dma semaphore(%arg10 : memref<!tpu.dma_semaphore, #tpu.memory_space<semaphore_mem>>) src(%dma_wait3A_265 : memref<100000x128xf32, #tpu.memory_space<hbm>>) dst(%arg8 : memref<128x128xf32, #tpu.memory_space<vmem>>)
    %scan3A_266 = arith.constant 0 : i32
    %scan3A_267 = arith.constant 0 : i32
    %scan3A_268 = arith.constant 128 : i32
    %scan3A_269 = arith.addi %scan3A_267, %scan3A_268 : i32
    %scan3A_270 = arith.constant 1 : i32
    %scan3A_271 = scf.for %scan3A_413 = %scan3A_267 to %scan3A_269 step %scan3A_270 iter_args(%scan3A_414 = %scan3A_266) -> (i32)  : i32 {
      %get3A = arith.index_cast %scan3A_413 : i32 to index
      %get3A_415 = arith.constant 0 : index
      %get3A_416 = tpu.vector_load %arg6[%get3A, %get3A_415] {strides = array<i32>} : memref<128x128xf32, #tpu.memory_space<vmem>>, vector<1x16xf32>,
      %get3A_417 = vector.shape_cast %get3A_416 : vector<1x16xf32> to vector<16xf32>
      %get3A_418 = arith.index_cast %scan3A_413 : i32 to index
      %get3A_419 = arith.constant 0 : index
      %get3A_420 = tpu.vector_load %arg8[%get3A_418, %get3A_419] {strides = array<i32>} : memref<128x128xf32, #tpu.memory_space<vmem>>, vector<1x16xf32>,
      %get3A_421 = vector.shape_cast %get3A_420 : vector<1x16xf32> to vector<16xf32>
      %add3A_422 = arith.addf %get3A_417, %get3A_421 : vector<16xf32>
      %swap3A = arith.index_cast %scan3A_413 : i32 to index
      %swap3A_423 = arith.constant 0 : index
      %swap3A_424 = tpu.vector_load %arg6[%swap3A, %swap3A_423] {strides = array<i32>} : memref<128x128xf32, #tpu.memory_space<vmem>>, vector<1x16xf32>,
      %swap3A_425 = vector.shape_cast %swap3A_424 : vector<1x16xf32> to vector<16xf32>
      %swap3A_426 = vector.shape_cast %add3A_422 : vector<16xf32> to vector<1x16xf32>
      tpu.vector_store %arg6[%swap3A, %swap3A_423], %swap3A_426 {strides = array<i32>} : memref<128x128xf32, #tpu.memory_space<vmem>>, vector<1x16xf32>,
      %get3A_427 = arith.index_cast %scan3A_413 : i32 to index
      %get3A_428 = arith.constant 16 : index
      %get3A_429 = tpu.vector_load %arg6[%get3A_427, %get3A_428] {strides = array<i32>} : memref<128x128xf32, #tpu.memory_space<vmem>>, vector<1x16xf32>,
      %get3A_430 = vector.shape_cast %get3A_429 : vector<1x16xf32> to vector<16xf32>
      %get3A_431 = arith.index_cast %scan3A_413 : i32 to index
      %get3A_432 = arith.constant 16 : index
      %get3A_433 = tpu.vector_load %arg8[%get3A_431, %get3A_432] {strides = array<i32>} : memref<128x128xf32, #tpu.memory_space<vmem>>, vector<1x16xf32>,
      %get3A_434 = vector.shape_cast %get3A_433 : vector<1x16xf32> to vector<16xf32>
      %add3A_435 = arith.addf %get3A_430, %get3A_434 : vector<16xf32>
      %swap3A_436 = arith.index_cast %scan3A_413 : i32 to index
      %swap3A_437 = arith.constant 16 : index
      %swap3A_438 = tpu.vector_load %arg6[%swap3A_436, %swap3A_437] {strides = array<i32>} : memref<128x128xf32, #tpu.memory_space<vmem>>, vector<1x16xf32>,
      %swap3A_439 = vector.shape_cast %swap3A_438 : vector<1x16xf32> to vector<16xf32>
      %swap3A_440 = vector.shape_cast %add3A_435 : vector<16xf32> to vector<1x16xf32>
      tpu.vector_store %arg6[%swap3A_436, %swap3A_437], %swap3A_440 {strides = array<i32>} : memref<128x128xf32, #tpu.memory_space<vmem>>, vector<1x16xf32>,
      %get3A_441 = arith.index_cast %scan3A_413 : i32 to index
      %get3A_442 = arith.constant 32 : index
      %get3A_443 = tpu.vector_load %arg6[%get3A_441, %get3A_442] {strides = array<i32>} : memref<128x128xf32, #tpu.memory_space<vmem>>, vector<1x16xf32>,
      %get3A_444 = vector.shape_cast %get3A_443 : vector<1x16xf32> to vector<16xf32>
      %get3A_445 = arith.index_cast %scan3A_413 : i32 to index
      %get3A_446 = arith.constant 32 : index
      %get3A_447 = tpu.vector_load %arg8[%get3A_445, %get3A_446] {strides = array<i32>} : memref<128x128xf32, #tpu.memory_space<vmem>>, vector<1x16xf32>,
      %get3A_448 = vector.shape_cast %get3A_447 : vector<1x16xf32> to vector<16xf32>
      %add3A_449 = arith.addf %get3A_444, %get3A_448 : vector<16xf32>
      %swap3A_450 = arith.index_cast %scan3A_413 : i32 to index
      %swap3A_451 = arith.constant 32 : index
      %swap3A_452 = tpu.vector_load %arg6[%swap3A_450, %swap3A_451] {strides = array<i32>} : memref<128x128xf32, #tpu.memory_space<vmem>>, vector<1x16xf32>,
      %swap3A_453 = vector.shape_cast %swap3A_452 : vector<1x16xf32> to vector<16xf32>
      %swap3A_454 = vector.shape_cast %add3A_449 : vector<16xf32> to vector<1x16xf32>
      tpu.vector_store %arg6[%swap3A_450, %swap3A_451], %swap3A_454 {strides = array<i32>} : memref<128x128xf32, #tpu.memory_space<vmem>>, vector<1x16xf32>,
      %get3A_455 = arith.index_cast %scan3A_413 : i32 to index
      %get3A_456 = arith.constant 48 : index
      %get3A_457 = tpu.vector_load %arg6[%get3A_455, %get3A_456] {strides = array<i32>} : memref<128x128xf32, #tpu.memory_space<vmem>>, vector<1x16xf32>,
      %get3A_458 = vector.shape_cast %get3A_457 : vector<1x16xf32> to vector<16xf32>
      %get3A_459 = arith.index_cast %scan3A_413 : i32 to index
      %get3A_460 = arith.constant 48 : index
      %get3A_461 = tpu.vector_load %arg8[%get3A_459, %get3A_460] {strides = array<i32>} : memref<128x128xf32, #tpu.memory_space<vmem>>, vector<1x16xf32>,
      %get3A_462 = vector.shape_cast %get3A_461 : vector<1x16xf32> to vector<16xf32>
      %add3A_463 = arith.addf %get3A_458, %get3A_462 : vector<16xf32>
      %swap3A_464 = arith.index_cast %scan3A_413 : i32 to index
      %swap3A_465 = arith.constant 48 : index
      %swap3A_466 = tpu.vector_load %arg6[%swap3A_464, %swap3A_465] {strides = array<i32>} : memref<128x128xf32, #tpu.memory_space<vmem>>, vector<1x16xf32>,
      %swap3A_467 = vector.shape_cast %swap3A_466 : vector<1x16xf32> to vector<16xf32>
      %swap3A_468 = vector.shape_cast %add3A_463 : vector<16xf32> to vector<1x16xf32>
      tpu.vector_store %arg6[%swap3A_464, %swap3A_465], %swap3A_468 {strides = array<i32>} : memref<128x128xf32, #tpu.memory_space<vmem>>, vector<1x16xf32>,
      %scan3A_469 = arith.constant 0 : i32
      scf.yield %scan3A_469 : i32
    }
    %scan3A_272 = arith.constant 128 : i32
    %dma_start3A_273 = arith.constant 14 : i32
    %dma_start3A_274 = arith.constant 0 : i32
    %dma_start3A_275 = tpu.memref_slice %arg5[%dma_start3A_273, %dma_start3A_274] : memref<20x128xi32, #tpu.memory_space<vmem>> -> memref<1x128xi32, #tpu.memory_space<vmem>>
    %dma_start3A_276 = tpu.memref_squeeze %dma_start3A_275 : memref<1x128xi32, #tpu.memory_space<vmem>> -> memref<128xi32, #tpu.memory_space<vmem>>
    %dma_start3A_277 = arith.constant 0 : i32
    %dma_start3A_278 = arith.constant 0 : i32
    %dma_start3A_279 = tpu.memref_slice %arg3[%dma_start3A_277, %dma_start3A_278] : memref<100000x128xf32, #tpu.memory_space<hbm>> -> memref<100000x128xf32, #tpu.memory_space<hbm>>
    tpu.enqueue_indirect_dma source(%dma_start3A_279 : memref<100000x128xf32, #tpu.memory_space<hbm>>) target(%arg8 : memref<128x128xf32, #tpu.memory_space<vmem>>) offsets(%dma_start3A_276 : memref<128xi32, #tpu.memory_space<vmem>>) semaphore(%arg10 : memref<!tpu.dma_semaphore, #tpu.memory_space<semaphore_mem>>)
    %dma_wait3A_280 = arith.constant 13 : i32
    %dma_wait3A_281 = arith.constant 0 : i32
    %dma_wait3A_282 = tpu.memref_slice %arg5[%dma_wait3A_280, %dma_wait3A_281] : memref<20x128xi32, #tpu.memory_space<vmem>> -> memref<1x128xi32, #tpu.memory_space<vmem>>
    %dma_wait3A_283 = tpu.memref_squeeze %dma_wait3A_282 : memref<1x128xi32, #tpu.memory_space<vmem>> -> memref<128xi32, #tpu.memory_space<vmem>>
    %dma_wait3A_284 = arith.constant 0 : i32
    %dma_wait3A_285 = arith.constant 0 : i32
    %dma_wait3A_286 = tpu.memref_slice %arg3[%dma_wait3A_284, %dma_wait3A_285] : memref<100000x128xf32, #tpu.memory_space<hbm>> -> memref<100000x128xf32, #tpu.memory_space<hbm>>
    tpu.wait_indirect_dma semaphore(%arg9 : memref<!tpu.dma_semaphore, #tpu.memory_space<semaphore_mem>>) src(%dma_wait3A_286 : memref<100000x128xf32, #tpu.memory_space<hbm>>) dst(%arg7 : memref<128x128xf32, #tpu.memory_space<vmem>>)
    %scan3A_287 = arith.constant 0 : i32
    %scan3A_288 = arith.constant 0 : i32
    %scan3A_289 = arith.constant 128 : i32
    %scan3A_290 = arith.addi %scan3A_288, %scan3A_289 : i32
    %scan3A_291 = arith.constant 1 : i32
    %scan3A_292 = scf.for %scan3A_413 = %scan3A_288 to %scan3A_290 step %scan3A_291 iter_args(%scan3A_414 = %scan3A_287) -> (i32)  : i32 {
      %get3A = arith.index_cast %scan3A_413 : i32 to index
      %get3A_415 = arith.constant 0 : index
      %get3A_416 = tpu.vector_load %arg6[%get3A, %get3A_415] {strides = array<i32>} : memref<128x128xf32, #tpu.memory_space<vmem>>, vector<1x16xf32>,
      %get3A_417 = vector.shape_cast %get3A_416 : vector<1x16xf32> to vector<16xf32>
      %get3A_418 = arith.index_cast %scan3A_413 : i32 to index
      %get3A_419 = arith.constant 0 : index
      %get3A_420 = tpu.vector_load %arg7[%get3A_418, %get3A_419] {strides = array<i32>} : memref<128x128xf32, #tpu.memory_space<vmem>>, vector<1x16xf32>,
      %get3A_421 = vector.shape_cast %get3A_420 : vector<1x16xf32> to vector<16xf32>
      %add3A_422 = arith.addf %get3A_417, %get3A_421 : vector<16xf32>
      %swap3A = arith.index_cast %scan3A_413 : i32 to index
      %swap3A_423 = arith.constant 0 : index
      %swap3A_424 = tpu.vector_load %arg6[%swap3A, %swap3A_423] {strides = array<i32>} : memref<128x128xf32, #tpu.memory_space<vmem>>, vector<1x16xf32>,
      %swap3A_425 = vector.shape_cast %swap3A_424 : vector<1x16xf32> to vector<16xf32>
      %swap3A_426 = vector.shape_cast %add3A_422 : vector<16xf32> to vector<1x16xf32>
      tpu.vector_store %arg6[%swap3A, %swap3A_423], %swap3A_426 {strides = array<i32>} : memref<128x128xf32, #tpu.memory_space<vmem>>, vector<1x16xf32>,
      %get3A_427 = arith.index_cast %scan3A_413 : i32 to index
      %get3A_428 = arith.constant 16 : index
      %get3A_429 = tpu.vector_load %arg6[%get3A_427, %get3A_428] {strides = array<i32>} : memref<128x128xf32, #tpu.memory_space<vmem>>, vector<1x16xf32>,
      %get3A_430 = vector.shape_cast %get3A_429 : vector<1x16xf32> to vector<16xf32>
      %get3A_431 = arith.index_cast %scan3A_413 : i32 to index
      %get3A_432 = arith.constant 16 : index
      %get3A_433 = tpu.vector_load %arg7[%get3A_431, %get3A_432] {strides = array<i32>} : memref<128x128xf32, #tpu.memory_space<vmem>>, vector<1x16xf32>,
      %get3A_434 = vector.shape_cast %get3A_433 : vector<1x16xf32> to vector<16xf32>
      %add3A_435 = arith.addf %get3A_430, %get3A_434 : vector<16xf32>
      %swap3A_436 = arith.index_cast %scan3A_413 : i32 to index
      %swap3A_437 = arith.constant 16 : index
      %swap3A_438 = tpu.vector_load %arg6[%swap3A_436, %swap3A_437] {strides = array<i32>} : memref<128x128xf32, #tpu.memory_space<vmem>>, vector<1x16xf32>,
      %swap3A_439 = vector.shape_cast %swap3A_438 : vector<1x16xf32> to vector<16xf32>
      %swap3A_440 = vector.shape_cast %add3A_435 : vector<16xf32> to vector<1x16xf32>
      tpu.vector_store %arg6[%swap3A_436, %swap3A_437], %swap3A_440 {strides = array<i32>} : memref<128x128xf32, #tpu.memory_space<vmem>>, vector<1x16xf32>,
      %get3A_441 = arith.index_cast %scan3A_413 : i32 to index
      %get3A_442 = arith.constant 32 : index
      %get3A_443 = tpu.vector_load %arg6[%get3A_441, %get3A_442] {strides = array<i32>} : memref<128x128xf32, #tpu.memory_space<vmem>>, vector<1x16xf32>,
      %get3A_444 = vector.shape_cast %get3A_443 : vector<1x16xf32> to vector<16xf32>
      %get3A_445 = arith.index_cast %scan3A_413 : i32 to index
      %get3A_446 = arith.constant 32 : index
      %get3A_447 = tpu.vector_load %arg7[%get3A_445, %get3A_446] {strides = array<i32>} : memref<128x128xf32, #tpu.memory_space<vmem>>, vector<1x16xf32>,
      %get3A_448 = vector.shape_cast %get3A_447 : vector<1x16xf32> to vector<16xf32>
      %add3A_449 = arith.addf %get3A_444, %get3A_448 : vector<16xf32>
      %swap3A_450 = arith.index_cast %scan3A_413 : i32 to index
      %swap3A_451 = arith.constant 32 : index
      %swap3A_452 = tpu.vector_load %arg6[%swap3A_450, %swap3A_451] {strides = array<i32>} : memref<128x128xf32, #tpu.memory_space<vmem>>, vector<1x16xf32>,
      %swap3A_453 = vector.shape_cast %swap3A_452 : vector<1x16xf32> to vector<16xf32>
      %swap3A_454 = vector.shape_cast %add3A_449 : vector<16xf32> to vector<1x16xf32>
      tpu.vector_store %arg6[%swap3A_450, %swap3A_451], %swap3A_454 {strides = array<i32>} : memref<128x128xf32, #tpu.memory_space<vmem>>, vector<1x16xf32>,
      %get3A_455 = arith.index_cast %scan3A_413 : i32 to index
      %get3A_456 = arith.constant 48 : index
      %get3A_457 = tpu.vector_load %arg6[%get3A_455, %get3A_456] {strides = array<i32>} : memref<128x128xf32, #tpu.memory_space<vmem>>, vector<1x16xf32>,
      %get3A_458 = vector.shape_cast %get3A_457 : vector<1x16xf32> to vector<16xf32>
      %get3A_459 = arith.index_cast %scan3A_413 : i32 to index
      %get3A_460 = arith.constant 48 : index
      %get3A_461 = tpu.vector_load %arg7[%get3A_459, %get3A_460] {strides = array<i32>} : memref<128x128xf32, #tpu.memory_space<vmem>>, vector<1x16xf32>,
      %get3A_462 = vector.shape_cast %get3A_461 : vector<1x16xf32> to vector<16xf32>
      %add3A_463 = arith.addf %get3A_458, %get3A_462 : vector<16xf32>
      %swap3A_464 = arith.index_cast %scan3A_413 : i32 to index
      %swap3A_465 = arith.constant 48 : index
      %swap3A_466 = tpu.vector_load %arg6[%swap3A_464, %swap3A_465] {strides = array<i32>} : memref<128x128xf32, #tpu.memory_space<vmem>>, vector<1x16xf32>,
      %swap3A_467 = vector.shape_cast %swap3A_466 : vector<1x16xf32> to vector<16xf32>
      %swap3A_468 = vector.shape_cast %add3A_463 : vector<16xf32> to vector<1x16xf32>
      tpu.vector_store %arg6[%swap3A_464, %swap3A_465], %swap3A_468 {strides = array<i32>} : memref<128x128xf32, #tpu.memory_space<vmem>>, vector<1x16xf32>,
      %scan3A_469 = arith.constant 0 : i32
      scf.yield %scan3A_469 : i32
    }
    %scan3A_293 = arith.constant 128 : i32
    %dma_start3A_294 = arith.constant 15 : i32
    %dma_start3A_295 = arith.constant 0 : i32
    %dma_start3A_296 = tpu.memref_slice %arg5[%dma_start3A_294, %dma_start3A_295] : memref<20x128xi32, #tpu.memory_space<vmem>> -> memref<1x128xi32, #tpu.memory_space<vmem>>
    %dma_start3A_297 = tpu.memref_squeeze %dma_start3A_296 : memref<1x128xi32, #tpu.memory_space<vmem>> -> memref<128xi32, #tpu.memory_space<vmem>>
    %dma_start3A_298 = arith.constant 0 : i32
    %dma_start3A_299 = arith.constant 0 : i32
    %dma_start3A_300 = tpu.memref_slice %arg3[%dma_start3A_298, %dma_start3A_299] : memref<100000x128xf32, #tpu.memory_space<hbm>> -> memref<100000x128xf32, #tpu.memory_space<hbm>>
    tpu.enqueue_indirect_dma source(%dma_start3A_300 : memref<100000x128xf32, #tpu.memory_space<hbm>>) target(%arg7 : memref<128x128xf32, #tpu.memory_space<vmem>>) offsets(%dma_start3A_297 : memref<128xi32, #tpu.memory_space<vmem>>) semaphore(%arg9 : memref<!tpu.dma_semaphore, #tpu.memory_space<semaphore_mem>>)
    %dma_wait3A_301 = arith.constant 14 : i32
    %dma_wait3A_302 = arith.constant 0 : i32
    %dma_wait3A_303 = tpu.memref_slice %arg5[%dma_wait3A_301, %dma_wait3A_302] : memref<20x128xi32, #tpu.memory_space<vmem>> -> memref<1x128xi32, #tpu.memory_space<vmem>>
    %dma_wait3A_304 = tpu.memref_squeeze %dma_wait3A_303 : memref<1x128xi32, #tpu.memory_space<vmem>> -> memref<128xi32, #tpu.memory_space<vmem>>
    %dma_wait3A_305 = arith.constant 0 : i32
    %dma_wait3A_306 = arith.constant 0 : i32
    %dma_wait3A_307 = tpu.memref_slice %arg3[%dma_wait3A_305, %dma_wait3A_306] : memref<100000x128xf32, #tpu.memory_space<hbm>> -> memref<100000x128xf32, #tpu.memory_space<hbm>>
    tpu.wait_indirect_dma semaphore(%arg10 : memref<!tpu.dma_semaphore, #tpu.memory_space<semaphore_mem>>) src(%dma_wait3A_307 : memref<100000x128xf32, #tpu.memory_space<hbm>>) dst(%arg8 : memref<128x128xf32, #tpu.memory_space<vmem>>)
    %scan3A_308 = arith.constant 0 : i32
    %scan3A_309 = arith.constant 0 : i32
    %scan3A_310 = arith.constant 128 : i32
    %scan3A_311 = arith.addi %scan3A_309, %scan3A_310 : i32
    %scan3A_312 = arith.constant 1 : i32
    %scan3A_313 = scf.for %scan3A_413 = %scan3A_309 to %scan3A_311 step %scan3A_312 iter_args(%scan3A_414 = %scan3A_308) -> (i32)  : i32 {
      %get3A = arith.index_cast %scan3A_413 : i32 to index
      %get3A_415 = arith.constant 0 : index
      %get3A_416 = tpu.vector_load %arg6[%get3A, %get3A_415] {strides = array<i32>} : memref<128x128xf32, #tpu.memory_space<vmem>>, vector<1x16xf32>,
      %get3A_417 = vector.shape_cast %get3A_416 : vector<1x16xf32> to vector<16xf32>
      %get3A_418 = arith.index_cast %scan3A_413 : i32 to index
      %get3A_419 = arith.constant 0 : index
      %get3A_420 = tpu.vector_load %arg8[%get3A_418, %get3A_419] {strides = array<i32>} : memref<128x128xf32, #tpu.memory_space<vmem>>, vector<1x16xf32>,
      %get3A_421 = vector.shape_cast %get3A_420 : vector<1x16xf32> to vector<16xf32>
      %add3A_422 = arith.addf %get3A_417, %get3A_421 : vector<16xf32>
      %swap3A = arith.index_cast %scan3A_413 : i32 to index
      %swap3A_423 = arith.constant 0 : index
      %swap3A_424 = tpu.vector_load %arg6[%swap3A, %swap3A_423] {strides = array<i32>} : memref<128x128xf32, #tpu.memory_space<vmem>>, vector<1x16xf32>,
      %swap3A_425 = vector.shape_cast %swap3A_424 : vector<1x16xf32> to vector<16xf32>
      %swap3A_426 = vector.shape_cast %add3A_422 : vector<16xf32> to vector<1x16xf32>
      tpu.vector_store %arg6[%swap3A, %swap3A_423], %swap3A_426 {strides = array<i32>} : memref<128x128xf32, #tpu.memory_space<vmem>>, vector<1x16xf32>,
      %get3A_427 = arith.index_cast %scan3A_413 : i32 to index
      %get3A_428 = arith.constant 16 : index
      %get3A_429 = tpu.vector_load %arg6[%get3A_427, %get3A_428] {strides = array<i32>} : memref<128x128xf32, #tpu.memory_space<vmem>>, vector<1x16xf32>,
      %get3A_430 = vector.shape_cast %get3A_429 : vector<1x16xf32> to vector<16xf32>
      %get3A_431 = arith.index_cast %scan3A_413 : i32 to index
      %get3A_432 = arith.constant 16 : index
      %get3A_433 = tpu.vector_load %arg8[%get3A_431, %get3A_432] {strides = array<i32>} : memref<128x128xf32, #tpu.memory_space<vmem>>, vector<1x16xf32>,
      %get3A_434 = vector.shape_cast %get3A_433 : vector<1x16xf32> to vector<16xf32>
      %add3A_435 = arith.addf %get3A_430, %get3A_434 : vector<16xf32>
      %swap3A_436 = arith.index_cast %scan3A_413 : i32 to index
      %swap3A_437 = arith.constant 16 : index
      %swap3A_438 = tpu.vector_load %arg6[%swap3A_436, %swap3A_437] {strides = array<i32>} : memref<128x128xf32, #tpu.memory_space<vmem>>, vector<1x16xf32>,
      %swap3A_439 = vector.shape_cast %swap3A_438 : vector<1x16xf32> to vector<16xf32>
      %swap3A_440 = vector.shape_cast %add3A_435 : vector<16xf32> to vector<1x16xf32>
      tpu.vector_store %arg6[%swap3A_436, %swap3A_437], %swap3A_440 {strides = array<i32>} : memref<128x128xf32, #tpu.memory_space<vmem>>, vector<1x16xf32>,
      %get3A_441 = arith.index_cast %scan3A_413 : i32 to index
      %get3A_442 = arith.constant 32 : index
      %get3A_443 = tpu.vector_load %arg6[%get3A_441, %get3A_442] {strides = array<i32>} : memref<128x128xf32, #tpu.memory_space<vmem>>, vector<1x16xf32>,
      %get3A_444 = vector.shape_cast %get3A_443 : vector<1x16xf32> to vector<16xf32>
      %get3A_445 = arith.index_cast %scan3A_413 : i32 to index
      %get3A_446 = arith.constant 32 : index
      %get3A_447 = tpu.vector_load %arg8[%get3A_445, %get3A_446] {strides = array<i32>} : memref<128x128xf32, #tpu.memory_space<vmem>>, vector<1x16xf32>,
      %get3A_448 = vector.shape_cast %get3A_447 : vector<1x16xf32> to vector<16xf32>
      %add3A_449 = arith.addf %get3A_444, %get3A_448 : vector<16xf32>
      %swap3A_450 = arith.index_cast %scan3A_413 : i32 to index
      %swap3A_451 = arith.constant 32 : index
      %swap3A_452 = tpu.vector_load %arg6[%swap3A_450, %swap3A_451] {strides = array<i32>} : memref<128x128xf32, #tpu.memory_space<vmem>>, vector<1x16xf32>,
      %swap3A_453 = vector.shape_cast %swap3A_452 : vector<1x16xf32> to vector<16xf32>
      %swap3A_454 = vector.shape_cast %add3A_449 : vector<16xf32> to vector<1x16xf32>
      tpu.vector_store %arg6[%swap3A_450, %swap3A_451], %swap3A_454 {strides = array<i32>} : memref<128x128xf32, #tpu.memory_space<vmem>>, vector<1x16xf32>,
      %get3A_455 = arith.index_cast %scan3A_413 : i32 to index
      %get3A_456 = arith.constant 48 : index
      %get3A_457 = tpu.vector_load %arg6[%get3A_455, %get3A_456] {strides = array<i32>} : memref<128x128xf32, #tpu.memory_space<vmem>>, vector<1x16xf32>,
      %get3A_458 = vector.shape_cast %get3A_457 : vector<1x16xf32> to vector<16xf32>
      %get3A_459 = arith.index_cast %scan3A_413 : i32 to index
      %get3A_460 = arith.constant 48 : index
      %get3A_461 = tpu.vector_load %arg8[%get3A_459, %get3A_460] {strides = array<i32>} : memref<128x128xf32, #tpu.memory_space<vmem>>, vector<1x16xf32>,
      %get3A_462 = vector.shape_cast %get3A_461 : vector<1x16xf32> to vector<16xf32>
      %add3A_463 = arith.addf %get3A_458, %get3A_462 : vector<16xf32>
      %swap3A_464 = arith.index_cast %scan3A_413 : i32 to index
      %swap3A_465 = arith.constant 48 : index
      %swap3A_466 = tpu.vector_load %arg6[%swap3A_464, %swap3A_465] {strides = array<i32>} : memref<128x128xf32, #tpu.memory_space<vmem>>, vector<1x16xf32>,
      %swap3A_467 = vector.shape_cast %swap3A_466 : vector<1x16xf32> to vector<16xf32>
      %swap3A_468 = vector.shape_cast %add3A_463 : vector<16xf32> to vector<1x16xf32>
      tpu.vector_store %arg6[%swap3A_464, %swap3A_465], %swap3A_468 {strides = array<i32>} : memref<128x128xf32, #tpu.memory_space<vmem>>, vector<1x16xf32>,
      %scan3A_469 = arith.constant 0 : i32
      scf.yield %scan3A_469 : i32
    }
    %scan3A_314 = arith.constant 128 : i32
    %dma_start3A_315 = arith.constant 16 : i32
    %dma_start3A_316 = arith.constant 0 : i32
    %dma_start3A_317 = tpu.memref_slice %arg5[%dma_start3A_315, %dma_start3A_316] : memref<20x128xi32, #tpu.memory_space<vmem>> -> memref<1x128xi32, #tpu.memory_space<vmem>>
    %dma_start3A_318 = tpu.memref_squeeze %dma_start3A_317 : memref<1x128xi32, #tpu.memory_space<vmem>> -> memref<128xi32, #tpu.memory_space<vmem>>
    %dma_start3A_319 = arith.constant 0 : i32
    %dma_start3A_320 = arith.constant 0 : i32
    %dma_start3A_321 = tpu.memref_slice %arg3[%dma_start3A_319, %dma_start3A_320] : memref<100000x128xf32, #tpu.memory_space<hbm>> -> memref<100000x128xf32, #tpu.memory_space<hbm>>
    tpu.enqueue_indirect_dma source(%dma_start3A_321 : memref<100000x128xf32, #tpu.memory_space<hbm>>) target(%arg8 : memref<128x128xf32, #tpu.memory_space<vmem>>) offsets(%dma_start3A_318 : memref<128xi32, #tpu.memory_space<vmem>>) semaphore(%arg10 : memref<!tpu.dma_semaphore, #tpu.memory_space<semaphore_mem>>)
    %dma_wait3A_322 = arith.constant 15 : i32
    %dma_wait3A_323 = arith.constant 0 : i32
    %dma_wait3A_324 = tpu.memref_slice %arg5[%dma_wait3A_322, %dma_wait3A_323] : memref<20x128xi32, #tpu.memory_space<vmem>> -> memref<1x128xi32, #tpu.memory_space<vmem>>
    %dma_wait3A_325 = tpu.memref_squeeze %dma_wait3A_324 : memref<1x128xi32, #tpu.memory_space<vmem>> -> memref<128xi32, #tpu.memory_space<vmem>>
    %dma_wait3A_326 = arith.constant 0 : i32
    %dma_wait3A_327 = arith.constant 0 : i32
    %dma_wait3A_328 = tpu.memref_slice %arg3[%dma_wait3A_326, %dma_wait3A_327] : memref<100000x128xf32, #tpu.memory_space<hbm>> -> memref<100000x128xf32, #tpu.memory_space<hbm>>
    tpu.wait_indirect_dma semaphore(%arg9 : memref<!tpu.dma_semaphore, #tpu.memory_space<semaphore_mem>>) src(%dma_wait3A_328 : memref<100000x128xf32, #tpu.memory_space<hbm>>) dst(%arg7 : memref<128x128xf32, #tpu.memory_space<vmem>>)
    %scan3A_329 = arith.constant 0 : i32
    %scan3A_330 = arith.constant 0 : i32
    %scan3A_331 = arith.constant 128 : i32
    %scan3A_332 = arith.addi %scan3A_330, %scan3A_331 : i32
    %scan3A_333 = arith.constant 1 : i32
    %scan3A_334 = scf.for %scan3A_413 = %scan3A_330 to %scan3A_332 step %scan3A_333 iter_args(%scan3A_414 = %scan3A_329) -> (i32)  : i32 {
      %get3A = arith.index_cast %scan3A_413 : i32 to index
      %get3A_415 = arith.constant 0 : index
      %get3A_416 = tpu.vector_load %arg6[%get3A, %get3A_415] {strides = array<i32>} : memref<128x128xf32, #tpu.memory_space<vmem>>, vector<1x16xf32>,
      %get3A_417 = vector.shape_cast %get3A_416 : vector<1x16xf32> to vector<16xf32>
      %get3A_418 = arith.index_cast %scan3A_413 : i32 to index
      %get3A_419 = arith.constant 0 : index
      %get3A_420 = tpu.vector_load %arg7[%get3A_418, %get3A_419] {strides = array<i32>} : memref<128x128xf32, #tpu.memory_space<vmem>>, vector<1x16xf32>,
      %get3A_421 = vector.shape_cast %get3A_420 : vector<1x16xf32> to vector<16xf32>
      %add3A_422 = arith.addf %get3A_417, %get3A_421 : vector<16xf32>
      %swap3A = arith.index_cast %scan3A_413 : i32 to index
      %swap3A_423 = arith.constant 0 : index
      %swap3A_424 = tpu.vector_load %arg6[%swap3A, %swap3A_423] {strides = array<i32>} : memref<128x128xf32, #tpu.memory_space<vmem>>, vector<1x16xf32>,
      %swap3A_425 = vector.shape_cast %swap3A_424 : vector<1x16xf32> to vector<16xf32>
      %swap3A_426 = vector.shape_cast %add3A_422 : vector<16xf32> to vector<1x16xf32>
      tpu.vector_store %arg6[%swap3A, %swap3A_423], %swap3A_426 {strides = array<i32>} : memref<128x128xf32, #tpu.memory_space<vmem>>, vector<1x16xf32>,
      %get3A_427 = arith.index_cast %scan3A_413 : i32 to index
      %get3A_428 = arith.constant 16 : index
      %get3A_429 = tpu.vector_load %arg6[%get3A_427, %get3A_428] {strides = array<i32>} : memref<128x128xf32, #tpu.memory_space<vmem>>, vector<1x16xf32>,
      %get3A_430 = vector.shape_cast %get3A_429 : vector<1x16xf32> to vector<16xf32>
      %get3A_431 = arith.index_cast %scan3A_413 : i32 to index
      %get3A_432 = arith.constant 16 : index
      %get3A_433 = tpu.vector_load %arg7[%get3A_431, %get3A_432] {strides = array<i32>} : memref<128x128xf32, #tpu.memory_space<vmem>>, vector<1x16xf32>,
      %get3A_434 = vector.shape_cast %get3A_433 : vector<1x16xf32> to vector<16xf32>
      %add3A_435 = arith.addf %get3A_430, %get3A_434 : vector<16xf32>
      %swap3A_436 = arith.index_cast %scan3A_413 : i32 to index
      %swap3A_437 = arith.constant 16 : index
      %swap3A_438 = tpu.vector_load %arg6[%swap3A_436, %swap3A_437] {strides = array<i32>} : memref<128x128xf32, #tpu.memory_space<vmem>>, vector<1x16xf32>,
      %swap3A_439 = vector.shape_cast %swap3A_438 : vector<1x16xf32> to vector<16xf32>
      %swap3A_440 = vector.shape_cast %add3A_435 : vector<16xf32> to vector<1x16xf32>
      tpu.vector_store %arg6[%swap3A_436, %swap3A_437], %swap3A_440 {strides = array<i32>} : memref<128x128xf32, #tpu.memory_space<vmem>>, vector<1x16xf32>,
      %get3A_441 = arith.index_cast %scan3A_413 : i32 to index
      %get3A_442 = arith.constant 32 : index
      %get3A_443 = tpu.vector_load %arg6[%get3A_441, %get3A_442] {strides = array<i32>} : memref<128x128xf32, #tpu.memory_space<vmem>>, vector<1x16xf32>,
      %get3A_444 = vector.shape_cast %get3A_443 : vector<1x16xf32> to vector<16xf32>
      %get3A_445 = arith.index_cast %scan3A_413 : i32 to index
      %get3A_446 = arith.constant 32 : index
      %get3A_447 = tpu.vector_load %arg7[%get3A_445, %get3A_446] {strides = array<i32>} : memref<128x128xf32, #tpu.memory_space<vmem>>, vector<1x16xf32>,
      %get3A_448 = vector.shape_cast %get3A_447 : vector<1x16xf32> to vector<16xf32>
      %add3A_449 = arith.addf %get3A_444, %get3A_448 : vector<16xf32>
      %swap3A_450 = arith.index_cast %scan3A_413 : i32 to index
      %swap3A_451 = arith.constant 32 : index
      %swap3A_452 = tpu.vector_load %arg6[%swap3A_450, %swap3A_451] {strides = array<i32>} : memref<128x128xf32, #tpu.memory_space<vmem>>, vector<1x16xf32>,
      %swap3A_453 = vector.shape_cast %swap3A_452 : vector<1x16xf32> to vector<16xf32>
      %swap3A_454 = vector.shape_cast %add3A_449 : vector<16xf32> to vector<1x16xf32>
      tpu.vector_store %arg6[%swap3A_450, %swap3A_451], %swap3A_454 {strides = array<i32>} : memref<128x128xf32, #tpu.memory_space<vmem>>, vector<1x16xf32>,
      %get3A_455 = arith.index_cast %scan3A_413 : i32 to index
      %get3A_456 = arith.constant 48 : index
      %get3A_457 = tpu.vector_load %arg6[%get3A_455, %get3A_456] {strides = array<i32>} : memref<128x128xf32, #tpu.memory_space<vmem>>, vector<1x16xf32>,
      %get3A_458 = vector.shape_cast %get3A_457 : vector<1x16xf32> to vector<16xf32>
      %get3A_459 = arith.index_cast %scan3A_413 : i32 to index
      %get3A_460 = arith.constant 48 : index
      %get3A_461 = tpu.vector_load %arg7[%get3A_459, %get3A_460] {strides = array<i32>} : memref<128x128xf32, #tpu.memory_space<vmem>>, vector<1x16xf32>,
      %get3A_462 = vector.shape_cast %get3A_461 : vector<1x16xf32> to vector<16xf32>
      %add3A_463 = arith.addf %get3A_458, %get3A_462 : vector<16xf32>
      %swap3A_464 = arith.index_cast %scan3A_413 : i32 to index
      %swap3A_465 = arith.constant 48 : index
      %swap3A_466 = tpu.vector_load %arg6[%swap3A_464, %swap3A_465] {strides = array<i32>} : memref<128x128xf32, #tpu.memory_space<vmem>>, vector<1x16xf32>,
      %swap3A_467 = vector.shape_cast %swap3A_466 : vector<1x16xf32> to vector<16xf32>
      %swap3A_468 = vector.shape_cast %add3A_463 : vector<16xf32> to vector<1x16xf32>
      tpu.vector_store %arg6[%swap3A_464, %swap3A_465], %swap3A_468 {strides = array<i32>} : memref<128x128xf32, #tpu.memory_space<vmem>>, vector<1x16xf32>,
      %scan3A_469 = arith.constant 0 : i32
      scf.yield %scan3A_469 : i32
    }
    %scan3A_335 = arith.constant 128 : i32
    %dma_start3A_336 = arith.constant 17 : i32
    %dma_start3A_337 = arith.constant 0 : i32
    %dma_start3A_338 = tpu.memref_slice %arg5[%dma_start3A_336, %dma_start3A_337] : memref<20x128xi32, #tpu.memory_space<vmem>> -> memref<1x128xi32, #tpu.memory_space<vmem>>
    %dma_start3A_339 = tpu.memref_squeeze %dma_start3A_338 : memref<1x128xi32, #tpu.memory_space<vmem>> -> memref<128xi32, #tpu.memory_space<vmem>>
    %dma_start3A_340 = arith.constant 0 : i32
    %dma_start3A_341 = arith.constant 0 : i32
    %dma_start3A_342 = tpu.memref_slice %arg3[%dma_start3A_340, %dma_start3A_341] : memref<100000x128xf32, #tpu.memory_space<hbm>> -> memref<100000x128xf32, #tpu.memory_space<hbm>>
    tpu.enqueue_indirect_dma source(%dma_start3A_342 : memref<100000x128xf32, #tpu.memory_space<hbm>>) target(%arg7 : memref<128x128xf32, #tpu.memory_space<vmem>>) offsets(%dma_start3A_339 : memref<128xi32, #tpu.memory_space<vmem>>) semaphore(%arg9 : memref<!tpu.dma_semaphore, #tpu.memory_space<semaphore_mem>>)
    %dma_wait3A_343 = arith.constant 16 : i32
    %dma_wait3A_344 = arith.constant 0 : i32
    %dma_wait3A_345 = tpu.memref_slice %arg5[%dma_wait3A_343, %dma_wait3A_344] : memref<20x128xi32, #tpu.memory_space<vmem>> -> memref<1x128xi32, #tpu.memory_space<vmem>>
    %dma_wait3A_346 = tpu.memref_squeeze %dma_wait3A_345 : memref<1x128xi32, #tpu.memory_space<vmem>> -> memref<128xi32, #tpu.memory_space<vmem>>
    %dma_wait3A_347 = arith.constant 0 : i32
    %dma_wait3A_348 = arith.constant 0 : i32
    %dma_wait3A_349 = tpu.memref_slice %arg3[%dma_wait3A_347, %dma_wait3A_348] : memref<100000x128xf32, #tpu.memory_space<hbm>> -> memref<100000x128xf32, #tpu.memory_space<hbm>>
    tpu.wait_indirect_dma semaphore(%arg10 : memref<!tpu.dma_semaphore, #tpu.memory_space<semaphore_mem>>) src(%dma_wait3A_349 : memref<100000x128xf32, #tpu.memory_space<hbm>>) dst(%arg8 : memref<128x128xf32, #tpu.memory_space<vmem>>)
    %scan3A_350 = arith.constant 0 : i32
    %scan3A_351 = arith.constant 0 : i32
    %scan3A_352 = arith.constant 128 : i32
    %scan3A_353 = arith.addi %scan3A_351, %scan3A_352 : i32
    %scan3A_354 = arith.constant 1 : i32
    %scan3A_355 = scf.for %scan3A_413 = %scan3A_351 to %scan3A_353 step %scan3A_354 iter_args(%scan3A_414 = %scan3A_350) -> (i32)  : i32 {
      %get3A = arith.index_cast %scan3A_413 : i32 to index
      %get3A_415 = arith.constant 0 : index
      %get3A_416 = tpu.vector_load %arg6[%get3A, %get3A_415] {strides = array<i32>} : memref<128x128xf32, #tpu.memory_space<vmem>>, vector<1x16xf32>,
      %get3A_417 = vector.shape_cast %get3A_416 : vector<1x16xf32> to vector<16xf32>
      %get3A_418 = arith.index_cast %scan3A_413 : i32 to index
      %get3A_419 = arith.constant 0 : index
      %get3A_420 = tpu.vector_load %arg8[%get3A_418, %get3A_419] {strides = array<i32>} : memref<128x128xf32, #tpu.memory_space<vmem>>, vector<1x16xf32>,
      %get3A_421 = vector.shape_cast %get3A_420 : vector<1x16xf32> to vector<16xf32>
      %add3A_422 = arith.addf %get3A_417, %get3A_421 : vector<16xf32>
      %swap3A = arith.index_cast %scan3A_413 : i32 to index
      %swap3A_423 = arith.constant 0 : index
      %swap3A_424 = tpu.vector_load %arg6[%swap3A, %swap3A_423] {strides = array<i32>} : memref<128x128xf32, #tpu.memory_space<vmem>>, vector<1x16xf32>,
      %swap3A_425 = vector.shape_cast %swap3A_424 : vector<1x16xf32> to vector<16xf32>
      %swap3A_426 = vector.shape_cast %add3A_422 : vector<16xf32> to vector<1x16xf32>
      tpu.vector_store %arg6[%swap3A, %swap3A_423], %swap3A_426 {strides = array<i32>} : memref<128x128xf32, #tpu.memory_space<vmem>>, vector<1x16xf32>,
      %get3A_427 = arith.index_cast %scan3A_413 : i32 to index
      %get3A_428 = arith.constant 16 : index
      %get3A_429 = tpu.vector_load %arg6[%get3A_427, %get3A_428] {strides = array<i32>} : memref<128x128xf32, #tpu.memory_space<vmem>>, vector<1x16xf32>,
      %get3A_430 = vector.shape_cast %get3A_429 : vector<1x16xf32> to vector<16xf32>
      %get3A_431 = arith.index_cast %scan3A_413 : i32 to index
      %get3A_432 = arith.constant 16 : index
      %get3A_433 = tpu.vector_load %arg8[%get3A_431, %get3A_432] {strides = array<i32>} : memref<128x128xf32, #tpu.memory_space<vmem>>, vector<1x16xf32>,
      %get3A_434 = vector.shape_cast %get3A_433 : vector<1x16xf32> to vector<16xf32>
      %add3A_435 = arith.addf %get3A_430, %get3A_434 : vector<16xf32>
      %swap3A_436 = arith.index_cast %scan3A_413 : i32 to index
      %swap3A_437 = arith.constant 16 : index
      %swap3A_438 = tpu.vector_load %arg6[%swap3A_436, %swap3A_437] {strides = array<i32>} : memref<128x128xf32, #tpu.memory_space<vmem>>, vector<1x16xf32>,
      %swap3A_439 = vector.shape_cast %swap3A_438 : vector<1x16xf32> to vector<16xf32>
      %swap3A_440 = vector.shape_cast %add3A_435 : vector<16xf32> to vector<1x16xf32>
      tpu.vector_store %arg6[%swap3A_436, %swap3A_437], %swap3A_440 {strides = array<i32>} : memref<128x128xf32, #tpu.memory_space<vmem>>, vector<1x16xf32>,
      %get3A_441 = arith.index_cast %scan3A_413 : i32 to index
      %get3A_442 = arith.constant 32 : index
      %get3A_443 = tpu.vector_load %arg6[%get3A_441, %get3A_442] {strides = array<i32>} : memref<128x128xf32, #tpu.memory_space<vmem>>, vector<1x16xf32>,
      %get3A_444 = vector.shape_cast %get3A_443 : vector<1x16xf32> to vector<16xf32>
      %get3A_445 = arith.index_cast %scan3A_413 : i32 to index
      %get3A_446 = arith.constant 32 : index
      %get3A_447 = tpu.vector_load %arg8[%get3A_445, %get3A_446] {strides = array<i32>} : memref<128x128xf32, #tpu.memory_space<vmem>>, vector<1x16xf32>,
      %get3A_448 = vector.shape_cast %get3A_447 : vector<1x16xf32> to vector<16xf32>
      %add3A_449 = arith.addf %get3A_444, %get3A_448 : vector<16xf32>
      %swap3A_450 = arith.index_cast %scan3A_413 : i32 to index
      %swap3A_451 = arith.constant 32 : index
      %swap3A_452 = tpu.vector_load %arg6[%swap3A_450, %swap3A_451] {strides = array<i32>} : memref<128x128xf32, #tpu.memory_space<vmem>>, vector<1x16xf32>,
      %swap3A_453 = vector.shape_cast %swap3A_452 : vector<1x16xf32> to vector<16xf32>
      %swap3A_454 = vector.shape_cast %add3A_449 : vector<16xf32> to vector<1x16xf32>
      tpu.vector_store %arg6[%swap3A_450, %swap3A_451], %swap3A_454 {strides = array<i32>} : memref<128x128xf32, #tpu.memory_space<vmem>>, vector<1x16xf32>,
      %get3A_455 = arith.index_cast %scan3A_413 : i32 to index
      %get3A_456 = arith.constant 48 : index
      %get3A_457 = tpu.vector_load %arg6[%get3A_455, %get3A_456] {strides = array<i32>} : memref<128x128xf32, #tpu.memory_space<vmem>>, vector<1x16xf32>,
      %get3A_458 = vector.shape_cast %get3A_457 : vector<1x16xf32> to vector<16xf32>
      %get3A_459 = arith.index_cast %scan3A_413 : i32 to index
      %get3A_460 = arith.constant 48 : index
      %get3A_461 = tpu.vector_load %arg8[%get3A_459, %get3A_460] {strides = array<i32>} : memref<128x128xf32, #tpu.memory_space<vmem>>, vector<1x16xf32>,
      %get3A_462 = vector.shape_cast %get3A_461 : vector<1x16xf32> to vector<16xf32>
      %add3A_463 = arith.addf %get3A_458, %get3A_462 : vector<16xf32>
      %swap3A_464 = arith.index_cast %scan3A_413 : i32 to index
      %swap3A_465 = arith.constant 48 : index
      %swap3A_466 = tpu.vector_load %arg6[%swap3A_464, %swap3A_465] {strides = array<i32>} : memref<128x128xf32, #tpu.memory_space<vmem>>, vector<1x16xf32>,
      %swap3A_467 = vector.shape_cast %swap3A_466 : vector<1x16xf32> to vector<16xf32>
      %swap3A_468 = vector.shape_cast %add3A_463 : vector<16xf32> to vector<1x16xf32>
      tpu.vector_store %arg6[%swap3A_464, %swap3A_465], %swap3A_468 {strides = array<i32>} : memref<128x128xf32, #tpu.memory_space<vmem>>, vector<1x16xf32>,
      %scan3A_469 = arith.constant 0 : i32
      scf.yield %scan3A_469 : i32
    }
    %scan3A_356 = arith.constant 128 : i32
    %dma_start3A_357 = arith.constant 18 : i32
    %dma_start3A_358 = arith.constant 0 : i32
    %dma_start3A_359 = tpu.memref_slice %arg5[%dma_start3A_357, %dma_start3A_358] : memref<20x128xi32, #tpu.memory_space<vmem>> -> memref<1x128xi32, #tpu.memory_space<vmem>>
    %dma_start3A_360 = tpu.memref_squeeze %dma_start3A_359 : memref<1x128xi32, #tpu.memory_space<vmem>> -> memref<128xi32, #tpu.memory_space<vmem>>
    %dma_start3A_361 = arith.constant 0 : i32
    %dma_start3A_362 = arith.constant 0 : i32
    %dma_start3A_363 = tpu.memref_slice %arg3[%dma_start3A_361, %dma_start3A_362] : memref<100000x128xf32, #tpu.memory_space<hbm>> -> memref<100000x128xf32, #tpu.memory_space<hbm>>
    tpu.enqueue_indirect_dma source(%dma_start3A_363 : memref<100000x128xf32, #tpu.memory_space<hbm>>) target(%arg8 : memref<128x128xf32, #tpu.memory_space<vmem>>) offsets(%dma_start3A_360 : memref<128xi32, #tpu.memory_space<vmem>>) semaphore(%arg10 : memref<!tpu.dma_semaphore, #tpu.memory_space<semaphore_mem>>)
    %dma_wait3A_364 = arith.constant 17 : i32
    %dma_wait3A_365 = arith.constant 0 : i32
    %dma_wait3A_366 = tpu.memref_slice %arg5[%dma_wait3A_364, %dma_wait3A_365] : memref<20x128xi32, #tpu.memory_space<vmem>> -> memref<1x128xi32, #tpu.memory_space<vmem>>
    %dma_wait3A_367 = tpu.memref_squeeze %dma_wait3A_366 : memref<1x128xi32, #tpu.memory_space<vmem>> -> memref<128xi32, #tpu.memory_space<vmem>>
    %dma_wait3A_368 = arith.constant 0 : i32
    %dma_wait3A_369 = arith.constant 0 : i32
    %dma_wait3A_370 = tpu.memref_slice %arg3[%dma_wait3A_368, %dma_wait3A_369] : memref<100000x128xf32, #tpu.memory_space<hbm>> -> memref<100000x128xf32, #tpu.memory_space<hbm>>
    tpu.wait_indirect_dma semaphore(%arg9 : memref<!tpu.dma_semaphore, #tpu.memory_space<semaphore_mem>>) src(%dma_wait3A_370 : memref<100000x128xf32, #tpu.memory_space<hbm>>) dst(%arg7 : memref<128x128xf32, #tpu.memory_space<vmem>>)
    %scan3A_371 = arith.constant 0 : i32
    %scan3A_372 = arith.constant 0 : i32
    %scan3A_373 = arith.constant 128 : i32
    %scan3A_374 = arith.addi %scan3A_372, %scan3A_373 : i32
    %scan3A_375 = arith.constant 1 : i32
    %scan3A_376 = scf.for %scan3A_413 = %scan3A_372 to %scan3A_374 step %scan3A_375 iter_args(%scan3A_414 = %scan3A_371) -> (i32)  : i32 {
      %get3A = arith.index_cast %scan3A_413 : i32 to index
      %get3A_415 = arith.constant 0 : index
      %get3A_416 = tpu.vector_load %arg6[%get3A, %get3A_415] {strides = array<i32>} : memref<128x128xf32, #tpu.memory_space<vmem>>, vector<1x16xf32>,
      %get3A_417 = vector.shape_cast %get3A_416 : vector<1x16xf32> to vector<16xf32>
      %get3A_418 = arith.index_cast %scan3A_413 : i32 to index
      %get3A_419 = arith.constant 0 : index
      %get3A_420 = tpu.vector_load %arg7[%get3A_418, %get3A_419] {strides = array<i32>} : memref<128x128xf32, #tpu.memory_space<vmem>>, vector<1x16xf32>,
      %get3A_421 = vector.shape_cast %get3A_420 : vector<1x16xf32> to vector<16xf32>
      %add3A_422 = arith.addf %get3A_417, %get3A_421 : vector<16xf32>
      %swap3A = arith.index_cast %scan3A_413 : i32 to index
      %swap3A_423 = arith.constant 0 : index
      %swap3A_424 = tpu.vector_load %arg6[%swap3A, %swap3A_423] {strides = array<i32>} : memref<128x128xf32, #tpu.memory_space<vmem>>, vector<1x16xf32>,
      %swap3A_425 = vector.shape_cast %swap3A_424 : vector<1x16xf32> to vector<16xf32>
      %swap3A_426 = vector.shape_cast %add3A_422 : vector<16xf32> to vector<1x16xf32>
      tpu.vector_store %arg6[%swap3A, %swap3A_423], %swap3A_426 {strides = array<i32>} : memref<128x128xf32, #tpu.memory_space<vmem>>, vector<1x16xf32>,
      %get3A_427 = arith.index_cast %scan3A_413 : i32 to index
      %get3A_428 = arith.constant 16 : index
      %get3A_429 = tpu.vector_load %arg6[%get3A_427, %get3A_428] {strides = array<i32>} : memref<128x128xf32, #tpu.memory_space<vmem>>, vector<1x16xf32>,
      %get3A_430 = vector.shape_cast %get3A_429 : vector<1x16xf32> to vector<16xf32>
      %get3A_431 = arith.index_cast %scan3A_413 : i32 to index
      %get3A_432 = arith.constant 16 : index
      %get3A_433 = tpu.vector_load %arg7[%get3A_431, %get3A_432] {strides = array<i32>} : memref<128x128xf32, #tpu.memory_space<vmem>>, vector<1x16xf32>,
      %get3A_434 = vector.shape_cast %get3A_433 : vector<1x16xf32> to vector<16xf32>
      %add3A_435 = arith.addf %get3A_430, %get3A_434 : vector<16xf32>
      %swap3A_436 = arith.index_cast %scan3A_413 : i32 to index
      %swap3A_437 = arith.constant 16 : index
      %swap3A_438 = tpu.vector_load %arg6[%swap3A_436, %swap3A_437] {strides = array<i32>} : memref<128x128xf32, #tpu.memory_space<vmem>>, vector<1x16xf32>,
      %swap3A_439 = vector.shape_cast %swap3A_438 : vector<1x16xf32> to vector<16xf32>
      %swap3A_440 = vector.shape_cast %add3A_435 : vector<16xf32> to vector<1x16xf32>
      tpu.vector_store %arg6[%swap3A_436, %swap3A_437], %swap3A_440 {strides = array<i32>} : memref<128x128xf32, #tpu.memory_space<vmem>>, vector<1x16xf32>,
      %get3A_441 = arith.index_cast %scan3A_413 : i32 to index
      %get3A_442 = arith.constant 32 : index
      %get3A_443 = tpu.vector_load %arg6[%get3A_441, %get3A_442] {strides = array<i32>} : memref<128x128xf32, #tpu.memory_space<vmem>>, vector<1x16xf32>,
      %get3A_444 = vector.shape_cast %get3A_443 : vector<1x16xf32> to vector<16xf32>
      %get3A_445 = arith.index_cast %scan3A_413 : i32 to index
      %get3A_446 = arith.constant 32 : index
      %get3A_447 = tpu.vector_load %arg7[%get3A_445, %get3A_446] {strides = array<i32>} : memref<128x128xf32, #tpu.memory_space<vmem>>, vector<1x16xf32>,
      %get3A_448 = vector.shape_cast %get3A_447 : vector<1x16xf32> to vector<16xf32>
      %add3A_449 = arith.addf %get3A_444, %get3A_448 : vector<16xf32>
      %swap3A_450 = arith.index_cast %scan3A_413 : i32 to index
      %swap3A_451 = arith.constant 32 : index
      %swap3A_452 = tpu.vector_load %arg6[%swap3A_450, %swap3A_451] {strides = array<i32>} : memref<128x128xf32, #tpu.memory_space<vmem>>, vector<1x16xf32>,
      %swap3A_453 = vector.shape_cast %swap3A_452 : vector<1x16xf32> to vector<16xf32>
      %swap3A_454 = vector.shape_cast %add3A_449 : vector<16xf32> to vector<1x16xf32>
      tpu.vector_store %arg6[%swap3A_450, %swap3A_451], %swap3A_454 {strides = array<i32>} : memref<128x128xf32, #tpu.memory_space<vmem>>, vector<1x16xf32>,
      %get3A_455 = arith.index_cast %scan3A_413 : i32 to index
      %get3A_456 = arith.constant 48 : index
      %get3A_457 = tpu.vector_load %arg6[%get3A_455, %get3A_456] {strides = array<i32>} : memref<128x128xf32, #tpu.memory_space<vmem>>, vector<1x16xf32>,
      %get3A_458 = vector.shape_cast %get3A_457 : vector<1x16xf32> to vector<16xf32>
      %get3A_459 = arith.index_cast %scan3A_413 : i32 to index
      %get3A_460 = arith.constant 48 : index
      %get3A_461 = tpu.vector_load %arg7[%get3A_459, %get3A_460] {strides = array<i32>} : memref<128x128xf32, #tpu.memory_space<vmem>>, vector<1x16xf32>,
      %get3A_462 = vector.shape_cast %get3A_461 : vector<1x16xf32> to vector<16xf32>
      %add3A_463 = arith.addf %get3A_458, %get3A_462 : vector<16xf32>
      %swap3A_464 = arith.index_cast %scan3A_413 : i32 to index
      %swap3A_465 = arith.constant 48 : index
      %swap3A_466 = tpu.vector_load %arg6[%swap3A_464, %swap3A_465] {strides = array<i32>} : memref<128x128xf32, #tpu.memory_space<vmem>>, vector<1x16xf32>,
      %swap3A_467 = vector.shape_cast %swap3A_466 : vector<1x16xf32> to vector<16xf32>
      %swap3A_468 = vector.shape_cast %add3A_463 : vector<16xf32> to vector<1x16xf32>
      tpu.vector_store %arg6[%swap3A_464, %swap3A_465], %swap3A_468 {strides = array<i32>} : memref<128x128xf32, #tpu.memory_space<vmem>>, vector<1x16xf32>,
      %scan3A_469 = arith.constant 0 : i32
      scf.yield %scan3A_469 : i32
    }
    %scan3A_377 = arith.constant 128 : i32
    %dma_start3A_378 = arith.constant 19 : i32
    %dma_start3A_379 = arith.constant 0 : i32
    %dma_start3A_380 = tpu.memref_slice %arg5[%dma_start3A_378, %dma_start3A_379] : memref<20x128xi32, #tpu.memory_space<vmem>> -> memref<1x128xi32, #tpu.memory_space<vmem>>
    %dma_start3A_381 = tpu.memref_squeeze %dma_start3A_380 : memref<1x128xi32, #tpu.memory_space<vmem>> -> memref<128xi32, #tpu.memory_space<vmem>>
    %dma_start3A_382 = arith.constant 0 : i32
    %dma_start3A_383 = arith.constant 0 : i32
    %dma_start3A_384 = tpu.memref_slice %arg3[%dma_start3A_382, %dma_start3A_383] : memref<100000x128xf32, #tpu.memory_space<hbm>> -> memref<100000x128xf32, #tpu.memory_space<hbm>>
    tpu.enqueue_indirect_dma source(%dma_start3A_384 : memref<100000x128xf32, #tpu.memory_space<hbm>>) target(%arg7 : memref<128x128xf32, #tpu.memory_space<vmem>>) offsets(%dma_start3A_381 : memref<128xi32, #tpu.memory_space<vmem>>) semaphore(%arg9 : memref<!tpu.dma_semaphore, #tpu.memory_space<semaphore_mem>>)
    %dma_wait3A_385 = arith.constant 18 : i32
    %dma_wait3A_386 = arith.constant 0 : i32
    %dma_wait3A_387 = tpu.memref_slice %arg5[%dma_wait3A_385, %dma_wait3A_386] : memref<20x128xi32, #tpu.memory_space<vmem>> -> memref<1x128xi32, #tpu.memory_space<vmem>>
    %dma_wait3A_388 = tpu.memref_squeeze %dma_wait3A_387 : memref<1x128xi32, #tpu.memory_space<vmem>> -> memref<128xi32, #tpu.memory_space<vmem>>
    %dma_wait3A_389 = arith.constant 0 : i32
    %dma_wait3A_390 = arith.constant 0 : i32
    %dma_wait3A_391 = tpu.memref_slice %arg3[%dma_wait3A_389, %dma_wait3A_390] : memref<100000x128xf32, #tpu.memory_space<hbm>> -> memref<100000x128xf32, #tpu.memory_space<hbm>>
    tpu.wait_indirect_dma semaphore(%arg10 : memref<!tpu.dma_semaphore, #tpu.memory_space<semaphore_mem>>) src(%dma_wait3A_391 : memref<100000x128xf32, #tpu.memory_space<hbm>>) dst(%arg8 : memref<128x128xf32, #tpu.memory_space<vmem>>)
    %scan3A_392 = arith.constant 0 : i32
    %scan3A_393 = arith.constant 0 : i32
    %scan3A_394 = arith.constant 128 : i32
    %scan3A_395 = arith.addi %scan3A_393, %scan3A_394 : i32
    %scan3A_396 = arith.constant 1 : i32
    %scan3A_397 = scf.for %scan3A_413 = %scan3A_393 to %scan3A_395 step %scan3A_396 iter_args(%scan3A_414 = %scan3A_392) -> (i32)  : i32 {
      %get3A = arith.index_cast %scan3A_413 : i32 to index
      %get3A_415 = arith.constant 0 : index
      %get3A_416 = tpu.vector_load %arg6[%get3A, %get3A_415] {strides = array<i32>} : memref<128x128xf32, #tpu.memory_space<vmem>>, vector<1x16xf32>,
      %get3A_417 = vector.shape_cast %get3A_416 : vector<1x16xf32> to vector<16xf32>
      %get3A_418 = arith.index_cast %scan3A_413 : i32 to index
      %get3A_419 = arith.constant 0 : index
      %get3A_420 = tpu.vector_load %arg8[%get3A_418, %get3A_419] {strides = array<i32>} : memref<128x128xf32, #tpu.memory_space<vmem>>, vector<1x16xf32>,
      %get3A_421 = vector.shape_cast %get3A_420 : vector<1x16xf32> to vector<16xf32>
      %add3A_422 = arith.addf %get3A_417, %get3A_421 : vector<16xf32>
      %swap3A = arith.index_cast %scan3A_413 : i32 to index
      %swap3A_423 = arith.constant 0 : index
      %swap3A_424 = tpu.vector_load %arg6[%swap3A, %swap3A_423] {strides = array<i32>} : memref<128x128xf32, #tpu.memory_space<vmem>>, vector<1x16xf32>,
      %swap3A_425 = vector.shape_cast %swap3A_424 : vector<1x16xf32> to vector<16xf32>
      %swap3A_426 = vector.shape_cast %add3A_422 : vector<16xf32> to vector<1x16xf32>
      tpu.vector_store %arg6[%swap3A, %swap3A_423], %swap3A_426 {strides = array<i32>} : memref<128x128xf32, #tpu.memory_space<vmem>>, vector<1x16xf32>,
      %get3A_427 = arith.index_cast %scan3A_413 : i32 to index
      %get3A_428 = arith.constant 16 : index
      %get3A_429 = tpu.vector_load %arg6[%get3A_427, %get3A_428] {strides = array<i32>} : memref<128x128xf32, #tpu.memory_space<vmem>>, vector<1x16xf32>,
      %get3A_430 = vector.shape_cast %get3A_429 : vector<1x16xf32> to vector<16xf32>
      %get3A_431 = arith.index_cast %scan3A_413 : i32 to index
      %get3A_432 = arith.constant 16 : index
      %get3A_433 = tpu.vector_load %arg8[%get3A_431, %get3A_432] {strides = array<i32>} : memref<128x128xf32, #tpu.memory_space<vmem>>, vector<1x16xf32>,
      %get3A_434 = vector.shape_cast %get3A_433 : vector<1x16xf32> to vector<16xf32>
      %add3A_435 = arith.addf %get3A_430, %get3A_434 : vector<16xf32>
      %swap3A_436 = arith.index_cast %scan3A_413 : i32 to index
      %swap3A_437 = arith.constant 16 : index
      %swap3A_438 = tpu.vector_load %arg6[%swap3A_436, %swap3A_437] {strides = array<i32>} : memref<128x128xf32, #tpu.memory_space<vmem>>, vector<1x16xf32>,
      %swap3A_439 = vector.shape_cast %swap3A_438 : vector<1x16xf32> to vector<16xf32>
      %swap3A_440 = vector.shape_cast %add3A_435 : vector<16xf32> to vector<1x16xf32>
      tpu.vector_store %arg6[%swap3A_436, %swap3A_437], %swap3A_440 {strides = array<i32>} : memref<128x128xf32, #tpu.memory_space<vmem>>, vector<1x16xf32>,
      %get3A_441 = arith.index_cast %scan3A_413 : i32 to index
      %get3A_442 = arith.constant 32 : index
      %get3A_443 = tpu.vector_load %arg6[%get3A_441, %get3A_442] {strides = array<i32>} : memref<128x128xf32, #tpu.memory_space<vmem>>, vector<1x16xf32>,
      %get3A_444 = vector.shape_cast %get3A_443 : vector<1x16xf32> to vector<16xf32>
      %get3A_445 = arith.index_cast %scan3A_413 : i32 to index
      %get3A_446 = arith.constant 32 : index
      %get3A_447 = tpu.vector_load %arg8[%get3A_445, %get3A_446] {strides = array<i32>} : memref<128x128xf32, #tpu.memory_space<vmem>>, vector<1x16xf32>,
      %get3A_448 = vector.shape_cast %get3A_447 : vector<1x16xf32> to vector<16xf32>
      %add3A_449 = arith.addf %get3A_444, %get3A_448 : vector<16xf32>
      %swap3A_450 = arith.index_cast %scan3A_413 : i32 to index
      %swap3A_451 = arith.constant 32 : index
      %swap3A_452 = tpu.vector_load %arg6[%swap3A_450, %swap3A_451] {strides = array<i32>} : memref<128x128xf32, #tpu.memory_space<vmem>>, vector<1x16xf32>,
      %swap3A_453 = vector.shape_cast %swap3A_452 : vector<1x16xf32> to vector<16xf32>
      %swap3A_454 = vector.shape_cast %add3A_449 : vector<16xf32> to vector<1x16xf32>
      tpu.vector_store %arg6[%swap3A_450, %swap3A_451], %swap3A_454 {strides = array<i32>} : memref<128x128xf32, #tpu.memory_space<vmem>>, vector<1x16xf32>,
      %get3A_455 = arith.index_cast %scan3A_413 : i32 to index
      %get3A_456 = arith.constant 48 : index
      %get3A_457 = tpu.vector_load %arg6[%get3A_455, %get3A_456] {strides = array<i32>} : memref<128x128xf32, #tpu.memory_space<vmem>>, vector<1x16xf32>,
      %get3A_458 = vector.shape_cast %get3A_457 : vector<1x16xf32> to vector<16xf32>
      %get3A_459 = arith.index_cast %scan3A_413 : i32 to index
      %get3A_460 = arith.constant 48 : index
      %get3A_461 = tpu.vector_load %arg8[%get3A_459, %get3A_460] {strides = array<i32>} : memref<128x128xf32, #tpu.memory_space<vmem>>, vector<1x16xf32>,
      %get3A_462 = vector.shape_cast %get3A_461 : vector<1x16xf32> to vector<16xf32>
      %add3A_463 = arith.addf %get3A_458, %get3A_462 : vector<16xf32>
      %swap3A_464 = arith.index_cast %scan3A_413 : i32 to index
      %swap3A_465 = arith.constant 48 : index
      %swap3A_466 = tpu.vector_load %arg6[%swap3A_464, %swap3A_465] {strides = array<i32>} : memref<128x128xf32, #tpu.memory_space<vmem>>, vector<1x16xf32>,
      %swap3A_467 = vector.shape_cast %swap3A_466 : vector<1x16xf32> to vector<16xf32>
      %swap3A_468 = vector.shape_cast %add3A_463 : vector<16xf32> to vector<1x16xf32>
      tpu.vector_store %arg6[%swap3A_464, %swap3A_465], %swap3A_468 {strides = array<i32>} : memref<128x128xf32, #tpu.memory_space<vmem>>, vector<1x16xf32>,
      %scan3A_469 = arith.constant 0 : i32
      scf.yield %scan3A_469 : i32
    }
    %scan3A_398 = arith.constant 128 : i32
    %dma_wait3A_399 = arith.constant 19 : i32
    %dma_wait3A_400 = arith.constant 0 : i32
    %dma_wait3A_401 = tpu.memref_slice %arg5[%dma_wait3A_399, %dma_wait3A_400] : memref<20x128xi32, #tpu.memory_space<vmem>> -> memref<1x128xi32, #tpu.memory_space<vmem>>
    %dma_wait3A_402 = tpu.memref_squeeze %dma_wait3A_401 : memref<1x128xi32, #tpu.memory_space<vmem>> -> memref<128xi32, #tpu.memory_space<vmem>>
    %dma_wait3A_403 = arith.constant 0 : i32
    %dma_wait3A_404 = arith.constant 0 : i32
    %dma_wait3A_405 = tpu.memref_slice %arg3[%dma_wait3A_403, %dma_wait3A_404] : memref<100000x128xf32, #tpu.memory_space<hbm>> -> memref<100000x128xf32, #tpu.memory_space<hbm>>
    tpu.wait_indirect_dma semaphore(%arg9 : memref<!tpu.dma_semaphore, #tpu.memory_space<semaphore_mem>>) src(%dma_wait3A_405 : memref<100000x128xf32, #tpu.memory_space<hbm>>) dst(%arg7 : memref<128x128xf32, #tpu.memory_space<vmem>>)
    %scan3A_406 = arith.constant 0 : i32
    %scan3A_407 = arith.constant 0 : i32
    %scan3A_408 = arith.constant 128 : i32
    %scan3A_409 = arith.addi %scan3A_407, %scan3A_408 : i32
    %scan3A_410 = arith.constant 1 : i32
    %scan3A_411 = scf.for %scan3A_413 = %scan3A_407 to %scan3A_409 step %scan3A_410 iter_args(%scan3A_414 = %scan3A_406) -> (i32)  : i32 {
      %get3A = arith.index_cast %scan3A_413 : i32 to index
      %get3A_415 = arith.constant 0 : index
      %get3A_416 = tpu.vector_load %arg6[%get3A, %get3A_415] {strides = array<i32>} : memref<128x128xf32, #tpu.memory_space<vmem>>, vector<1x16xf32>,
      %get3A_417 = vector.shape_cast %get3A_416 : vector<1x16xf32> to vector<16xf32>
      %get3A_418 = arith.index_cast %scan3A_413 : i32 to index
      %get3A_419 = arith.constant 0 : index
      %get3A_420 = tpu.vector_load %arg7[%get3A_418, %get3A_419] {strides = array<i32>} : memref<128x128xf32, #tpu.memory_space<vmem>>, vector<1x16xf32>,
      %get3A_421 = vector.shape_cast %get3A_420 : vector<1x16xf32> to vector<16xf32>
      %add3A_422 = arith.addf %get3A_417, %get3A_421 : vector<16xf32>
      %swap3A = arith.index_cast %scan3A_413 : i32 to index
      %swap3A_423 = arith.constant 0 : index
      %swap3A_424 = tpu.vector_load %arg6[%swap3A, %swap3A_423] {strides = array<i32>} : memref<128x128xf32, #tpu.memory_space<vmem>>, vector<1x16xf32>,
      %swap3A_425 = vector.shape_cast %swap3A_424 : vector<1x16xf32> to vector<16xf32>
      %swap3A_426 = vector.shape_cast %add3A_422 : vector<16xf32> to vector<1x16xf32>
      tpu.vector_store %arg6[%swap3A, %swap3A_423], %swap3A_426 {strides = array<i32>} : memref<128x128xf32, #tpu.memory_space<vmem>>, vector<1x16xf32>,
      %get3A_427 = arith.index_cast %scan3A_413 : i32 to index
      %get3A_428 = arith.constant 16 : index
      %get3A_429 = tpu.vector_load %arg6[%get3A_427, %get3A_428] {strides = array<i32>} : memref<128x128xf32, #tpu.memory_space<vmem>>, vector<1x16xf32>,
      %get3A_430 = vector.shape_cast %get3A_429 : vector<1x16xf32> to vector<16xf32>
      %get3A_431 = arith.index_cast %scan3A_413 : i32 to index
      %get3A_432 = arith.constant 16 : index
      %get3A_433 = tpu.vector_load %arg7[%get3A_431, %get3A_432] {strides = array<i32>} : memref<128x128xf32, #tpu.memory_space<vmem>>, vector<1x16xf32>,
      %get3A_434 = vector.shape_cast %get3A_433 : vector<1x16xf32> to vector<16xf32>
      %add3A_435 = arith.addf %get3A_430, %get3A_434 : vector<16xf32>
      %swap3A_436 = arith.index_cast %scan3A_413 : i32 to index
      %swap3A_437 = arith.constant 16 : index
      %swap3A_438 = tpu.vector_load %arg6[%swap3A_436, %swap3A_437] {strides = array<i32>} : memref<128x128xf32, #tpu.memory_space<vmem>>, vector<1x16xf32>,
      %swap3A_439 = vector.shape_cast %swap3A_438 : vector<1x16xf32> to vector<16xf32>
      %swap3A_440 = vector.shape_cast %add3A_435 : vector<16xf32> to vector<1x16xf32>
      tpu.vector_store %arg6[%swap3A_436, %swap3A_437], %swap3A_440 {strides = array<i32>} : memref<128x128xf32, #tpu.memory_space<vmem>>, vector<1x16xf32>,
      %get3A_441 = arith.index_cast %scan3A_413 : i32 to index
      %get3A_442 = arith.constant 32 : index
      %get3A_443 = tpu.vector_load %arg6[%get3A_441, %get3A_442] {strides = array<i32>} : memref<128x128xf32, #tpu.memory_space<vmem>>, vector<1x16xf32>,
      %get3A_444 = vector.shape_cast %get3A_443 : vector<1x16xf32> to vector<16xf32>
      %get3A_445 = arith.index_cast %scan3A_413 : i32 to index
      %get3A_446 = arith.constant 32 : index
      %get3A_447 = tpu.vector_load %arg7[%get3A_445, %get3A_446] {strides = array<i32>} : memref<128x128xf32, #tpu.memory_space<vmem>>, vector<1x16xf32>,
      %get3A_448 = vector.shape_cast %get3A_447 : vector<1x16xf32> to vector<16xf32>
      %add3A_449 = arith.addf %get3A_444, %get3A_448 : vector<16xf32>
      %swap3A_450 = arith.index_cast %scan3A_413 : i32 to index
      %swap3A_451 = arith.constant 32 : index
      %swap3A_452 = tpu.vector_load %arg6[%swap3A_450, %swap3A_451] {strides = array<i32>} : memref<128x128xf32, #tpu.memory_space<vmem>>, vector<1x16xf32>,
      %swap3A_453 = vector.shape_cast %swap3A_452 : vector<1x16xf32> to vector<16xf32>
      %swap3A_454 = vector.shape_cast %add3A_449 : vector<16xf32> to vector<1x16xf32>
      tpu.vector_store %arg6[%swap3A_450, %swap3A_451], %swap3A_454 {strides = array<i32>} : memref<128x128xf32, #tpu.memory_space<vmem>>, vector<1x16xf32>,
      %get3A_455 = arith.index_cast %scan3A_413 : i32 to index
      %get3A_456 = arith.constant 48 : index
      %get3A_457 = tpu.vector_load %arg6[%get3A_455, %get3A_456] {strides = array<i32>} : memref<128x128xf32, #tpu.memory_space<vmem>>, vector<1x16xf32>,
      %get3A_458 = vector.shape_cast %get3A_457 : vector<1x16xf32> to vector<16xf32>
      %get3A_459 = arith.index_cast %scan3A_413 : i32 to index
      %get3A_460 = arith.constant 48 : index
      %get3A_461 = tpu.vector_load %arg7[%get3A_459, %get3A_460] {strides = array<i32>} : memref<128x128xf32, #tpu.memory_space<vmem>>, vector<1x16xf32>,
      %get3A_462 = vector.shape_cast %get3A_461 : vector<1x16xf32> to vector<16xf32>
      %add3A_463 = arith.addf %get3A_458, %get3A_462 : vector<16xf32>
      %swap3A_464 = arith.index_cast %scan3A_413 : i32 to index
      %swap3A_465 = arith.constant 48 : index
      %swap3A_466 = tpu.vector_load %arg6[%swap3A_464, %swap3A_465] {strides = array<i32>} : memref<128x128xf32, #tpu.memory_space<vmem>>, vector<1x16xf32>,
      %swap3A_467 = vector.shape_cast %swap3A_466 : vector<1x16xf32> to vector<16xf32>
      %swap3A_468 = vector.shape_cast %add3A_463 : vector<16xf32> to vector<1x16xf32>
      tpu.vector_store %arg6[%swap3A_464, %swap3A_465], %swap3A_468 {strides = array<i32>} : memref<128x128xf32, #tpu.memory_space<vmem>>, vector<1x16xf32>,
      %scan3A_469 = arith.constant 0 : i32
      scf.yield %scan3A_469 : i32
    }
    %scan3A_412 = arith.constant 128 : i32
    "tpu.region"() ({
      %run_scoped3A = tpu.sem_alloc : memref<!tpu.dma_semaphore, #tpu.memory_space<semaphore_mem>>
      %dma_start3A_413 = arith.constant 0 : i32
      %dma_start3A_414 = tpu.memref_slice %arg4[%mul3A_2, %dma_start3A_413] : memref<4096x128xf32, #tpu.memory_space<hbm>> -> memref<128x128xf32, #tpu.memory_space<hbm>>
      %dma_start3A_415 = arith.constant 0 : i32
      %dma_start3A_416 = tpu.memref_slice %arg4[%mul3A_2, %dma_start3A_415] : memref<4096x128xf32, #tpu.memory_space<hbm>> -> memref<128x128xf32, #tpu.memory_space<hbm>>
      tpu.enqueue_dma source(%arg6 : memref<128x128xf32, #tpu.memory_space<vmem>>) target(%dma_start3A_416 : memref<128x128xf32, #tpu.memory_space<hbm>>) target_semaphore(%run_scoped3A : memref<!tpu.dma_semaphore, #tpu.memory_space<semaphore_mem>>)
      %dma_wait3A_417 = arith.constant 0 : i32
      %dma_wait3A_418 = tpu.memref_slice %arg4[%mul3A_2, %dma_wait3A_417] : memref<4096x128xf32, #tpu.memory_space<hbm>> -> memref<128x128xf32, #tpu.memory_space<hbm>>
      %dma_wait3A_419 = arith.constant 0 : i32
      %dma_wait3A_420 = tpu.memref_slice %arg4[%mul3A_2, %dma_wait3A_419] : memref<4096x128xf32, #tpu.memory_space<hbm>> -> memref<128x128xf32, #tpu.memory_space<hbm>>
      tpu.wait_dma2 semaphore(%run_scoped3A : memref<!tpu.dma_semaphore, #tpu.memory_space<semaphore_mem>>) src(%arg6 : memref<128x128xf32, #tpu.memory_space<vmem>>) dst(%dma_wait3A_420 : memref<128x128xf32, #tpu.memory_space<hbm>>)
      tpu.yield
    }) : () -> ()
    return
  }
}

module attributes {stable_mosaic.version = 14 : i64} {
  func.func @_mm_body(%arg0: i32, %arg1: memref<64x512xf32, #tpu.memory_space<vmem>>, %arg2: memref<4096x64xf32, #tpu.memory_space<vmem>>, %arg3: memref<512x1xf32, #tpu.memory_space<vmem>>, %arg4: memref<512x4096xf32, #tpu.memory_space<vmem>>) attributes {dimension_semantics = [#tpu.dimension_semantics<arbitrary>], iteration_bounds = array<i64: 196>, scalar_prefetch = 0 : i64, scratch_operands = 0 : i64, tpu.core_type = #tpu.core_type<tc>, window_params = [{transform_indices = @transform_0, window_bounds = array<i64: 64, 512>}, {pipeline_mode = #tpu.pipeline_mode<synchronous>, transform_indices = @transform_1, window_bounds = array<i64: 4096, 64>}, {transform_indices = @transform_2, window_bounds = array<i64: 512, 1>}, {transform_indices = @transform_3, window_bounds = array<i64: 512, 4096>}]} {
    %get3A = arith.constant 0 : index
    %get3A_0 = arith.constant 0 : index
    %get3A_1 = vector.load %arg1[%get3A, %get3A_0] : memref<64x512xf32, #tpu.memory_space<vmem>>, vector<64x512xf32>
    %get3A_2 = arith.constant 0 : index
    %get3A_3 = arith.constant 0 : index
    %get3A_4 = vector.load %arg2[%get3A_2, %get3A_3] : memref<4096x64xf32, #tpu.memory_space<vmem>>, vector<4096x64xf32>
    %dot_general3A = arith.constant dense<0.000000e+00> : vector<512x4096xf32>
    %dot_general3A_5 = tpu.matmul %get3A_1, %get3A_4, %dot_general3A {dimension_numbers = #tpu.dot_dimension_numbers<[0], [1], [1], [0], [0, 1, 1, 0], [], []>, transpose_lhs_hint = false} : vector<64x512xf32>, vector<4096x64xf32>, vector<512x4096xf32> -> vector<512x4096xf32>
    %get3A_6 = arith.constant 0 : index
    %get3A_7 = arith.constant 0 : index
    %get3A_8 = vector.load %arg3[%get3A_6, %get3A_7] : memref<512x1xf32, #tpu.memory_space<vmem>>, vector<512x1xf32>
    %add3A = vector.broadcast %get3A_8 : vector<512x1xf32> to vector<512x4096xf32>
    %add3A_9 = arith.addf %dot_general3A_5, %add3A : vector<512x4096xf32>
    %swap3A = arith.constant 0 : index
    %swap3A_10 = arith.constant 0 : index
    %swap3A_11 = vector.load %arg4[%swap3A, %swap3A_10] : memref<512x4096xf32, #tpu.memory_space<vmem>>, vector<512x4096xf32>
    tpu.vector_store %arg4[%swap3A, %swap3A_10], %add3A_9 {strides = array<i32>} : memref<512x4096xf32, #tpu.memory_space<vmem>>, vector<512x4096xf32>,
    return
  }
  func.func @transform_0(%arg0: i32) -> (i32, i32) {
    %c0_i32 = arith.constant 0 : i32
    %c0_i32_0 = arith.constant 0 : i32
    return %c0_i32, %arg0 : i32, i32
  }
  func.func @transform_1(%arg0: i32) -> (i32, i32) {
    %c0_i32 = arith.constant 0 : i32
    %c0_i32_0 = arith.constant 0 : i32
    %c0_i32_1 = arith.constant 0 : i32
    return %c0_i32, %c0_i32_0 : i32, i32
  }
  func.func @transform_2(%arg0: i32) -> (i32, i32) {
    %c0_i32 = arith.constant 0 : i32
    %c0_i32_0 = arith.constant 0 : i32
    return %arg0, %c0_i32 : i32, i32
  }
  func.func @transform_3(%arg0: i32) -> (i32, i32) {
    %c0_i32 = arith.constant 0 : i32
    %c0_i32_0 = arith.constant 0 : i32
    return %arg0, %c0_i32 : i32, i32
  }
}

</mosaic_0001>

<sc_bundles>
// kernel: kernel.4.cloned.1.call-start
scs
__scs_entry_jumppad:
0x0: {  	(pc) =	sbr.rel $0x88, $3  }
0x1: {  	(tag) =	ssettag $0x0;
	lr =	simm.s32 $0x1  }
0x2: {  	[smem:$0x3F9D] =	sst lr;
	_ =	strace $0xD0000000  }
0x3: {  	_ = 	snop  }
0x4: {  	_ = 	snop  }
0x5: {  	_ = 	snop  }
0x6: {  	_ = 	snop  }
0x7: {  	_ = 	snop  }
__scs_overlays_trampoline_lowered:
0x8: {  	[smem:$0x3FAC] =	sst s0  }
0x9: {  	[smem:$0x3FAD] =	sst s1  }
0xa: {  	[smem:$0x3FAE] =	sst s2  }
0xb: {  	[smem:$0x3FAF] =	sst s3  }
0xc: {  	[smem:$0x3FB0] =	sst s4  }
0xd: {  	[smem:$0x3FB1] =	sst s5  }
0xe: {  	[smem:$0x3FB2] =	sst s6  }
0xf: {  	[smem:$0x3FB3] =	sst s7  }
0x10: {  	[smem:$0x3FB4] =	sst s8  }
0x11: {  	[smem:$0x3FB5] =	sst s9;
	s0 =	simm.s32 @!p0 $0x0  }
0x12: {  	s1 =	sld [smem:$0x3F9B];
	s0 =	simm.s32 @p0 $0x1  }
0x13: {  	[smem:$0x3FB6] =	sst s0;
	s0 =	simm.s32 @!p1 $0x0  }
0x14: {  	s2 =	sld [smem:$0x3F9A];
	s0 =	simm.s32 @p1 $0x1  }
0x15: {  	[smem:$0x3FB7] =	sst s0;
	s0 =	simm.s32 @!p2 $0x0  }
0x16: {  	s3 =	sld [smem:$0x3FDB];
	s0 =	simm.s32 @p2 $0x1  }
0x17: {  	s4 =	simm.s32 $0x1BF5;
	[smem:$0x3FB9] =	sst s0  }
0x18: {  	s0 =	sld [smem:$0x3F9C];
	_ =	swait.ge [sflag:s4], $0x0  }
0x19: {  	s7 =	sld [smem:$0x3F9D]  }
0x1a: {  	s8 =	sadd.s32 $0xFFFFE003, lr  }
0x1b: {  	s9 =	sadd.s32 $0xFFFFFEF7, lr;
	s5 =	simm.s32 $0xFFFFFFFF;
	p2 =	slt.u32 s8, $0xFFFFF086  }
0x1c: {  	p1 =	slt.u32 s9, $0xF7A;
	s5 =	simm.s32 @!p2 $0x0  }
0x1d: {  	s5 =	simm.s32 @p1 $0x1;
	p0 =	seq.s32 s7, s2  }
0x1e: {  	s7 =	smul.u32 @!p0 $0xF7A, s2;
	p2 =	seq.s32 @!p0 s5, $0x0  }
0x1f: {  	s9 =	smul.u32 $0xF7A, s1;
	s8 =	simm.s32 @!p0 $0x1BF5;
	p2 =	por !p2, p0  }
0x20: {  	[sflag:s8] =	ssyncset.s32 @!p0 $0xFFFFF086;
	s6 =	sadd.s32 @!p0 s3, s7;
	s7 =	simm.s32 @!p0 $0x108  }
0x21: {  	s3 =	sadd.s32 s3, s9;
	s6 =	sadd.s32 @!p0 $0x88, s6;
	s7 =	simm.s32 @p2 $0x1082  }
0x22: {  	[simem:s7], [sflag:s8] =	dma.local @!p0 [hbm:s6], $0xF7A  }
0x23: {  	s9 =	sor.u32 $0xD0000000, s2;
	s6 =	simm.s32 $0x108;
	_ =	swait.ge @!p0 [sflag:s8], $0x0  }
0x24: {  	s3 =	sadd.s32 $0x88, s3;
	s6 =	simm.s32 @!p1 $0x1082;
	[sflag:s4] =	ssyncset.s32 $0xFFFFF086  }
0x25: {  	[simem:s6], [sflag:s4] =	dma.local [hbm:s3], $0xF7A  }
0x26: {  	[smem:$0x3F9D] =	sst s1;
	(tag) =	ssettag s2;
	_ =	strace s9  }
0x27: {  	s1 =	sld [smem:$0x3FAD]  }
0x28: {  	s2 =	sld [smem:$0x3FAE]  }
0x29: {  	s4 =	sld [smem:$0x3FB0]  }
0x2a: {  	p0 =	seq.s32 s5, $0x0;
	s5 =	sld [smem:$0x3FB1]  }
0x2b: {  	s6 =	sld [smem:$0x3FB2]  }
0x2c: {  	s7 =	sld [smem:$0x3FB3]  }
0x2d: {  	s3 =	simm.s32 $0x108;
	s8 =	sld [smem:$0x3FB4]  }
0x2e: {  	s3 =	simm.s32 @!p0 $0x1082;
	s9 =	sld [smem:$0x3FB5]  }
0x2f: {  	lr =	sadd.s32 s0, s3;
	s0 =	sld [smem:$0x3FAC]  }
0x30: {  	s3 =	sld [smem:$0x3FAF]  }
0x31: {  	[smem:$0x3FB8] =	sst s10  }
0x32: {  	s10 =	sld [smem:$0x3FB6];
	_ =	sdelay $0x3  }
0x33: {  	p0 =	seq.s32 s10, $0x1;
	s10 =	sld [smem:$0x3FB8];
	_ =	sdelay $0x3  }
0x34: {  	[smem:$0x3FB8] =	sst s10  }
0x35: {  	s10 =	sld [smem:$0x3FB7];
	_ =	sdelay $0x3  }
0x36: {  	p1 =	seq.s32 s10, $0x1;
	s10 =	sld [smem:$0x3FB8];
	_ =	sdelay $0x3  }
0x37: {  	[smem:$0x3FB8] =	sst s10  }
0x38: {  	s10 =	sld [smem:$0x3FB9]  }
0x39: {  	_ = 	snop;
	(pc) =	sbr.ind lr, $3  }
0x3a: {  	_ = 	snop  }
0x3b: {  	_ = 	snop  }
0x3c: {  	p2 =	seq.s32 s10, $0x1;
	s10 =	sld [smem:$0x3FB8]  }
0x3d: {  	_ =	shalt  }
0x3e: {  	_ =	shalt  }
0x3f: {  	_ =	shalt  }
0x40: {  	_ =	shalt  }
0x41: {  	_ =	shalt  }
0x42: {  	_ =	shalt  }
0x43: {  	_ =	shalt  }
0x44: {  	_ =	shalt  }
0x45: {  	_ =	shalt  }
0x46: {  	_ =	shalt  }
0x47: {  	_ =	shalt  }
0x48: {  	_ =	shalt  }
0x49: {  	_ =	shalt  }
0x4a: {  	_ =	shalt  }
0x4b: {  	_ =	shalt  }
0x4c: {  	_ =	shalt  }
0x4d: {  	_ =	shalt  }
0x4e: {  	_ =	shalt  }
0x4f: {  	_ =	shalt  }
0x50: {  	_ =	shalt  }
0x51: {  	_ =	shalt  }
0x52: {  	_ =	shalt  }
0x53: {  	_ =	shalt  }
0x54: {  	_ =	shalt  }
0x55: {  	_ =	shalt  }
0x56: {  	_ =	shalt  }
0x57: {  	_ =	shalt  }
0x58: {  	_ =	shalt  }
0x59: {  	_ =	shalt  }
0x5a: {  	_ =	shalt  }
0x5b: {  	_ =	shalt  }
0x5c: {  	_ =	shalt  }
0x5d: {  	_ =	shalt  }
0x5e: {  	_ =	shalt  }
0x5f: {  	_ =	shalt  }
0x60: {  	_ =	shalt  }
0x61: {  	_ =	shalt  }
0x62: {  	_ =	shalt  }
0x63: {  	_ =	shalt  }
0x64: {  	_ =	shalt  }
0x65: {  	_ =	shalt  }
0x66: {  	_ =	shalt  }
0x67: {  	_ =	shalt  }
0x68: {  	_ =	shalt  }
0x69: {  	_ =	shalt  }
0x6a: {  	_ =	shalt  }
0x6b: {  	_ =	shalt  }
0x6c: {  	_ =	shalt  }
0x6d: {  	_ =	shalt  }
0x6e: {  	_ =	shalt  }
0x6f: {  	_ =	shalt  }
0x70: {  	_ =	shalt  }
0x71: {  	_ =	shalt  }
0x72: {  	_ =	shalt  }
0x73: {  	_ =	shalt  }
0x74: {  	_ =	shalt  }
0x75: {  	_ =	shalt  }
0x76: {  	_ =	shalt  }
0x77: {  	_ =	shalt  }
0x78: {  	_ =	shalt  }
0x79: {  	_ =	shalt  }
0x7a: {  	_ =	shalt  }
0x7b: {  	_ =	shalt  }
0x7c: {  	_ =	shalt  }
0x7d: {  	_ =	shalt  }
0x7e: {  	_ =	shalt  }
0x7f: {  	_ =	shalt  }
0x80: {  	_ =	shalt  }
0x81: {  	_ =	shalt  }
0x82: {  	_ =	shalt  }
0x83: {  	_ =	shalt  }
0x84: {  	_ =	shalt  }
0x85: {  	_ =	shalt  }
0x86: {  	_ =	shalt  }
0x87: {  	_ =	shalt  }
.Lfunc_end0:
.L_simem_size_0:
called_computation_lowered:
.L_overlay_start_0:
0x88: {  	s2 =	sld [smem:$0x3FD9]  }
0x89: {  	s3 =	sld [smem:$0x3FFE];
	_ =	sdelay $0x1  }
0x8a: {  	s1 =	srdreg.scid  }
0x8b: {  	s0 =	sand.u32 $0x1, s1  }
0x8c: {  	s17 =	sshll.u32 s0, $0xA;
	s2 =	sadd.s32 s3, s2  }
0x8d: {  	s2 =	sadd.s32 s2, s17  }
0x8e: {  	[smem:$0x3FC4] =	sst s2  }
0x8f: {  	_ = 	snop  }
0x90: {  	s2 =	sld [smem:$0x3FD0];
	(tm) =	ssettm $0x1  }
0x91: {  	s18 =	sld [smem:$0x3FFB];
	_ =	sdelay $0x3  }
0x92: {  	_ =	strace s18  }
0x93: {  	s3 =	sld [smem:$0x3FFC];
	_ =	sdelay $0x3  }
0x94: {  	_ =	strace s3  }
0x95: {  	s3 =	sld [smem:$0x3FFD];
	_ =	sdelay $0x3  }
0x96: {  	_ =	strace s3  }
0x97: {  	_ =	strace $0x8FFFFFFF  }
0x98: {  	s19 =	sld [smem:$0x3FDB];
	_ =	sdelay $0x1  }
0x99: {  	s4 =	simm.s32 $_scs_section_size  }
0x9a: {  	s5 =	simm.s32 $_size__tile_overlayer_lowered;
	s6 =	simm.s32 $_tile_overlayer_lowered  }
0x9b: {  	s22 =	simm.s32 $0x1BFF;
	s21 =	sshll.u32 s6, $0x1;
	s3 =	sadd.s32 s4, s19  }
0x9c: {  	s7 =	simm.s32 $0x0;
	s20 =	sshll.u32 s5, $0x1;
	s5 =	sadd.s32 s21, s3  }
0x9d: {  	[timem:s7], [sflag:s22] =	dma.local [hbm:s5], s20  }
0x9e: {  	_ =	swait.ge [sflag:s22], s20  }
0x9f: {  	s4 =	ssub.s32 $0x0, s20;
	[sflag:s22] =	ssyncset.done $0x0  }
0xa0: {  	[sflag:s22] =	ssyncadd.s32 s4;
	_ =	sdelay $0x1  }
0xa1: {  	s23 =	simm.s32 $0x1B8B  }
0xa2: {  	_ =	swait.ge [sflag:s23], $0x1  }
0xa3: {  	[sflag:s23] =	ssyncset.done $0x0  }
0xa4: {  	s25 =	simm.s32 $0x1B8E;
	s24 =	sld [smem:$0x3FFE];
	[sflag:s23] =	ssyncadd.s32 $0xFFFFFFFF  }
0xa5: {  	s26 =	simm.s32 $execute0_lowered;
	[smem:$0x3FD2] =	sst s25  }
0xa6: {  	s5 =	sshll.u32 s26, $0x1;
	_ =	strace $0x80000046;
	[dreg:$0x1] =	wrdreg $0xFFFFFFFF  }
0xa7: {  	s28 =	simm.s32 $_size_execute0_lowered;
	s3 =	sadd.s32 s3, s5;
	[dreg:$0x0] =	wrdreg $0x0  }
0xa8: {  	s5 =	sshll.u32 s28, $0x1;
	[dreg:$0x2] =	wrdreg s3  }
0xa9: {  	[dreg:$0x3] =	wrdreg s5  }
0xaa: {  	[dreg:$0x4] =	wrdreg $0xC0  }
0xab: {  	_ =	task [dreg:s7], $0x5FFFF  }
0xac: {  	[dreg:$0x1] =	wrdreg $0xFFFFFFFF  }
0xad: {  	[dreg:$0x0] =	wrdreg $0x60  }
0xae: {  	[dreg:$0x2] =	wrdreg s24  }
0xaf: {  	[dreg:$0x3] =	wrdreg s2  }
0xb0: {  	[dreg:$0x4] =	wrdreg $0x9  }
0xb1: {  	_ =	task.clear_ibuf [dreg:s7], $0x5FFFF;
	_ =	strace $0x90000046  }
0xb2: {  	s29 =	simm.s32 $0x9;
	_ =	strace $0x80000048  }
0xb3: {  	_ =	swait.ge [sflag:s29], $0x1  }
0xb4: {  	[sflag:s29] =	ssyncadd.s32 $0xFFFFFFFF  }
0xb5: {  	_ =	strace $0x90000048  }
0xb6: {  	_ =	sfence  }
0xb7: {  	s30 =	sld [smem:$0x0];
	_ =	sdelay $0x2  }
0xb8: {  	s31 =	sshll.u32 s1, $0xD;
	s1 =	sshrl.u32 s1, $0x2  }
0xb9: {  	s3 =	sand.u32 $0x4000, s31;
	s1 =	sadd.s32 s1, s30  }
0xba: {  	s0 =	sor.u32 s3, s0;
	s1 =	sshll.u32 s1, $0x11  }
0xbb: {  	s0 =	sor.u32 s1, s0  }
0xbc: {  	s0 =	sadd.s32 $0x8F2B, s0  }
0xbd: {  	[sflag:s0] =	ssyncadd.remote.s32 $0x1  }
0xbe: {  	_ =	sfence.sel $0xFFFF  }
0xbf: {  	[dreg:$0x0] =	wrdreg $0xFFFFFFFF;
	(pc) =	sbr.abs _section_cstart, $3  }
0xc0: {  	[dreg:$0x1] =	wrdreg $0xFFFFFFFF  }
0xc1: {  	_ =	task.clear_ibuf [dreg:s7], $0x2FFFF;
	_ =	strace $0x9FFFFFFF  }
0xc2: {  	(tm) =	ssettm $0x7FFFFFFF  }
0xc3: {  	_ =	shalt  }
tec
execute0_lowered:
.L_overlay_start_1:
0x0: {  	(tag) =	ssettag $0x1  }
0x1: {  	s0 =	srdreg.scid;
	s1 =	rddreg [dreg:$0x0]  }
0x2: {  	s2 =	stileid.u32;
	s5 =	rddreg [dreg:$0x1]  }
0x3: {  	s8 =	simm.s32 $0x80;
	s9 =	simm.s32 $0xC00;
	s10 =	simm.s32 $0x4C00  }
0x4: {  	s11 =	simm.s32 $0x3;
	s13 =	simm.s32 $0x8C00;
	s14 =	simm.s32 $0x1  }
0x5: {  	s16 =	simm.s32 $0x2;
	s19 =	simm.s32 $0x300;
	s20 =	simm.s32 $0x380  }
0x6: {  	s21 =	simm.s32 $0x400;
	s22 =	simm.s32 $0x480;
	s23 =	simm.s32 $0x500  }
0x7: {  	s24 =	simm.s32 $0x580;
	s25 =	simm.s32 $0x600;
	s28 =	simm.s32 $0x700  }
0x8: {  	s29 =	simm.s32 $0x780;
	s30 =	simm.s32 $0x800;
	s31 =	simm.s32 $0x880  }
0x9: {  	s12 =	simm.s32 $0x0;
	s0 =	sand.u32 $0x1, s0;
	s2 =	sshll.u32 s2, $0x1  }
0xa: {  	s4 =	sor.u32 s0, s2;
	s2 =	simm.s32 $0x0;
	s0 =	ssub.s32 $0x2, s0  }
0xb: {  	s3 =	smul.u32 $0x180, s4;
	[smem:$0x7FF] =	sst s2;
	s7 =	sshrl.u32 s0, $0x1  }
0xc: {  	s26 =	sshll.u32 s4, $0xB;
	_ =	strace $0x80000047;
	s0 =	ssub.s32 s0, s7  }
0xd: {  	s5 =	sadd.s32 s5, s26;
	s7 =	simm.s32 $0x4;
	s26 =	simm.s32 $0x680  }
0xe: {  	s6 =	sadd.s32 s3, s1;
	s3 =	sadd.s32 $0x3800, s1;
	s1 =	simm.s32 $0x900  }
0xf: {  	s4 =	sadd.s32 $0x800, s6;
	s6 =	smax.u32 s0, $0x1;
	s0 =	simm.s32 $0x980  }
.LBB2_1:
0x10: {  	[tilespmem:s2], [sflag:$0x4] =	stream.linear.gather [hbm4b:s4+s2], $0xA00, $0x38;
	[tilespmem:$0xCC00] =	vst v63  }
0x11: {  	_ =	swait.ge [sflag:s7], $0xA00  }
0x12: {  	[sflag:s7] =	ssyncset.done $0x0  }
0x13: {  	[sflag:s7] =	ssyncadd.s32 $0xFFFFF600  }
0x14: {  	[tilespmem:s9], [sflag:$0x3] =	stream.indirect.gather [hbm4b:s3+s8], $0x80, s2, s8, $0xb8;
	[tilespmem:$0xCC00] =	vst v63  }
0x15: {  	_ = 	snop  }
0x16: {  	[tilespmem:s10], [sflag:$0x1] =	stream.indirect.gather [hbm4b:s3+s8], $0x80, s8, s8, $0xb8;
	[tilespmem:$0xCC00] =	vst v63  }
0x17: {  	_ =	swait.ge [sflag:s11], $0x4000  }
0x18: {  	[sflag:s11] =	ssyncset.done $0x0  }
0x19: {  	s15 =	simm.s32 $0x100;
	[sflag:s11] =	ssyncadd.s32 $0xFFFFC000  }
0x1a: {  	[tilespmem:s13], [sflag:$0x2] =	stream.indirect.gather [hbm4b:s3+s8], $0x80, s15, s8, $0xb8;
	[tilespmem:$0xCC00] =	vst v63  }
0x1b: {  	_ =	swait.ge [sflag:s14], $0x4000  }
0x1c: {  	[sflag:s14] =	ssyncset.done $0x0  }
0x1d: {  	s15 =	simm.s32 $0x0;
	[sflag:s14] =	ssyncadd.s32 $0xFFFFC000  }
0x1e: {  	v5 =	vld [tilespmem:s15+$0x4C00]  }
0x1f: {  	v6 =	vld [tilespmem:s15+$0x4C10]  }
0x20: {  	v1 =	vld [tilespmem:s15+$0x4C20]  }
0x21: {  	v0 =	vld [tilespmem:s15+$0x4C30]  }
0x22: {  	v2 =	vld [tilespmem:s15+$0xC00]  }
0x23: {  	v4 =	vld [tilespmem:s15+$0xC10]  }
0x24: {  	s17 =	simm.s32 $0x200;
	v3 =	vld [tilespmem:s15+$0xC20]  }
.LBB2_2:
0x25: {  	s18 =	sshra.s32 s17, $0x2;
	p0 =	sne.s32 s17, $0xFE00;
	v7 =	vld [tilespmem:s15+$0xC30];
	v8 =	vmov v1  }
0x26: {  	v9 =	vld [tilespmem:s18+$0x4C00];
	v10 =	vmov v0  }
0x27: {  	v11 =	vld [tilespmem:s18+$0x4C10];
	v2 =	vadd.f32 v5, v2  }
.Ltmp0:
0x28: {  	v1 =	vld [tilespmem:s18+$0x4C20];
	v4 =	vadd.f32 v6, v4;
	(pc) =	sbr.rel @p0 .LBB2_2-.Ltmp0, $4  }
0x29: {  	v0 =	vld [tilespmem:s18+$0x4C30];
	[tilespmem:s15+$0xC00] =	vst v2;
	v3 =	vadd.f32 v8, v3  }
0x2a: {  	v2 =	vld [tilespmem:s18+$0xC00];
	[tilespmem:s15+$0xC10] =	vst v4;
	v7 =	vadd.f32 v10, v7  }
0x2b: {  	v4 =	vld [tilespmem:s18+$0xC10];
	[tilespmem:s15+$0xC20] =	vst v3;
	v5 =	vmov v9  }
0x2c: {  	s17 =	sadd.s32 $0x200, s17;
	v3 =	vld [tilespmem:s18+$0xC20];
	[tilespmem:s15+$0xC30] =	vst v7;
	v6 =	vmov v11;
	s15 =	smov.u32 s18  }
0x2d: {  	v7 =	vld [tilespmem:s15+$0xC30];
	_ =	sdelay $0x1  }
0x2e: {  	v2 =	vadd.f32 v5, v2  }
0x2f: {  	v4 =	vadd.f32 v6, v4  }
0x30: {  	[tilespmem:s15+$0xC00] =	vst v2;
	v1 =	vadd.f32 v1, v3  }
0x31: {  	[tilespmem:s15+$0xC10] =	vst v4;
	v0 =	vadd.f32 v0, v7  }
0x32: {  	[tilespmem:s15+$0xC20] =	vst v1  }
0x33: {  	s18 =	simm.s32 $0x180;
	[tilespmem:s15+$0xC30] =	vst v0  }
0x34: {  	[tilespmem:s10], [sflag:$0x1] =	stream.indirect.gather [hbm4b:s3+s8], $0x80, s18, s8, $0xb8;
	[tilespmem:$0xCC00] =	vst v63  }
0x35: {  	_ =	swait.ge [sflag:s16], $0x4000  }
0x36: {  	[sflag:s16] =	ssyncset.done $0x0  }
0x37: {  	s15 =	simm.s32 $0x0;
	[sflag:s16] =	ssyncadd.s32 $0xFFFFC000  }
0x38: {  	v5 =	vld [tilespmem:s15+$0x8C00]  }
0x39: {  	v6 =	vld [tilespmem:s15+$0x8C10]  }
0x3a: {  	v1 =	vld [tilespmem:s15+$0x8C20]  }
0x3b: {  	v0 =	vld [tilespmem:s15+$0x8C30]  }
0x3c: {  	v2 =	vld [tilespmem:s15+$0xC00]  }
0x3d: {  	v4 =	vld [tilespmem:s15+$0xC10]  }
0x3e: {  	s17 =	simm.s32 $0x200;
	v3 =	vld [tilespmem:s15+$0xC20]  }
.LBB2_4:
0x3f: {  	s18 =	sshra.s32 s17, $0x2;
	p0 =	sne.s32 s17, $0xFE00;
	v7 =	vld [tilespmem:s15+$0xC30];
	v8 =	vmov v1  }
0x40: {  	v9 =	vld [tilespmem:s18+$0x8C00];
	v10 =	vmov v0  }
0x41: {  	v11 =	vld [tilespmem:s18+$0x8C10];
	v2 =	vadd.f32 v5, v2  }
.Ltmp1:
0x42: {  	v1 =	vld [tilespmem:s18+$0x8C20];
	v4 =	vadd.f32 v6, v4;
	(pc) =	sbr.rel @p0 .LBB2_4-.Ltmp1, $4  }
0x43: {  	v0 =	vld [tilespmem:s18+$0x8C30];
	[tilespmem:s15+$0xC00] =	vst v2;
	v3 =	vadd.f32 v8, v3  }
0x44: {  	v2 =	vld [tilespmem:s18+$0xC00];
	[tilespmem:s15+$0xC10] =	vst v4;
	v7 =	vadd.f32 v10, v7  }
0x45: {  	v4 =	vld [tilespmem:s18+$0xC10];
	[tilespmem:s15+$0xC20] =	vst v3;
	v5 =	vmov v9  }
0x46: {  	s17 =	sadd.s32 $0x200, s17;
	v3 =	vld [tilespmem:s18+$0xC20];
	[tilespmem:s15+$0xC30] =	vst v7;
	v6 =	vmov v11;
	s15 =	smov.u32 s18  }
0x47: {  	v7 =	vld [tilespmem:s15+$0xC30];
	_ =	sdelay $0x1  }
0x48: {  	v2 =	vadd.f32 v5, v2  }
0x49: {  	v4 =	vadd.f32 v6, v4  }
0x4a: {  	[tilespmem:s15+$0xC00] =	vst v2;
	v1 =	vadd.f32 v1, v3  }
0x4b: {  	[tilespmem:s15+$0xC10] =	vst v4;
	v0 =	vadd.f32 v0, v7  }
0x4c: {  	[tilespmem:s15+$0xC20] =	vst v1  }
0x4d: {  	s18 =	simm.s32 $0x200;
	[tilespmem:s15+$0xC30] =	vst v0  }
0x4e: {  	[tilespmem:s13], [sflag:$0x2] =	stream.indirect.gather [hbm4b:s3+s8], $0x80, s18, s8, $0xb8;
	[tilespmem:$0xCC00] =	vst v63  }
0x4f: {  	_ =	swait.ge [sflag:s14], $0x4000  }
0x50: {  	[sflag:s14] =	ssyncset.done $0x0  }
0x51: {  	s15 =	simm.s32 $0x0;
	[sflag:s14] =	ssyncadd.s32 $0xFFFFC000  }
0x52: {  	v5 =	vld [tilespmem:s15+$0x4C00]  }
0x53: {  	v6 =	vld [tilespmem:s15+$0x4C10]  }
0x54: {  	v1 =	vld [tilespmem:s15+$0x4C20]  }
0x55: {  	v0 =	vld [tilespmem:s15+$0x4C30]  }
0x56: {  	v2 =	vld [tilespmem:s15+$0xC00]  }
0x57: {  	v4 =	vld [tilespmem:s15+$0xC10]  }
0x58: {  	s17 =	simm.s32 $0x200;
	v3 =	vld [tilespmem:s15+$0xC20]  }
.LBB2_6:
0x59: {  	s18 =	sshra.s32 s17, $0x2;
	p0 =	sne.s32 s17, $0xFE00;
	v7 =	vld [tilespmem:s15+$0xC30];
	v8 =	vmov v1  }
0x5a: {  	v9 =	vld [tilespmem:s18+$0x4C00];
	v10 =	vmov v0  }
0x5b: {  	v11 =	vld [tilespmem:s18+$0x4C10];
	v2 =	vadd.f32 v5, v2  }
.Ltmp2:
0x5c: {  	v1 =	vld [tilespmem:s18+$0x4C20];
	v4 =	vadd.f32 v6, v4;
	(pc) =	sbr.rel @p0 .LBB2_6-.Ltmp2, $4  }
0x5d: {  	v0 =	vld [tilespmem:s18+$0x4C30];
	[tilespmem:s15+$0xC00] =	vst v2;
	v3 =	vadd.f32 v8, v3  }
0x5e: {  	v2 =	vld [tilespmem:s18+$0xC00];
	[tilespmem:s15+$0xC10] =	vst v4;
	v7 =	vadd.f32 v10, v7  }
0x5f: {  	v4 =	vld [tilespmem:s18+$0xC10];
	[tilespmem:s15+$0xC20] =	vst v3;
	v5 =	vmov v9  }
0x60: {  	s17 =	sadd.s32 $0x200, s17;
	v3 =	vld [tilespmem:s18+$0xC20];
	[tilespmem:s15+$0xC30] =	vst v7;
	v6 =	vmov v11;
	s15 =	smov.u32 s18  }
0x61: {  	v7 =	vld [tilespmem:s15+$0xC30];
	_ =	sdelay $0x1  }
0x62: {  	v2 =	vadd.f32 v5, v2  }
0x63: {  	v4 =	vadd.f32 v6, v4  }
0x64: {  	[tilespmem:s15+$0xC00] =	vst v2;
	v1 =	vadd.f32 v1, v3  }
0x65: {  	[tilespmem:s15+$0xC10] =	vst v4;
	v0 =	vadd.f32 v0, v7  }
0x66: {  	[tilespmem:s15+$0xC20] =	vst v1  }
0x67: {  	s18 =	simm.s32 $0x280;
	[tilespmem:s15+$0xC30] =	vst v0  }
0x68: {  	[tilespmem:s10], [sflag:$0x1] =	stream.indirect.gather [hbm4b:s3+s8], $0x80, s18, s8, $0xb8;
	[tilespmem:$0xCC00] =	vst v63  }
0x69: {  	_ =	swait.ge [sflag:s16], $0x4000  }
0x6a: {  	[sflag:s16] =	ssyncset.done $0x0  }
0x6b: {  	s15 =	simm.s32 $0x0;
	[sflag:s16] =	ssyncadd.s32 $0xFFFFC000  }
0x6c: {  	v5 =	vld [tilespmem:s15+$0x8C00]  }
0x6d: {  	v6 =	vld [tilespmem:s15+$0x8C10]  }
0x6e: {  	v1 =	vld [tilespmem:s15+$0x8C20]  }
0x6f: {  	v0 =	vld [tilespmem:s15+$0x8C30]  }
0x70: {  	v2 =	vld [tilespmem:s15+$0xC00]  }
0x71: {  	v4 =	vld [tilespmem:s15+$0xC10]  }
0x72: {  	s17 =	simm.s32 $0x200;
	v3 =	vld [tilespmem:s15+$0xC20]  }
.LBB2_8:
0x73: {  	s18 =	sshra.s32 s17, $0x2;
	p0 =	sne.s32 s17, $0xFE00;
	v7 =	vld [tilespmem:s15+$0xC30];
	v8 =	vmov v1  }
0x74: {  	v9 =	vld [tilespmem:s18+$0x8C00];
	v10 =	vmov v0  }
0x75: {  	v11 =	vld [tilespmem:s18+$0x8C10];
	v2 =	vadd.f32 v5, v2  }
.Ltmp3:
0x76: {  	v1 =	vld [tilespmem:s18+$0x8C20];
	v4 =	vadd.f32 v6, v4;
	(pc) =	sbr.rel @p0 .LBB2_8-.Ltmp3, $4  }
0x77: {  	v0 =	vld [tilespmem:s18+$0x8C30];
	[tilespmem:s15+$0xC00] =	vst v2;
	v3 =	vadd.f32 v8, v3  }
0x78: {  	v2 =	vld [tilespmem:s18+$0xC00];
	[tilespmem:s15+$0xC10] =	vst v4;
	v7 =	vadd.f32 v10, v7  }
0x79: {  	v4 =	vld [tilespmem:s18+$0xC10];
	[tilespmem:s15+$0xC20] =	vst v3;
	v5 =	vmov v9  }
0x7a: {  	s17 =	sadd.s32 $0x200, s17;
	v3 =	vld [tilespmem:s18+$0xC20];
	[tilespmem:s15+$0xC30] =	vst v7;
	v6 =	vmov v11;
	s15 =	smov.u32 s18  }
0x7b: {  	v7 =	vld [tilespmem:s15+$0xC30];
	_ =	sdelay $0x1  }
0x7c: {  	v2 =	vadd.f32 v5, v2  }
0x7d: {  	v4 =	vadd.f32 v6, v4  }
0x7e: {  	[tilespmem:s15+$0xC00] =	vst v2;
	v1 =	vadd.f32 v1, v3  }
0x7f: {  	[tilespmem:s15+$0xC10] =	vst v4;
	v0 =	vadd.f32 v0, v7  }
0x80: {  	[tilespmem:s15+$0xC20] =	vst v1  }
0x81: {  	[tilespmem:s15+$0xC30] =	vst v0  }
0x82: {  	[tilespmem:s13], [sflag:$0x2] =	stream.indirect.gather [hbm4b:s3+s8], $0x80, s19, s8, $0xb8;
	[tilespmem:$0xCC00] =	vst v63  }
0x83: {  	_ =	swait.ge [sflag:s14], $0x4000  }
0x84: {  	[sflag:s14] =	ssyncset.done $0x0  }
0x85: {  	s15 =	simm.s32 $0x0;
	[sflag:s14] =	ssyncadd.s32 $0xFFFFC000  }
0x86: {  	v5 =	vld [tilespmem:s15+$0x4C00]  }
0x87: {  	v6 =	vld [tilespmem:s15+$0x4C10]  }
0x88: {  	v1 =	vld [tilespmem:s15+$0x4C20]  }
0x89: {  	v0 =	vld [tilespmem:s15+$0x4C30]  }
0x8a: {  	v2 =	vld [tilespmem:s15+$0xC00]  }
0x8b: {  	v4 =	vld [tilespmem:s15+$0xC10]  }
0x8c: {  	s17 =	simm.s32 $0x200;
	v3 =	vld [tilespmem:s15+$0xC20]  }
.LBB2_10:
0x8d: {  	s18 =	sshra.s32 s17, $0x2;
	p0 =	sne.s32 s17, $0xFE00;
	v7 =	vld [tilespmem:s15+$0xC30];
	v8 =	vmov v1  }
0x8e: {  	v9 =	vld [tilespmem:s18+$0x4C00];
	v10 =	vmov v0  }
0x8f: {  	v11 =	vld [tilespmem:s18+$0x4C10];
	v2 =	vadd.f32 v5, v2  }
.Ltmp4:
0x90: {  	v1 =	vld [tilespmem:s18+$0x4C20];
	v4 =	vadd.f32 v6, v4;
	(pc) =	sbr.rel @p0 .LBB2_10-.Ltmp4, $4  }
0x91: {  	v0 =	vld [tilespmem:s18+$0x4C30];
	[tilespmem:s15+$0xC00] =	vst v2;
	v3 =	vadd.f32 v8, v3  }
0x92: {  	v2 =	vld [tilespmem:s18+$0xC00];
	[tilespmem:s15+$0xC10] =	vst v4;
	v7 =	vadd.f32 v10, v7  }
0x93: {  	v4 =	vld [tilespmem:s18+$0xC10];
	[tilespmem:s15+$0xC20] =	vst v3;
	v5 =	vmov v9  }
0x94: {  	s17 =	sadd.s32 $0x200, s17;
	v3 =	vld [tilespmem:s18+$0xC20];
	[tilespmem:s15+$0xC30] =	vst v7;
	v6 =	vmov v11;
	s15 =	smov.u32 s18  }
0x95: {  	v7 =	vld [tilespmem:s15+$0xC30];
	_ =	sdelay $0x1  }
0x96: {  	v2 =	vadd.f32 v5, v2  }
0x97: {  	v4 =	vadd.f32 v6, v4  }
0x98: {  	[tilespmem:s15+$0xC00] =	vst v2;
	v1 =	vadd.f32 v1, v3  }
0x99: {  	[tilespmem:s15+$0xC10] =	vst v4;
	v0 =	vadd.f32 v0, v7  }
0x9a: {  	[tilespmem:s15+$0xC20] =	vst v1  }
0x9b: {  	[tilespmem:s15+$0xC30] =	vst v0  }
0x9c: {  	[tilespmem:s10], [sflag:$0x1] =	stream.indirect.gather [hbm4b:s3+s8], $0x80, s20, s8, $0xb8;
	[tilespmem:$0xCC00] =	vst v63  }
0x9d: {  	_ =	swait.ge [sflag:s16], $0x4000  }
0x9e: {  	[sflag:s16] =	ssyncset.done $0x0  }
0x9f: {  	s15 =	simm.s32 $0x0;
	[sflag:s16] =	ssyncadd.s32 $0xFFFFC000  }
0xa0: {  	v5 =	vld [tilespmem:s15+$0x8C00]  }
0xa1: {  	v6 =	vld [tilespmem:s15+$0x8C10]  }
0xa2: {  	v1 =	vld [tilespmem:s15+$0x8C20]  }
0xa3: {  	v0 =	vld [tilespmem:s15+$0x8C30]  }
0xa4: {  	v2 =	vld [tilespmem:s15+$0xC00]  }
0xa5: {  	v4 =	vld [tilespmem:s15+$0xC10]  }
0xa6: {  	s17 =	simm.s32 $0x200;
	v3 =	vld [tilespmem:s15+$0xC20]  }
.LBB2_12:
0xa7: {  	s18 =	sshra.s32 s17, $0x2;
	p0 =	sne.s32 s17, $0xFE00;
	v7 =	vld [tilespmem:s15+$0xC30];
	v8 =	vmov v1  }
0xa8: {  	v9 =	vld [tilespmem:s18+$0x8C00];
	v10 =	vmov v0  }
0xa9: {  	v11 =	vld [tilespmem:s18+$0x8C10];
	v2 =	vadd.f32 v5, v2  }
.Ltmp5:
0xaa: {  	v1 =	vld [tilespmem:s18+$0x8C20];
	v4 =	vadd.f32 v6, v4;
	(pc) =	sbr.rel @p0 .LBB2_12-.Ltmp5, $4  }
0xab: {  	v0 =	vld [tilespmem:s18+$0x8C30];
	[tilespmem:s15+$0xC00] =	vst v2;
	v3 =	vadd.f32 v8, v3  }
0xac: {  	v2 =	vld [tilespmem:s18+$0xC00];
	[tilespmem:s15+$0xC10] =	vst v4;
	v7 =	vadd.f32 v10, v7  }
0xad: {  	v4 =	vld [tilespmem:s18+$0xC10];
	[tilespmem:s15+$0xC20] =	vst v3;
	v5 =	vmov v9  }
0xae: {  	s17 =	sadd.s32 $0x200, s17;
	v3 =	vld [tilespmem:s18+$0xC20];
	[tilespmem:s15+$0xC30] =	vst v7;
	v6 =	vmov v11;
	s15 =	smov.u32 s18  }
0xaf: {  	v7 =	vld [tilespmem:s15+$0xC30];
	_ =	sdelay $0x1  }
0xb0: {  	v2 =	vadd.f32 v5, v2  }
0xb1: {  	v4 =	vadd.f32 v6, v4  }
0xb2: {  	[tilespmem:s15+$0xC00] =	vst v2;
	v1 =	vadd.f32 v1, v3  }
0xb3: {  	[tilespmem:s15+$0xC10] =	vst v4;
	v0 =	vadd.f32 v0, v7  }
0xb4: {  	[tilespmem:s15+$0xC20] =	vst v1  }
0xb5: {  	[tilespmem:s15+$0xC30] =	vst v0  }
0xb6: {  	[tilespmem:s13], [sflag:$0x2] =	stream.indirect.gather [hbm4b:s3+s8], $0x80, s21, s8, $0xb8;
	[tilespmem:$0xCC00] =	vst v63  }
0xb7: {  	_ =	swait.ge [sflag:s14], $0x4000  }
0xb8: {  	[sflag:s14] =	ssyncset.done $0x0  }
0xb9: {  	s15 =	simm.s32 $0x0;
	[sflag:s14] =	ssyncadd.s32 $0xFFFFC000  }
0xba: {  	v5 =	vld [tilespmem:s15+$0x4C00]  }
0xbb: {  	v6 =	vld [tilespmem:s15+$0x4C10]  }
0xbc: {  	v1 =	vld [tilespmem:s15+$0x4C20]  }
0xbd: {  	v0 =	vld [tilespmem:s15+$0x4C30]  }
0xbe: {  	v2 =	vld [tilespmem:s15+$0xC00]  }
0xbf: {  	v4 =	vld [tilespmem:s15+$0xC10]  }
0xc0: {  	s17 =	simm.s32 $0x200;
	v3 =	vld [tilespmem:s15+$0xC20]  }
.LBB2_14:
0xc1: {  	s18 =	sshra.s32 s17, $0x2;
	p0 =	sne.s32 s17, $0xFE00;
	v7 =	vld [tilespmem:s15+$0xC30];
	v8 =	vmov v1  }
0xc2: {  	v9 =	vld [tilespmem:s18+$0x4C00];
	v10 =	vmov v0  }
0xc3: {  	v11 =	vld [tilespmem:s18+$0x4C10];
	v2 =	vadd.f32 v5, v2  }
.Ltmp6:
0xc4: {  	v1 =	vld [tilespmem:s18+$0x4C20];
	v4 =	vadd.f32 v6, v4;
	(pc) =	sbr.rel @p0 .LBB2_14-.Ltmp6, $4  }
0xc5: {  	v0 =	vld [tilespmem:s18+$0x4C30];
	[tilespmem:s15+$0xC00] =	vst v2;
	v3 =	vadd.f32 v8, v3  }
0xc6: {  	v2 =	vld [tilespmem:s18+$0xC00];
	[tilespmem:s15+$0xC10] =	vst v4;
	v7 =	vadd.f32 v10, v7  }
0xc7: {  	v4 =	vld [tilespmem:s18+$0xC10];
	[tilespmem:s15+$0xC20] =	vst v3;
	v5 =	vmov v9  }
0xc8: {  	s17 =	sadd.s32 $0x200, s17;
	v3 =	vld [tilespmem:s18+$0xC20];
	[tilespmem:s15+$0xC30] =	vst v7;
	v6 =	vmov v11;
	s15 =	smov.u32 s18  }
0xc9: {  	v7 =	vld [tilespmem:s15+$0xC30];
	_ =	sdelay $0x1  }
0xca: {  	v2 =	vadd.f32 v5, v2  }
0xcb: {  	v4 =	vadd.f32 v6, v4  }
0xcc: {  	[tilespmem:s15+$0xC00] =	vst v2;
	v1 =	vadd.f32 v1, v3  }
0xcd: {  	[tilespmem:s15+$0xC10] =	vst v4;
	v0 =	vadd.f32 v0, v7  }
0xce: {  	[tilespmem:s15+$0xC20] =	vst v1  }
0xcf: {  	[tilespmem:s15+$0xC30] =	vst v0  }
0xd0: {  	[tilespmem:s10], [sflag:$0x1] =	stream.indirect.gather [hbm4b:s3+s8], $0x80, s22, s8, $0xb8;
	[tilespmem:$0xCC00] =	vst v63  }
0xd1: {  	_ =	swait.ge [sflag:s16], $0x4000  }
0xd2: {  	[sflag:s16] =	ssyncset.done $0x0  }
0xd3: {  	s15 =	simm.s32 $0x0;
	[sflag:s16] =	ssyncadd.s32 $0xFFFFC000  }
0xd4: {  	v5 =	vld [tilespmem:s15+$0x8C00]  }
0xd5: {  	v6 =	vld [tilespmem:s15+$0x8C10]  }
0xd6: {  	v1 =	vld [tilespmem:s15+$0x8C20]  }
0xd7: {  	v0 =	vld [tilespmem:s15+$0x8C30]  }
0xd8: {  	v2 =	vld [tilespmem:s15+$0xC00]  }
0xd9: {  	v4 =	vld [tilespmem:s15+$0xC10]  }
0xda: {  	s17 =	simm.s32 $0x200;
	v3 =	vld [tilespmem:s15+$0xC20]  }
.LBB2_16:
0xdb: {  	s18 =	sshra.s32 s17, $0x2;
	p0 =	sne.s32 s17, $0xFE00;
	v7 =	vld [tilespmem:s15+$0xC30];
	v8 =	vmov v1  }
0xdc: {  	v9 =	vld [tilespmem:s18+$0x8C00];
	v10 =	vmov v0  }
0xdd: {  	v11 =	vld [tilespmem:s18+$0x8C10];
	v2 =	vadd.f32 v5, v2  }
.Ltmp7:
0xde: {  	v1 =	vld [tilespmem:s18+$0x8C20];
	v4 =	vadd.f32 v6, v4;
	(pc) =	sbr.rel @p0 .LBB2_16-.Ltmp7, $4  }
0xdf: {  	v0 =	vld [tilespmem:s18+$0x8C30];
	[tilespmem:s15+$0xC00] =	vst v2;
	v3 =	vadd.f32 v8, v3  }
0xe0: {  	v2 =	vld [tilespmem:s18+$0xC00];
	[tilespmem:s15+$0xC10] =	vst v4;
	v7 =	vadd.f32 v10, v7  }
0xe1: {  	v4 =	vld [tilespmem:s18+$0xC10];
	[tilespmem:s15+$0xC20] =	vst v3;
	v5 =	vmov v9  }
0xe2: {  	s17 =	sadd.s32 $0x200, s17;
	v3 =	vld [tilespmem:s18+$0xC20];
	[tilespmem:s15+$0xC30] =	vst v7;
	v6 =	vmov v11;
	s15 =	smov.u32 s18  }
0xe3: {  	v7 =	vld [tilespmem:s15+$0xC30];
	_ =	sdelay $0x1  }
0xe4: {  	v2 =	vadd.f32 v5, v2  }
0xe5: {  	v4 =	vadd.f32 v6, v4  }
0xe6: {  	[tilespmem:s15+$0xC00] =	vst v2;
	v1 =	vadd.f32 v1, v3  }
0xe7: {  	[tilespmem:s15+$0xC10] =	vst v4;
	v0 =	vadd.f32 v0, v7  }
0xe8: {  	[tilespmem:s15+$0xC20] =	vst v1  }
0xe9: {  	[tilespmem:s15+$0xC30] =	vst v0  }
0xea: {  	[tilespmem:s13], [sflag:$0x2] =	stream.indirect.gather [hbm4b:s3+s8], $0x80, s23, s8, $0xb8;
	[tilespmem:$0xCC00] =	vst v63  }
0xeb: {  	_ =	swait.ge [sflag:s14], $0x4000  }
0xec: {  	[sflag:s14] =	ssyncset.done $0x0  }
0xed: {  	s15 =	simm.s32 $0x0;
	[sflag:s14] =	ssyncadd.s32 $0xFFFFC000  }
0xee: {  	v5 =	vld [tilespmem:s15+$0x4C00]  }
0xef: {  	v6 =	vld [tilespmem:s15+$0x4C10]  }
0xf0: {  	v1 =	vld [tilespmem:s15+$0x4C20]  }
0xf1: {  	v0 =	vld [tilespmem:s15+$0x4C30]  }
0xf2: {  	v2 =	vld [tilespmem:s15+$0xC00]  }
0xf3: {  	v4 =	vld [tilespmem:s15+$0xC10]  }
0xf4: {  	s17 =	simm.s32 $0x200;
	v3 =	vld [tilespmem:s15+$0xC20]  }
.LBB2_18:
0xf5: {  	s18 =	sshra.s32 s17, $0x2;
	p0 =	sne.s32 s17, $0xFE00;
	v7 =	vld [tilespmem:s15+$0xC30];
	v8 =	vmov v1  }
0xf6: {  	v9 =	vld [tilespmem:s18+$0x4C00];
	v10 =	vmov v0  }
0xf7: {  	v11 =	vld [tilespmem:s18+$0x4C10];
	v2 =	vadd.f32 v5, v2  }
.Ltmp8:
0xf8: {  	v1 =	vld [tilespmem:s18+$0x4C20];
	v4 =	vadd.f32 v6, v4;
	(pc) =	sbr.rel @p0 .LBB2_18-.Ltmp8, $4  }
0xf9: {  	v0 =	vld [tilespmem:s18+$0x4C30];
	[tilespmem:s15+$0xC00] =	vst v2;
	v3 =	vadd.f32 v8, v3  }
0xfa: {  	v2 =	vld [tilespmem:s18+$0xC00];
	[tilespmem:s15+$0xC10] =	vst v4;
	v7 =	vadd.f32 v10, v7  }
0xfb: {  	v4 =	vld [tilespmem:s18+$0xC10];
	[tilespmem:s15+$0xC20] =	vst v3;
	v5 =	vmov v9  }
0xfc: {  	s17 =	sadd.s32 $0x200, s17;
	v3 =	vld [tilespmem:s18+$0xC20];
	[tilespmem:s15+$0xC30] =	vst v7;
	v6 =	vmov v11;
	s15 =	smov.u32 s18  }
0xfd: {  	v7 =	vld [tilespmem:s15+$0xC30];
	_ =	sdelay $0x1  }
0xfe: {  	v2 =	vadd.f32 v5, v2  }
0xff: {  	v4 =	vadd.f32 v6, v4  }
0x100: {  	[tilespmem:s15+$0xC00] =	vst v2;
	v1 =	vadd.f32 v1, v3  }
0x101: {  	[tilespmem:s15+$0xC10] =	vst v4;
	v0 =	vadd.f32 v0, v7  }
0x102: {  	[tilespmem:s15+$0xC20] =	vst v1  }
0x103: {  	[tilespmem:s15+$0xC30] =	vst v0  }
0x104: {  	[tilespmem:s10], [sflag:$0x1] =	stream.indirect.gather [hbm4b:s3+s8], $0x80, s24, s8, $0xb8;
	[tilespmem:$0xCC00] =	vst v63  }
0x105: {  	_ =	swait.ge [sflag:s16], $0x4000  }
0x106: {  	[sflag:s16] =	ssyncset.done $0x0  }
0x107: {  	s15 =	simm.s32 $0x0;
	[sflag:s16] =	ssyncadd.s32 $0xFFFFC000  }
0x108: {  	v5 =	vld [tilespmem:s15+$0x8C00]  }
0x109: {  	v6 =	vld [tilespmem:s15+$0x8C10]  }
0x10a: {  	v1 =	vld [tilespmem:s15+$0x8C20]  }
0x10b: {  	v0 =	vld [tilespmem:s15+$0x8C30]  }
0x10c: {  	v2 =	vld [tilespmem:s15+$0xC00]  }
0x10d: {  	v4 =	vld [tilespmem:s15+$0xC10]  }
0x10e: {  	s17 =	simm.s32 $0x200;
	v3 =	vld [tilespmem:s15+$0xC20]  }
.LBB2_20:
0x10f: {  	s18 =	sshra.s32 s17, $0x2;
	p0 =	sne.s32 s17, $0xFE00;
	v7 =	vld [tilespmem:s15+$0xC30];
	v8 =	vmov v1  }
0x110: {  	v9 =	vld [tilespmem:s18+$0x8C00];
	v10 =	vmov v0  }
0x111: {  	v11 =	vld [tilespmem:s18+$0x8C10];
	v2 =	vadd.f32 v5, v2  }
.Ltmp9:
0x112: {  	v1 =	vld [tilespmem:s18+$0x8C20];
	v4 =	vadd.f32 v6, v4;
	(pc) =	sbr.rel @p0 .LBB2_20-.Ltmp9, $4  }
0x113: {  	v0 =	vld [tilespmem:s18+$0x8C30];
	[tilespmem:s15+$0xC00] =	vst v2;
	v3 =	vadd.f32 v8, v3  }
0x114: {  	v2 =	vld [tilespmem:s18+$0xC00];
	[tilespmem:s15+$0xC10] =	vst v4;
	v7 =	vadd.f32 v10, v7  }
0x115: {  	v4 =	vld [tilespmem:s18+$0xC10];
	[tilespmem:s15+$0xC20] =	vst v3;
	v5 =	vmov v9  }
0x116: {  	s17 =	sadd.s32 $0x200, s17;
	v3 =	vld [tilespmem:s18+$0xC20];
	[tilespmem:s15+$0xC30] =	vst v7;
	v6 =	vmov v11;
	s15 =	smov.u32 s18  }
0x117: {  	v7 =	vld [tilespmem:s15+$0xC30];
	_ =	sdelay $0x1  }
0x118: {  	v2 =	vadd.f32 v5, v2  }
0x119: {  	v4 =	vadd.f32 v6, v4  }
0x11a: {  	[tilespmem:s15+$0xC00] =	vst v2;
	v1 =	vadd.f32 v1, v3  }
0x11b: {  	[tilespmem:s15+$0xC10] =	vst v4;
	v0 =	vadd.f32 v0, v7  }
0x11c: {  	[tilespmem:s15+$0xC20] =	vst v1  }
0x11d: {  	[tilespmem:s15+$0xC30] =	vst v0  }
0x11e: {  	[tilespmem:s13], [sflag:$0x2] =	stream.indirect.gather [hbm4b:s3+s8], $0x80, s25, s8, $0xb8;
	[tilespmem:$0xCC00] =	vst v63  }
0x11f: {  	_ =	swait.ge [sflag:s14], $0x4000  }
0x120: {  	[sflag:s14] =	ssyncset.done $0x0  }
0x121: {  	s15 =	simm.s32 $0x0;
	[sflag:s14] =	ssyncadd.s32 $0xFFFFC000  }
0x122: {  	v5 =	vld [tilespmem:s15+$0x4C00]  }
0x123: {  	v6 =	vld [tilespmem:s15+$0x4C10]  }
0x124: {  	v1 =	vld [tilespmem:s15+$0x4C20]  }
0x125: {  	v0 =	vld [tilespmem:s15+$0x4C30]  }
0x126: {  	v2 =	vld [tilespmem:s15+$0xC00]  }
0x127: {  	v4 =	vld [tilespmem:s15+$0xC10]  }
0x128: {  	s17 =	simm.s32 $0x200;
	v3 =	vld [tilespmem:s15+$0xC20]  }
.LBB2_22:
0x129: {  	s18 =	sshra.s32 s17, $0x2;
	p0 =	sne.s32 s17, $0xFE00;
	v7 =	vld [tilespmem:s15+$0xC30];
	v8 =	vmov v1  }
0x12a: {  	v9 =	vld [tilespmem:s18+$0x4C00];
	v10 =	vmov v0  }
0x12b: {  	v11 =	vld [tilespmem:s18+$0x4C10];
	v2 =	vadd.f32 v5, v2  }
.Ltmp10:
0x12c: {  	v1 =	vld [tilespmem:s18+$0x4C20];
	v4 =	vadd.f32 v6, v4;
	(pc) =	sbr.rel @p0 .LBB2_22-.Ltmp10, $4  }
0x12d: {  	v0 =	vld [tilespmem:s18+$0x4C30];
	[tilespmem:s15+$0xC00] =	vst v2;
	v3 =	vadd.f32 v8, v3  }
0x12e: {  	v2 =	vld [tilespmem:s18+$0xC00];
	[tilespmem:s15+$0xC10] =	vst v4;
	v7 =	vadd.f32 v10, v7  }
0x12f: {  	v4 =	vld [tilespmem:s18+$0xC10];
	[tilespmem:s15+$0xC20] =	vst v3;
	v5 =	vmov v9  }
0x130: {  	s17 =	sadd.s32 $0x200, s17;
	v3 =	vld [tilespmem:s18+$0xC20];
	[tilespmem:s15+$0xC30] =	vst v7;
	v6 =	vmov v11;
	s15 =	smov.u32 s18  }
0x131: {  	v7 =	vld [tilespmem:s15+$0xC30];
	_ =	sdelay $0x1  }
0x132: {  	v2 =	vadd.f32 v5, v2  }
0x133: {  	v4 =	vadd.f32 v6, v4  }
0x134: {  	[tilespmem:s15+$0xC00] =	vst v2;
	v1 =	vadd.f32 v1, v3  }
0x135: {  	[tilespmem:s15+$0xC10] =	vst v4;
	v0 =	vadd.f32 v0, v7  }
0x136: {  	[tilespmem:s15+$0xC20] =	vst v1  }
0x137: {  	[tilespmem:s15+$0xC30] =	vst v0  }
0x138: {  	[tilespmem:s10], [sflag:$0x1] =	stream.indirect.gather [hbm4b:s3+s8], $0x80, s26, s8, $0xb8;
	[tilespmem:$0xCC00] =	vst v63  }
0x139: {  	_ =	swait.ge [sflag:s16], $0x4000  }
0x13a: {  	[sflag:s16] =	ssyncset.done $0x0  }
0x13b: {  	s15 =	simm.s32 $0x0;
	[sflag:s16] =	ssyncadd.s32 $0xFFFFC000  }
0x13c: {  	v5 =	vld [tilespmem:s15+$0x8C00]  }
0x13d: {  	v6 =	vld [tilespmem:s15+$0x8C10]  }
0x13e: {  	v1 =	vld [tilespmem:s15+$0x8C20]  }
0x13f: {  	v0 =	vld [tilespmem:s15+$0x8C30]  }
0x140: {  	v2 =	vld [tilespmem:s15+$0xC00]  }
0x141: {  	v4 =	vld [tilespmem:s15+$0xC10]  }
0x142: {  	s17 =	simm.s32 $0x200;
	v3 =	vld [tilespmem:s15+$0xC20]  }
.LBB2_24:
0x143: {  	s18 =	sshra.s32 s17, $0x2;
	p0 =	sne.s32 s17, $0xFE00;
	v7 =	vld [tilespmem:s15+$0xC30];
	v8 =	vmov v1  }
0x144: {  	v9 =	vld [tilespmem:s18+$0x8C00];
	v10 =	vmov v0  }
0x145: {  	v11 =	vld [tilespmem:s18+$0x8C10];
	v2 =	vadd.f32 v5, v2  }
.Ltmp11:
0x146: {  	v1 =	vld [tilespmem:s18+$0x8C20];
	v4 =	vadd.f32 v6, v4;
	(pc) =	sbr.rel @p0 .LBB2_24-.Ltmp11, $4  }
0x147: {  	v0 =	vld [tilespmem:s18+$0x8C30];
	[tilespmem:s15+$0xC00] =	vst v2;
	v3 =	vadd.f32 v8, v3  }
0x148: {  	v2 =	vld [tilespmem:s18+$0xC00];
	[tilespmem:s15+$0xC10] =	vst v4;
	v7 =	vadd.f32 v10, v7  }
0x149: {  	v4 =	vld [tilespmem:s18+$0xC10];
	[tilespmem:s15+$0xC20] =	vst v3;
	v5 =	vmov v9  }
0x14a: {  	s17 =	sadd.s32 $0x200, s17;
	v3 =	vld [tilespmem:s18+$0xC20];
	[tilespmem:s15+$0xC30] =	vst v7;
	v6 =	vmov v11;
	s15 =	smov.u32 s18  }
0x14b: {  	v7 =	vld [tilespmem:s15+$0xC30];
	_ =	sdelay $0x1  }
0x14c: {  	v2 =	vadd.f32 v5, v2  }
0x14d: {  	v4 =	vadd.f32 v6, v4  }
0x14e: {  	[tilespmem:s15+$0xC00] =	vst v2;
	v1 =	vadd.f32 v1, v3  }
0x14f: {  	[tilespmem:s15+$0xC10] =	vst v4;
	v0 =	vadd.f32 v0, v7  }
0x150: {  	[tilespmem:s15+$0xC20] =	vst v1  }
0x151: {  	[tilespmem:s15+$0xC30] =	vst v0  }
0x152: {  	[tilespmem:s13], [sflag:$0x2] =	stream.indirect.gather [hbm4b:s3+s8], $0x80, s28, s8, $0xb8;
	[tilespmem:$0xCC00] =	vst v63  }
0x153: {  	_ =	swait.ge [sflag:s14], $0x4000  }
0x154: {  	[sflag:s14] =	ssyncset.done $0x0  }
0x155: {  	s15 =	simm.s32 $0x0;
	[sflag:s14] =	ssyncadd.s32 $0xFFFFC000  }
0x156: {  	v5 =	vld [tilespmem:s15+$0x4C00]  }
0x157: {  	v6 =	vld [tilespmem:s15+$0x4C10]  }
0x158: {  	v1 =	vld [tilespmem:s15+$0x4C20]  }
0x159: {  	v0 =	vld [tilespmem:s15+$0x4C30]  }
0x15a: {  	v2 =	vld [tilespmem:s15+$0xC00]  }
0x15b: {  	v4 =	vld [tilespmem:s15+$0xC10]  }
0x15c: {  	s17 =	simm.s32 $0x200;
	v3 =	vld [tilespmem:s15+$0xC20]  }
.LBB2_26:
0x15d: {  	s18 =	sshra.s32 s17, $0x2;
	p0 =	sne.s32 s17, $0xFE00;
	v7 =	vld [tilespmem:s15+$0xC30];
	v8 =	vmov v1  }
0x15e: {  	v9 =	vld [tilespmem:s18+$0x4C00];
	v10 =	vmov v0  }
0x15f: {  	v11 =	vld [tilespmem:s18+$0x4C10];
	v2 =	vadd.f32 v5, v2  }
.Ltmp12:
0x160: {  	v1 =	vld [tilespmem:s18+$0x4C20];
	v4 =	vadd.f32 v6, v4;
	(pc) =	sbr.rel @p0 .LBB2_26-.Ltmp12, $4  }
0x161: {  	v0 =	vld [tilespmem:s18+$0x4C30];
	[tilespmem:s15+$0xC00] =	vst v2;
	v3 =	vadd.f32 v8, v3  }
0x162: {  	v2 =	vld [tilespmem:s18+$0xC00];
	[tilespmem:s15+$0xC10] =	vst v4;
	v7 =	vadd.f32 v10, v7  }
0x163: {  	v4 =	vld [tilespmem:s18+$0xC10];
	[tilespmem:s15+$0xC20] =	vst v3;
	v5 =	vmov v9  }
0x164: {  	s17 =	sadd.s32 $0x200, s17;
	v3 =	vld [tilespmem:s18+$0xC20];
	[tilespmem:s15+$0xC30] =	vst v7;
	v6 =	vmov v11;
	s15 =	smov.u32 s18  }
0x165: {  	v7 =	vld [tilespmem:s15+$0xC30];
	_ =	sdelay $0x1  }
0x166: {  	v2 =	vadd.f32 v5, v2  }
0x167: {  	v4 =	vadd.f32 v6, v4  }
0x168: {  	[tilespmem:s15+$0xC00] =	vst v2;
	v1 =	vadd.f32 v1, v3  }
0x169: {  	[tilespmem:s15+$0xC10] =	vst v4;
	v0 =	vadd.f32 v0, v7  }
0x16a: {  	[tilespmem:s15+$0xC20] =	vst v1  }
0x16b: {  	[tilespmem:s15+$0xC30] =	vst v0  }
0x16c: {  	[tilespmem:s10], [sflag:$0x1] =	stream.indirect.gather [hbm4b:s3+s8], $0x80, s29, s8, $0xb8;
	[tilespmem:$0xCC00] =	vst v63  }
0x16d: {  	_ =	swait.ge [sflag:s16], $0x4000  }
0x16e: {  	[sflag:s16] =	ssyncset.done $0x0  }
0x16f: {  	s15 =	simm.s32 $0x0;
	[sflag:s16] =	ssyncadd.s32 $0xFFFFC000  }
0x170: {  	v5 =	vld [tilespmem:s15+$0x8C00]  }
0x171: {  	v6 =	vld [tilespmem:s15+$0x8C10]  }
0x172: {  	v1 =	vld [tilespmem:s15+$0x8C20]  }
0x173: {  	v0 =	vld [tilespmem:s15+$0x8C30]  }
0x174: {  	v2 =	vld [tilespmem:s15+$0xC00]  }
0x175: {  	v4 =	vld [tilespmem:s15+$0xC10]  }
0x176: {  	s17 =	simm.s32 $0x200;
	v3 =	vld [tilespmem:s15+$0xC20]  }
.LBB2_28:
0x177: {  	s18 =	sshra.s32 s17, $0x2;
	p0 =	sne.s32 s17, $0xFE00;
	v7 =	vld [tilespmem:s15+$0xC30];
	v8 =	vmov v1  }
0x178: {  	v9 =	vld [tilespmem:s18+$0x8C00];
	v10 =	vmov v0  }
0x179: {  	v11 =	vld [tilespmem:s18+$0x8C10];
	v2 =	vadd.f32 v5, v2  }
.Ltmp13:
0x17a: {  	v1 =	vld [tilespmem:s18+$0x8C20];
	v4 =	vadd.f32 v6, v4;
	(pc) =	sbr.rel @p0 .LBB2_28-.Ltmp13, $4  }
0x17b: {  	v0 =	vld [tilespmem:s18+$0x8C30];
	[tilespmem:s15+$0xC00] =	vst v2;
	v3 =	vadd.f32 v8, v3  }
0x17c: {  	v2 =	vld [tilespmem:s18+$0xC00];
	[tilespmem:s15+$0xC10] =	vst v4;
	v7 =	vadd.f32 v10, v7  }
0x17d: {  	v4 =	vld [tilespmem:s18+$0xC10];
	[tilespmem:s15+$0xC20] =	vst v3;
	v5 =	vmov v9  }
0x17e: {  	s17 =	sadd.s32 $0x200, s17;
	v3 =	vld [tilespmem:s18+$0xC20];
	[tilespmem:s15+$0xC30] =	vst v7;
	v6 =	vmov v11;
	s15 =	smov.u32 s18  }
0x17f: {  	v7 =	vld [tilespmem:s15+$0xC30];
	_ =	sdelay $0x1  }
0x180: {  	v2 =	vadd.f32 v5, v2  }
0x181: {  	v4 =	vadd.f32 v6, v4  }
0x182: {  	[tilespmem:s15+$0xC00] =	vst v2;
	v1 =	vadd.f32 v1, v3  }
0x183: {  	[tilespmem:s15+$0xC10] =	vst v4;
	v0 =	vadd.f32 v0, v7  }
0x184: {  	[tilespmem:s15+$0xC20] =	vst v1  }
0x185: {  	[tilespmem:s15+$0xC30] =	vst v0  }
0x186: {  	[tilespmem:s13], [sflag:$0x2] =	stream.indirect.gather [hbm4b:s3+s8], $0x80, s30, s8, $0xb8;
	[tilespmem:$0xCC00] =	vst v63  }
0x187: {  	_ =	swait.ge [sflag:s14], $0x4000  }
0x188: {  	[sflag:s14] =	ssyncset.done $0x0  }
0x189: {  	s15 =	simm.s32 $0x0;
	[sflag:s14] =	ssyncadd.s32 $0xFFFFC000  }
0x18a: {  	v5 =	vld [tilespmem:s15+$0x4C00]  }
0x18b: {  	v6 =	vld [tilespmem:s15+$0x4C10]  }
0x18c: {  	v1 =	vld [tilespmem:s15+$0x4C20]  }
0x18d: {  	v0 =	vld [tilespmem:s15+$0x4C30]  }
0x18e: {  	v2 =	vld [tilespmem:s15+$0xC00]  }
0x18f: {  	v4 =	vld [tilespmem:s15+$0xC10]  }
0x190: {  	s17 =	simm.s32 $0x200;
	v3 =	vld [tilespmem:s15+$0xC20]  }
.LBB2_30:
0x191: {  	s18 =	sshra.s32 s17, $0x2;
	p0 =	sne.s32 s17, $0xFE00;
	v7 =	vld [tilespmem:s15+$0xC30];
	v8 =	vmov v1  }
0x192: {  	v9 =	vld [tilespmem:s18+$0x4C00];
	v10 =	vmov v0  }
0x193: {  	v11 =	vld [tilespmem:s18+$0x4C10];
	v2 =	vadd.f32 v5, v2  }
.Ltmp14:
0x194: {  	v1 =	vld [tilespmem:s18+$0x4C20];
	v4 =	vadd.f32 v6, v4;
	(pc) =	sbr.rel @p0 .LBB2_30-.Ltmp14, $4  }
0x195: {  	v0 =	vld [tilespmem:s18+$0x4C30];
	[tilespmem:s15+$0xC00] =	vst v2;
	v3 =	vadd.f32 v8, v3  }
0x196: {  	v2 =	vld [tilespmem:s18+$0xC00];
	[tilespmem:s15+$0xC10] =	vst v4;
	v7 =	vadd.f32 v10, v7  }
0x197: {  	v4 =	vld [tilespmem:s18+$0xC10];
	[tilespmem:s15+$0xC20] =	vst v3;
	v5 =	vmov v9  }
0x198: {  	s17 =	sadd.s32 $0x200, s17;
	v3 =	vld [tilespmem:s18+$0xC20];
	[tilespmem:s15+$0xC30] =	vst v7;
	v6 =	vmov v11;
	s15 =	smov.u32 s18  }
0x199: {  	v7 =	vld [tilespmem:s15+$0xC30];
	_ =	sdelay $0x1  }
0x19a: {  	v2 =	vadd.f32 v5, v2  }
0x19b: {  	v4 =	vadd.f32 v6, v4  }
0x19c: {  	[tilespmem:s15+$0xC00] =	vst v2;
	v1 =	vadd.f32 v1, v3  }
0x19d: {  	[tilespmem:s15+$0xC10] =	vst v4;
	v0 =	vadd.f32 v0, v7  }
0x19e: {  	[tilespmem:s15+$0xC20] =	vst v1  }
0x19f: {  	[tilespmem:s15+$0xC30] =	vst v0  }
0x1a0: {  	[tilespmem:s10], [sflag:$0x1] =	stream.indirect.gather [hbm4b:s3+s8], $0x80, s31, s8, $0xb8;
	[tilespmem:$0xCC00] =	vst v63  }
0x1a1: {  	_ =	swait.ge [sflag:s16], $0x4000  }
0x1a2: {  	[sflag:s16] =	ssyncset.done $0x0  }
0x1a3: {  	s15 =	simm.s32 $0x0;
	[sflag:s16] =	ssyncadd.s32 $0xFFFFC000  }
0x1a4: {  	v5 =	vld [tilespmem:s15+$0x8C00]  }
0x1a5: {  	v6 =	vld [tilespmem:s15+$0x8C10]  }
0x1a6: {  	v1 =	vld [tilespmem:s15+$0x8C20]  }
0x1a7: {  	v0 =	vld [tilespmem:s15+$0x8C30]  }
0x1a8: {  	v2 =	vld [tilespmem:s15+$0xC00]  }
0x1a9: {  	v4 =	vld [tilespmem:s15+$0xC10]  }
0x1aa: {  	s17 =	simm.s32 $0x200;
	v3 =	vld [tilespmem:s15+$0xC20]  }
.LBB2_32:
0x1ab: {  	s18 =	sshra.s32 s17, $0x2;
	p0 =	sne.s32 s17, $0xFE00;
	v7 =	vld [tilespmem:s15+$0xC30];
	v8 =	vmov v1  }
0x1ac: {  	v9 =	vld [tilespmem:s18+$0x8C00];
	v10 =	vmov v0  }
0x1ad: {  	v11 =	vld [tilespmem:s18+$0x8C10];
	v2 =	vadd.f32 v5, v2  }
.Ltmp15:
0x1ae: {  	v1 =	vld [tilespmem:s18+$0x8C20];
	v4 =	vadd.f32 v6, v4;
	(pc) =	sbr.rel @p0 .LBB2_32-.Ltmp15, $4  }
0x1af: {  	v0 =	vld [tilespmem:s18+$0x8C30];
	[tilespmem:s15+$0xC00] =	vst v2;
	v3 =	vadd.f32 v8, v3  }
0x1b0: {  	v2 =	vld [tilespmem:s18+$0xC00];
	[tilespmem:s15+$0xC10] =	vst v4;
	v7 =	vadd.f32 v10, v7  }
0x1b1: {  	v4 =	vld [tilespmem:s18+$0xC10];
	[tilespmem:s15+$0xC20] =	vst v3;
	v5 =	vmov v9  }
0x1b2: {  	s17 =	sadd.s32 $0x200, s17;
	v3 =	vld [tilespmem:s18+$0xC20];
	[tilespmem:s15+$0xC30] =	vst v7;
	v6 =	vmov v11;
	s15 =	smov.u32 s18  }
0x1b3: {  	v7 =	vld [tilespmem:s15+$0xC30];
	_ =	sdelay $0x1  }
0x1b4: {  	v2 =	vadd.f32 v5, v2  }
0x1b5: {  	v4 =	vadd.f32 v6, v4  }
0x1b6: {  	[tilespmem:s15+$0xC00] =	vst v2;
	v1 =	vadd.f32 v1, v3  }
0x1b7: {  	[tilespmem:s15+$0xC10] =	vst v4;
	v0 =	vadd.f32 v0, v7  }
0x1b8: {  	[tilespmem:s15+$0xC20] =	vst v1  }
0x1b9: {  	[tilespmem:s15+$0xC30] =	vst v0  }
0x1ba: {  	[tilespmem:s13], [sflag:$0x2] =	stream.indirect.gather [hbm4b:s3+s8], $0x80, s1, s8, $0xb8;
	[tilespmem:$0xCC00] =	vst v63  }
0x1bb: {  	_ =	swait.ge [sflag:s14], $0x4000  }
0x1bc: {  	[sflag:s14] =	ssyncset.done $0x0  }
0x1bd: {  	s15 =	simm.s32 $0x0;
	[sflag:s14] =	ssyncadd.s32 $0xFFFFC000  }
0x1be: {  	v5 =	vld [tilespmem:s15+$0x4C00]  }
0x1bf: {  	v6 =	vld [tilespmem:s15+$0x4C10]  }
0x1c0: {  	v1 =	vld [tilespmem:s15+$0x4C20]  }
0x1c1: {  	v0 =	vld [tilespmem:s15+$0x4C30]  }
0x1c2: {  	v2 =	vld [tilespmem:s15+$0xC00]  }
0x1c3: {  	v4 =	vld [tilespmem:s15+$0xC10]  }
0x1c4: {  	s17 =	simm.s32 $0x200;
	v3 =	vld [tilespmem:s15+$0xC20]  }
.LBB2_34:
0x1c5: {  	s18 =	sshra.s32 s17, $0x2;
	p0 =	sne.s32 s17, $0xFE00;
	v7 =	vld [tilespmem:s15+$0xC30];
	v8 =	vmov v1  }
0x1c6: {  	v9 =	vld [tilespmem:s18+$0x4C00];
	v10 =	vmov v0  }
0x1c7: {  	v11 =	vld [tilespmem:s18+$0x4C10];
	v2 =	vadd.f32 v5, v2  }
.Ltmp16:
0x1c8: {  	v1 =	vld [tilespmem:s18+$0x4C20];
	v4 =	vadd.f32 v6, v4;
	(pc) =	sbr.rel @p0 .LBB2_34-.Ltmp16, $4  }
0x1c9: {  	v0 =	vld [tilespmem:s18+$0x4C30];
	[tilespmem:s15+$0xC00] =	vst v2;
	v3 =	vadd.f32 v8, v3  }
0x1ca: {  	v2 =	vld [tilespmem:s18+$0xC00];
	[tilespmem:s15+$0xC10] =	vst v4;
	v7 =	vadd.f32 v10, v7  }
0x1cb: {  	v4 =	vld [tilespmem:s18+$0xC10];
	[tilespmem:s15+$0xC20] =	vst v3;
	v5 =	vmov v9  }
0x1cc: {  	s17 =	sadd.s32 $0x200, s17;
	v3 =	vld [tilespmem:s18+$0xC20];
	[tilespmem:s15+$0xC30] =	vst v7;
	v6 =	vmov v11;
	s15 =	smov.u32 s18  }
0x1cd: {  	v7 =	vld [tilespmem:s15+$0xC30];
	_ =	sdelay $0x1  }
0x1ce: {  	v2 =	vadd.f32 v5, v2  }
0x1cf: {  	v4 =	vadd.f32 v6, v4  }
0x1d0: {  	[tilespmem:s15+$0xC00] =	vst v2;
	v1 =	vadd.f32 v1, v3  }
0x1d1: {  	[tilespmem:s15+$0xC10] =	vst v4;
	v0 =	vadd.f32 v0, v7  }
0x1d2: {  	[tilespmem:s15+$0xC20] =	vst v1  }
0x1d3: {  	[tilespmem:s15+$0xC30] =	vst v0  }
0x1d4: {  	[tilespmem:s10], [sflag:$0x1] =	stream.indirect.gather [hbm4b:s3+s8], $0x80, s0, s8, $0xb8;
	[tilespmem:$0xCC00] =	vst v63  }
0x1d5: {  	_ =	swait.ge [sflag:s16], $0x4000  }
0x1d6: {  	[sflag:s16] =	ssyncset.done $0x0  }
0x1d7: {  	s15 =	simm.s32 $0x0;
	[sflag:s16] =	ssyncadd.s32 $0xFFFFC000  }
0x1d8: {  	v5 =	vld [tilespmem:s15+$0x8C00]  }
0x1d9: {  	v6 =	vld [tilespmem:s15+$0x8C10]  }
0x1da: {  	v1 =	vld [tilespmem:s15+$0x8C20]  }
0x1db: {  	v0 =	vld [tilespmem:s15+$0x8C30]  }
0x1dc: {  	v2 =	vld [tilespmem:s15+$0xC00]  }
0x1dd: {  	v4 =	vld [tilespmem:s15+$0xC10]  }
0x1de: {  	s17 =	simm.s32 $0x200;
	v3 =	vld [tilespmem:s15+$0xC20]  }
.LBB2_36:
0x1df: {  	s18 =	sshra.s32 s17, $0x2;
	p0 =	sne.s32 s17, $0xFE00;
	v7 =	vld [tilespmem:s15+$0xC30];
	v8 =	vmov v1  }
0x1e0: {  	v9 =	vld [tilespmem:s18+$0x8C00];
	v10 =	vmov v0  }
0x1e1: {  	v11 =	vld [tilespmem:s18+$0x8C10];
	v2 =	vadd.f32 v5, v2  }
.Ltmp17:
0x1e2: {  	v1 =	vld [tilespmem:s18+$0x8C20];
	v4 =	vadd.f32 v6, v4;
	(pc) =	sbr.rel @p0 .LBB2_36-.Ltmp17, $4  }
0x1e3: {  	v0 =	vld [tilespmem:s18+$0x8C30];
	[tilespmem:s15+$0xC00] =	vst v2;
	v3 =	vadd.f32 v8, v3  }
0x1e4: {  	v2 =	vld [tilespmem:s18+$0xC00];
	[tilespmem:s15+$0xC10] =	vst v4;
	v7 =	vadd.f32 v10, v7  }
0x1e5: {  	v4 =	vld [tilespmem:s18+$0xC10];
	[tilespmem:s15+$0xC20] =	vst v3;
	v5 =	vmov v9  }
0x1e6: {  	s17 =	sadd.s32 $0x200, s17;
	v3 =	vld [tilespmem:s18+$0xC20];
	[tilespmem:s15+$0xC30] =	vst v7;
	v6 =	vmov v11;
	s15 =	smov.u32 s18  }
0x1e7: {  	v7 =	vld [tilespmem:s15+$0xC30];
	_ =	sdelay $0x1  }
0x1e8: {  	v2 =	vadd.f32 v5, v2  }
0x1e9: {  	v4 =	vadd.f32 v6, v4  }
0x1ea: {  	[tilespmem:s15+$0xC00] =	vst v2;
	v1 =	vadd.f32 v1, v3  }
0x1eb: {  	[tilespmem:s15+$0xC10] =	vst v4;
	v0 =	vadd.f32 v0, v7  }
0x1ec: {  	[tilespmem:s15+$0xC20] =	vst v1  }
0x1ed: {  	[tilespmem:s15+$0xC30] =	vst v0  }
0x1ee: {  	_ =	swait.ge [sflag:s14], $0x4000  }
0x1ef: {  	[sflag:s14] =	ssyncset.done $0x0  }
0x1f0: {  	s15 =	simm.s32 $0x0;
	[sflag:s14] =	ssyncadd.s32 $0xFFFFC000  }
0x1f1: {  	v5 =	vld [tilespmem:s15+$0x4C00]  }
0x1f2: {  	v6 =	vld [tilespmem:s15+$0x4C10]  }
0x1f3: {  	v1 =	vld [tilespmem:s15+$0x4C20]  }
0x1f4: {  	v0 =	vld [tilespmem:s15+$0x4C30]  }
0x1f5: {  	v2 =	vld [tilespmem:s15+$0xC00]  }
0x1f6: {  	v4 =	vld [tilespmem:s15+$0xC10]  }
0x1f7: {  	s17 =	simm.s32 $0x200;
	v3 =	vld [tilespmem:s15+$0xC20]  }
.LBB2_38:
0x1f8: {  	s18 =	sshra.s32 s17, $0x2;
	p0 =	sne.s32 s17, $0xFE00;
	v7 =	vld [tilespmem:s15+$0xC30];
	v8 =	vmov v1  }
0x1f9: {  	v9 =	vld [tilespmem:s18+$0x4C00];
	v10 =	vmov v0  }
0x1fa: {  	v11 =	vld [tilespmem:s18+$0x4C10];
	v2 =	vadd.f32 v5, v2  }
.Ltmp18:
0x1fb: {  	v1 =	vld [tilespmem:s18+$0x4C20];
	v4 =	vadd.f32 v6, v4;
	(pc) =	sbr.rel @p0 .LBB2_38-.Ltmp18, $4  }
0x1fc: {  	v0 =	vld [tilespmem:s18+$0x4C30];
	[tilespmem:s15+$0xC00] =	vst v2;
	v3 =	vadd.f32 v8, v3  }
0x1fd: {  	v2 =	vld [tilespmem:s18+$0xC00];
	[tilespmem:s15+$0xC10] =	vst v4;
	v7 =	vadd.f32 v10, v7  }
0x1fe: {  	v4 =	vld [tilespmem:s18+$0xC10];
	[tilespmem:s15+$0xC20] =	vst v3;
	v5 =	vmov v9  }
0x1ff: {  	s17 =	sadd.s32 $0x200, s17;
	v3 =	vld [tilespmem:s18+$0xC20];
	[tilespmem:s15+$0xC30] =	vst v7;
	v6 =	vmov v11;
	s15 =	smov.u32 s18  }
0x200: {  	v7 =	vld [tilespmem:s15+$0xC30];
	_ =	sdelay $0x1  }
0x201: {  	v2 =	vadd.f32 v5, v2  }
0x202: {  	v4 =	vadd.f32 v6, v4  }
0x203: {  	[tilespmem:s15+$0xC00] =	vst v2;
	v1 =	vadd.f32 v1, v3  }
0x204: {  	s12 =	sadd.s32 $0x1, s12;
	[tilespmem:s15+$0xC10] =	vst v4;
	v0 =	vadd.f32 v0, v7  }
0x205: {  	p0 =	sne.s32 s12, s6;
	[tilespmem:s15+$0xC20] =	vst v1  }
.Ltmp19:
0x206: {  	[tilespmem:s15+$0xC30] =	vst v0;
	(pc) =	sbr.rel @p0 .LBB2_1-.Ltmp19, $4  }
0x207: {  	[hbm4b:s5+s2] =	stream.linear.scatter [tilespmem:s9], [sflag:$0x4], $0x4000, $0x38;
	[tilespmem:$0xCC00] =	vst v63  }
0x208: {  	_ =	swait.ge [sflag:s7], $0x4000  }
0x209: {  	[sflag:s7] =	ssyncset.done $0x0  }
0x20a: {  	[sflag:s7] =	ssyncadd.s32 $0xFFFFC000  }
0x20b: {  	_ =	sfence.sel $0x180000  }
0x20c: {  	[bflag:$0x0] =	sbarrier.arrive $0xFFFF  }
0x20d: {  	_ =	strace $0x90000047  }
0x20e: {  	s0 =	stileid.u32;
	[bflag:$0x2] =	sbarrier.arrive $0xFFFF  }
0x20f: {  	p0 =	sne.s32 s0, $0x0;
	s0 =	rddreg [dreg:$0x2]  }
0x210: {  	s0 =	sadd.s32 @!p0 $0x100000, s0  }
0x211: {  	[sflag:s0] =	ssyncadd.tile.s32 @!p0 $0x1;
	_ =	shalt  }
.Lfunc_end2:
_tile_overlayer_lowered:
.L_overlay_start_2:
0x212: {  	(tag) =	ssettag $0x2  }
0x213: {  	s0 =	rddreg [dreg:$0x0];
	s2 =	stileid.u32  }
0x214: {  	s1 =	rddreg [dreg:$0x1];
	p0 =	sne.s32 s2, $0x0  }
0x215: {  	s3 =	rddreg [dreg:$0x2];
	[bflag:$0x3] =	sbarrier.arrive $0xFFFF;
	s2 =	simm.s32 @!p0 $0x1C04  }
0x216: {  	[timem:s3], [sflag:s2] =	dma.local @!p0 [hbm:s0], s1  }
0x217: {  	s0 =	simm.s32 @!p0 $0x4  }
0x218: {  	_ =	swait.ge @!p0 [sflag:s0], s1  }
0x219: {  	s1 =	ssub.s32 @!p0 $0x0, s1;
	[sflag:s0] =	ssyncset.done @!p0 $0x0  }
0x21a: {  	[sflag:s0] =	ssyncadd.s32 @!p0 s1  }
0x21b: {  	[bflag:$0x3] =	sbarrier.arrive $0xFFFF  }
0x21c: {  	_ =	shalt  }

</sc_bundles>
